<compile_context>
chip_gen: v7x
topology: tpu7x:2x2x1
jax: 0.10.2.dev20260603
libtpu: 0.0.44.dev20260713+nightly
codegen_flags: <defaults>
</compile_context>

<pallas_src>
import functools

import jax
import jax.numpy as jnp
from jax import lax
from jax.experimental import pallas as pl
from jax.experimental.pallas import tpu as pltpu
from jax.experimental.pallas import tpu_sc as plsc

_NC = 2
_NS = 16
_NW = _NC * _NS


def _make_sc_gather(V, D, B, chunk):
    R = B // _NW
    n_chunk = R // chunk
    mesh = plsc.VectorSubcoreMesh(core_axis_name="c", subcore_axis_name="s")

    @functools.partial(
        pl.kernel,
        mesh=mesh,
        compiler_params=pltpu.CompilerParams(use_tc_tiling_on_sc=False),
        out_type=jax.ShapeDtypeStruct((B, D), jnp.float32),
        scratch_types=[
            pltpu.VMEM((n_chunk, chunk), jnp.int32),
            pltpu.VMEM((R, D), jnp.float32),
            pltpu.SemaphoreType.DMA,
            pltpu.SemaphoreType.DMA,
        ],
    )
    def k(table_hbm, idx_hbm, out_hbm, idx_v, rows_v, sem, wsem):
        wid = lax.axis_index("s") * _NC + lax.axis_index("c")
        pltpu.sync_copy(idx_hbm.at[wid], idx_v)
        copies = [
            pltpu.async_copy(
                table_hbm.at[idx_v.at[j]],
                rows_v.at[pl.ds(j * chunk, chunk)],
                sem,
            )
            for j in range(n_chunk)
        ]
        writes = []
        for j, cp in enumerate(copies):
            cp.wait()
            writes.append(pltpu.async_copy(
                rows_v.at[pl.ds(j * chunk, chunk)],
                out_hbm.at[pl.ds(wid * R + j * chunk, chunk)],
                wsem,
            ))
        for wr in writes:
            wr.wait()

    return k


def _sigmoid(x):
    return jax.nn.sigmoid(x)


def _unpack(Xp):
    R2, H2 = Xp.shape
    B, H = 2 * R2, H2 // 2
    i0 = lax.broadcasted_iota(jnp.int32, (B, R2), 0)
    i1 = lax.broadcasted_iota(jnp.int32, (B, R2), 1)
    Re = (i0 == 2 * i1).astype(jnp.float32)
    Ro = (i0 == 2 * i1 + 1).astype(jnp.float32)
    return (jnp.dot(Re, Xp[:, :H], preferred_element_type=jnp.float32)
            + jnp.dot(Ro, Xp[:, H:], preferred_element_type=jnp.float32))


def _lstm_weights(Wih_ref, Whh_ref, bih_ref, bhh_ref):
    bf = jnp.bfloat16
    Wih = Wih_ref[...]
    Whh = Whh_ref[...]
    H = Whh.shape[1]
    Z = jnp.zeros((H, H), jnp.float32)
    cols = []
    for q in range(4):
        wi = Wih[q * H:(q + 1) * H, :].T
        wh = Whh[q * H:(q + 1) * H, :].T
        top = jnp.concatenate(
            [jnp.concatenate([wi, Z], axis=1),
             jnp.concatenate([Z, wi], axis=1)], axis=0)
        bot = jnp.concatenate(
            [jnp.concatenate([wh, Z], axis=1),
             jnp.concatenate([Z, wh], axis=1)], axis=0)
        cols.append(jnp.concatenate([top, bot], axis=0))
    Wblk = jnp.concatenate(cols, axis=1).astype(bf)
    b = (bih_ref[...] + bhh_ref[...]).reshape(1, -1)
    bias2 = jnp.concatenate(
        [jnp.concatenate([b[:, q * H:(q + 1) * H]] * 2, axis=1)
         for q in range(4)], axis=1)
    return Wblk, bias2


def _lstm_scan(seq3_ref, Wblk, bias2, T, B, H):
    B2, H2 = B // 2, 2 * H

    def step(t, carry):
        h, c = carry
        xh = jnp.concatenate([seq3_ref[:, t, :], h], axis=1)
        gates = bias2 + jnp.dot(
            xh.astype(jnp.bfloat16), Wblk, preferred_element_type=jnp.float32
        )
        i = _sigmoid(gates[:, 0 * H2:1 * H2])
        f = _sigmoid(gates[:, 1 * H2:2 * H2])
        g = jnp.tanh(gates[:, 2 * H2:3 * H2])
        o = _sigmoid(gates[:, 3 * H2:4 * H2])
        c = f * c + i * g
        h = o * jnp.tanh(c)
        return (h, c)

    zero = jnp.zeros((B2, H2), dtype=jnp.float32)
    h, _ = lax.fori_loop(0, T, step, (zero, zero), unroll=8)
    return h


def _tc1_body(seq3_ref, conv_ref, Wih_ref, Whh_ref, bih_ref, bhh_ref,
              Wout_ref, bout_ref, W0_ref, W1_ref, emb_ref,
              feat_ref, h_ref, c_ref):
    B, H = h_ref.shape
    del c_ref
    A = emb_ref.shape[0]
    L = seq3_ref.shape[1]
    bf = jnp.bfloat16

    Wblk, bias2 = _lstm_weights(Wih_ref, Whh_ref, bih_ref, bhh_ref)
    h2 = _lstm_scan(seq3_ref, Wblk, bias2, L - 1, B, H)
    WoutT = Wout_ref[...].T
    Z = jnp.zeros_like(WoutT)
    WoutB = jnp.concatenate(
        [jnp.concatenate([WoutT, Z], axis=1),
         jnp.concatenate([Z, WoutT], axis=1)], axis=0).astype(bf)
    case2 = jnp.dot(h2.astype(bf), WoutB, preferred_element_type=jnp.float32)
    case = _unpack(case2) + bout_ref[...].reshape(1, -1)

    cur = conv_ref[:, L - 2:L - 1]
    tgt = conv_ref[:, L - 1:L]
    Gc = (lax.broadcasted_iota(jnp.int32, (B, A), 1) == cur).astype(bf)
    Gt = (lax.broadcasted_iota(jnp.int32, (B, A), 1) == tgt).astype(bf)
    Gd = Gc - Gt

    hd1 = _unpack(seq3_ref[:, L - 2, :] - seq3_ref[:, L - 1, :])

    def att(W_ref, feats, diff):
        wf = jnp.dot(W_ref[...], feats.astype(bf),
                     preferred_element_type=jnp.float32)
        d2 = jnp.sum(diff * diff, axis=1, keepdims=True)
        vals = jnp.exp(-jnp.sqrt(d2))
        wfc = jnp.dot(Gc, wf.astype(bf), preferred_element_type=jnp.float32)
        rhs = jnp.concatenate(
            [vals * wfc, jnp.broadcast_to(vals, wfc.shape)], axis=1
        ).astype(bf)
        dn = lax.dot_general(Gt, rhs, (((0,), (0,)), ((), ())),
                             preferred_element_type=jnp.float32)
        delta = dn[:, :wfc.shape[1]]
        norm = dn[:, wfc.shape[1]:wfc.shape[1] + 1]
        return jnp.maximum(wf + delta / (norm + 1e-12), 0.0)

    x1 = att(W0_ref, emb_ref[...], hd1 + case)
    diff2 = jnp.dot(Gd, x1.astype(bf),
                    preferred_element_type=jnp.float32) + case
    x2 = att(W1_ref, x1, diff2)
    feat_ref[...] = x2


def _tc2_body(seq3_ref, Wih_ref, Whh_ref, bih_ref, bhh_ref,
              Wout_ref, bout_ref, emb_ref, out_ref, h_ref, c_ref):
    B, H = h_ref.shape
    del c_ref
    L = seq3_ref.shape[1]
    bf = jnp.bfloat16

    Wblk, bias2 = _lstm_weights(Wih_ref, Whh_ref, bih_ref, bhh_ref)
    h2 = _lstm_scan(seq3_ref, Wblk, bias2, L - 2, B, H)
    WoutT = Wout_ref[...].T
    Z = jnp.zeros_like(WoutT)
    WoutB = jnp.concatenate(
        [jnp.concatenate([WoutT, Z], axis=1),
         jnp.concatenate([Z, WoutT], axis=1)], axis=0).astype(bf)
    pre_rel2 = jnp.dot(h2.astype(bf), WoutB, preferred_element_type=jnp.float32)
    pre_head2 = seq3_ref[:, L - 1, :]
    pre_emb = _unpack(pre_head2 + pre_rel2) + bout_ref[...].reshape(1, -1)

    emb = emb_ref[...]
    pn = jnp.sum(pre_emb * pre_emb, axis=1, keepdims=True)
    en = jnp.sum(emb * emb, axis=1, keepdims=True)
    lhs = jnp.concatenate(
        [-2.0 * pre_emb, jnp.ones((B, 1), jnp.float32)], axis=1).astype(bf)
    rhsm = jnp.concatenate([emb, en], axis=1).astype(bf)
    d2 = pn + lax.dot_general(lhs, rhsm, (((1,), (1,)), ((), ())),
                              preferred_element_type=jnp.float32)
    out_ref[...] = -jnp.sqrt(jnp.maximum(d2, 0.0))


def kernel(conv_data, emb_table, W0, W1, W_ih, W_hh, b_ih, b_hh, W_out, b_out):
    A, F = emb_table.shape
    B, L = conv_data.shape
    H = W_hh.shape[1]

    conv = conv_data.astype(jnp.int32)
    chunk = 80
    idxp = conv.reshape(B // 2, 2, L).swapaxes(1, 2)
    idx3 = idxp.reshape(_NW, -1, chunk)

    f32 = jnp.float32
    tc1 = pl.pallas_call(
        _tc1_body,
        out_shape=jax.ShapeDtypeStruct((A, F), f32),
        scratch_shapes=[
            pltpu.VMEM((B, H), f32),
            pltpu.VMEM((B, H), f32),
        ],
    )
    tc2 = pl.pallas_call(
        _tc2_body,
        out_shape=jax.ShapeDtypeStruct((B, A), f32),
        scratch_shapes=[
            pltpu.VMEM((B, H), f32),
            pltpu.VMEM((B, H), f32),
        ],
    )

    gather = _make_sc_gather(A, F, B * L, chunk)
    seq1 = gather(emb_table, idx3).reshape(B // 2, L, 2 * F)
    conv_feat = tc1(seq1, conv, W_ih, W_hh, b_ih, b_hh, W_out, b_out,
                    W0.astype(jnp.bfloat16), W1.astype(jnp.bfloat16),
                    emb_table)
    seq2 = gather(conv_feat, idx3).reshape(B // 2, L, 2 * F)
    logits = tc2(seq2, W_ih, W_hh, b_ih, b_hh, W_out, b_out, emb_table)
    return logits

# --- scband reference (transcript-rebuilt; emitter-appended) ---
"""Pipeline reference for scband-sgap-38895223832724 (READ-ONLY COPY).

The authoritative reference and input builder live on the scoring server;
editing this copy changes nothing except your own understanding.
"""

import jax, jax.numpy as jnp
import numpy as np


def setup_inputs(seed: int = 0):
    key = jax.random.key(seed)
    ks = jax.random.split(key, 10)
    A, F, H, B, L = 1024, 64, 64, 512, 50
    conv_data = jax.random.randint(ks[0], (B, L), 0, A)
    emb_table = jax.random.normal(ks[1], (A, F)) * 0.05
    W0 = jax.random.normal(ks[2], (A, A)) * (2.0 / A) ** 0.5
    W1 = jax.random.normal(ks[3], (A, A)) * (2.0 / A) ** 0.5
    W_ih = jax.random.normal(ks[4], (4 * H, F)) * 0.1
    W_hh = jax.random.normal(ks[5], (4 * H, H)) * 0.1
    b_ih = jnp.zeros((4 * H,), dtype=jnp.float32)
    b_hh = jnp.zeros((4 * H,), dtype=jnp.float32)
    W_out = jax.random.normal(ks[6], (F, H)) * 0.1
    b_out = jnp.zeros((F,), dtype=jnp.float32)
    return {"conv_data": conv_data, "emb_table": emb_table, "W0": W0, "W1": W1,
            "W_ih": W_ih, "W_hh": W_hh, "b_ih": b_ih, "b_hh": b_hh,
            "W_out": W_out, "b_out": b_out}


def _lstm_encode(x, W_ih, W_hh, b_ih, b_hh, W_out, b_out):
    # Faithful single-layer batch_first LSTM (PyTorch gate order i,f,g,o) + output Linear on h[-1]
    B, T, F = x.shape
    H = W_hh.shape[1]

    def step(carry, xt):
        h, c = carry
        gates = xt @ W_ih.T + h @ W_hh.T + b_ih + b_hh
        i, f, g, o = jnp.split(gates, 4, axis=1)
        i = jax.nn.sigmoid(i)
        f = jax.nn.sigmoid(f)
        g = jnp.tanh(g)
        o = jax.nn.sigmoid(o)
        c = f * c + i * g
        h = o * jnp.tanh(c)
        return (h, c), None

    h0 = jnp.zeros((B, H), dtype=x.dtype)
    c0 = jnp.zeros((B, H), dtype=x.dtype)
    (h, c), _ = jax.lax.scan(step, (h0, c0), jnp.swapaxes(x, 0, 1))
    return h @ W_out.T + b_out


def _att_layer(W, currents, targets, feats, case_feats):
    # Vectorized version of the per-edge Python loop: scatter-add exp(-dist) into [A, A]
    A = feats.shape[0]
    h_emb = feats[currents]
    t_emb = feats[targets]
    dist = jnp.sqrt(jnp.sum((h_emb + case_feats - t_emb) ** 2, axis=1))
    vals = jnp.exp(-dist)
    att_input = jnp.zeros((A, A), dtype=feats.dtype).at[targets, currents].add(vals)
    norm = jnp.sum(att_input, axis=1, keepdims=True)
    attention = att_input / (norm + 1e-12)
    wf = W @ feats
    return attention @ wf + wf


def _forward(conv_data, emb_table, W0, W1, W_ih, W_hh, b_ih, b_hh, W_out, b_out):
    A = emb_table.shape[0]
    B = conv_data.shape[0]
    activities_features = emb_table  # embedding(arange(A))
    # feature_conv
    seq = emb_table[conv_data[:, :-1]]
    case_features = _lstm_encode(seq, W_ih, W_hh, b_ih, b_hh, W_out, b_out)
    currents = conv_data[:, -2]
    targets = conv_data[:, -1]
    x = jax.nn.relu(_att_layer(W0, currents, targets, activities_features, case_features))
    x = jax.nn.relu(_att_layer(W1, currents, targets, x, case_features))
    conv_feat = x  # dropout p=0.0 -> identity
    # scoring head
    pre_head = conv_feat[targets]
    pre_rel_seq = conv_feat[conv_data[:, :-2]]
    pre_relation = _lstm_encode(pre_rel_seq, W_ih, W_hh, b_ih, b_hh, W_out, b_out)
    pre_emb = pre_head + pre_relation
    pre_emb_r = jnp.repeat(pre_emb, A, axis=0)
    activity_emb = jnp.tile(activities_features, (B, 1))
    logits = -jnp.sqrt(jnp.sum((pre_emb_r - activity_emb) ** 2, axis=1, keepdims=True))
    return logits.reshape(-1, A)


def reference(conv_data, emb_table, W0, W1, W_ih, W_hh, b_ih, b_hh, W_out, b_out):
    return _forward(conv_data, emb_table, W0, W1, W_ih, W_hh, b_ih, b_hh, W_out, b_out)

if __name__ == "__main__":
    import jax
    _d = setup_inputs()
    print(jax.jit(kernel)(*tuple(_d.values())))

</pallas_src>

<mosaic_0001>
#map = affine_map<(d0, d1) -> (0, 0)>
#map1 = affine_map<(d0, d1) -> (0, 0, 0)>
module attributes {stable_mosaic.version = 14 : i64} {
  func.func @k(%arg0: i32, %arg1: i32, %arg2: memref<1024x64xf32, #tpu.memory_space<hbm>>, %arg3: memref<32x10x80xi32, #tpu.memory_space<hbm>>, %arg4: memref<25600x64xf32, #tpu.memory_space<hbm>>, %arg5: memref<10x80xi32, #tpu.memory_space<vmem>>, %arg6: memref<800x64xf32, #tpu.memory_space<vmem>>, %arg7: memref<!tpu.dma_semaphore, #tpu.memory_space<semaphore_mem>>, %arg8: memref<!tpu.dma_semaphore, #tpu.memory_space<semaphore_mem>>) attributes {dimension_semantics = [#tpu.dimension_semantics<core_parallel>, #tpu.dimension_semantics<subcore_parallel>], iteration_bounds = array<i64: 2, 16>, scalar_prefetch = 0 : i64, scratch_operands = 4 : i64, tpu.core_type = #tpu.core_type<sc_vector_subcore>, window_params = [{transform_indices = #map}, {transform_indices = #map1}, {transform_indices = #map}]} {
    %mul3A = arith.constant 2 : i32
    %mul3A_0 = arith.muli %arg1, %mul3A : i32
    %add3A = arith.addi %mul3A_0, %arg0 : i32
    "tpu.region"() ({
      %run_scoped3A = tpu.sem_alloc : memref<!tpu.dma_semaphore, #tpu.memory_space<semaphore_mem>>
      %dma_start3A_439 = arith.constant 0 : i32
      %dma_start3A_440 = arith.constant 0 : i32
      %dma_start3A_441 = tpu.memref_slice %arg3[%add3A, %dma_start3A_439, %dma_start3A_440] : memref<32x10x80xi32, #tpu.memory_space<hbm>> -> memref<1x10x80xi32, #tpu.memory_space<hbm>>
      %dma_start3A_442 = tpu.memref_squeeze %dma_start3A_441 : memref<1x10x80xi32, #tpu.memory_space<hbm>> -> memref<10x80xi32, #tpu.memory_space<hbm>>
      %dma_start3A_443 = arith.constant 0 : i32
      %dma_start3A_444 = arith.constant 0 : i32
      %dma_start3A_445 = tpu.memref_slice %arg3[%add3A, %dma_start3A_443, %dma_start3A_444] : memref<32x10x80xi32, #tpu.memory_space<hbm>> -> memref<1x10x80xi32, #tpu.memory_space<hbm>>
      %dma_start3A_446 = tpu.memref_squeeze %dma_start3A_445 : memref<1x10x80xi32, #tpu.memory_space<hbm>> -> memref<10x80xi32, #tpu.memory_space<hbm>>
      tpu.enqueue_dma source(%dma_start3A_446 : memref<10x80xi32, #tpu.memory_space<hbm>>) target(%arg5 : memref<10x80xi32, #tpu.memory_space<vmem>>) target_semaphore(%run_scoped3A : memref<!tpu.dma_semaphore, #tpu.memory_space<semaphore_mem>>)
      %dma_wait3A_447 = arith.constant 0 : i32
      %dma_wait3A_448 = arith.constant 0 : i32
      %dma_wait3A_449 = tpu.memref_slice %arg3[%add3A, %dma_wait3A_447, %dma_wait3A_448] : memref<32x10x80xi32, #tpu.memory_space<hbm>> -> memref<1x10x80xi32, #tpu.memory_space<hbm>>
      %dma_wait3A_450 = tpu.memref_squeeze %dma_wait3A_449 : memref<1x10x80xi32, #tpu.memory_space<hbm>> -> memref<10x80xi32, #tpu.memory_space<hbm>>
      %dma_wait3A_451 = arith.constant 0 : i32
      %dma_wait3A_452 = arith.constant 0 : i32
      %dma_wait3A_453 = tpu.memref_slice %arg3[%add3A, %dma_wait3A_451, %dma_wait3A_452] : memref<32x10x80xi32, #tpu.memory_space<hbm>> -> memref<1x10x80xi32, #tpu.memory_space<hbm>>
      %dma_wait3A_454 = tpu.memref_squeeze %dma_wait3A_453 : memref<1x10x80xi32, #tpu.memory_space<hbm>> -> memref<10x80xi32, #tpu.memory_space<hbm>>
      tpu.wait_dma2 semaphore(%run_scoped3A : memref<!tpu.dma_semaphore, #tpu.memory_space<semaphore_mem>>) src(%dma_wait3A_454 : memref<10x80xi32, #tpu.memory_space<hbm>>) dst(%arg5 : memref<10x80xi32, #tpu.memory_space<vmem>>)
      tpu.yield
    }) : () -> ()
    %dma_start3A = arith.constant 0 : i32
    %dma_start3A_1 = arith.constant 0 : i32
    %dma_start3A_2 = arith.constant 0 : i32
    %dma_start3A_3 = tpu.memref_slice %arg6[%dma_start3A_1, %dma_start3A_2] : memref<800x64xf32, #tpu.memory_space<vmem>> -> memref<80x64xf32, #tpu.memory_space<vmem>>
    %dma_start3A_4 = arith.constant 0 : i32
    %dma_start3A_5 = tpu.memref_slice %arg5[%dma_start3A, %dma_start3A_4] : memref<10x80xi32, #tpu.memory_space<vmem>> -> memref<1x80xi32, #tpu.memory_space<vmem>>
    %dma_start3A_6 = tpu.memref_squeeze %dma_start3A_5 : memref<1x80xi32, #tpu.memory_space<vmem>> -> memref<80xi32, #tpu.memory_space<vmem>>
    %dma_start3A_7 = arith.constant 0 : i32
    %dma_start3A_8 = arith.constant 0 : i32
    %dma_start3A_9 = tpu.memref_slice %arg2[%dma_start3A_7, %dma_start3A_8] : memref<1024x64xf32, #tpu.memory_space<hbm>> -> memref<1024x64xf32, #tpu.memory_space<hbm>>
    tpu.enqueue_indirect_dma source(%dma_start3A_9 : memref<1024x64xf32, #tpu.memory_space<hbm>>) target(%dma_start3A_3 : memref<80x64xf32, #tpu.memory_space<vmem>>) offsets(%dma_start3A_6 : memref<80xi32, #tpu.memory_space<vmem>>) semaphore(%arg7 : memref<!tpu.dma_semaphore, #tpu.memory_space<semaphore_mem>>)
    %dma_start3A_10 = arith.constant 1 : i32
    %dma_start3A_11 = arith.constant 80 : i32
    %dma_start3A_12 = arith.constant 0 : i32
    %dma_start3A_13 = tpu.memref_slice %arg6[%dma_start3A_11, %dma_start3A_12] : memref<800x64xf32, #tpu.memory_space<vmem>> -> memref<80x64xf32, #tpu.memory_space<vmem>>
    %dma_start3A_14 = arith.constant 0 : i32
    %dma_start3A_15 = tpu.memref_slice %arg5[%dma_start3A_10, %dma_start3A_14] : memref<10x80xi32, #tpu.memory_space<vmem>> -> memref<1x80xi32, #tpu.memory_space<vmem>>
    %dma_start3A_16 = tpu.memref_squeeze %dma_start3A_15 : memref<1x80xi32, #tpu.memory_space<vmem>> -> memref<80xi32, #tpu.memory_space<vmem>>
    %dma_start3A_17 = arith.constant 0 : i32
    %dma_start3A_18 = arith.constant 0 : i32
    %dma_start3A_19 = tpu.memref_slice %arg2[%dma_start3A_17, %dma_start3A_18] : memref<1024x64xf32, #tpu.memory_space<hbm>> -> memref<1024x64xf32, #tpu.memory_space<hbm>>
    tpu.enqueue_indirect_dma source(%dma_start3A_19 : memref<1024x64xf32, #tpu.memory_space<hbm>>) target(%dma_start3A_13 : memref<80x64xf32, #tpu.memory_space<vmem>>) offsets(%dma_start3A_16 : memref<80xi32, #tpu.memory_space<vmem>>) semaphore(%arg7 : memref<!tpu.dma_semaphore, #tpu.memory_space<semaphore_mem>>)
    %dma_start3A_20 = arith.constant 2 : i32
    %dma_start3A_21 = arith.constant 160 : i32
    %dma_start3A_22 = arith.constant 0 : i32
    %dma_start3A_23 = tpu.memref_slice %arg6[%dma_start3A_21, %dma_start3A_22] : memref<800x64xf32, #tpu.memory_space<vmem>> -> memref<80x64xf32, #tpu.memory_space<vmem>>
    %dma_start3A_24 = arith.constant 0 : i32
    %dma_start3A_25 = tpu.memref_slice %arg5[%dma_start3A_20, %dma_start3A_24] : memref<10x80xi32, #tpu.memory_space<vmem>> -> memref<1x80xi32, #tpu.memory_space<vmem>>
    %dma_start3A_26 = tpu.memref_squeeze %dma_start3A_25 : memref<1x80xi32, #tpu.memory_space<vmem>> -> memref<80xi32, #tpu.memory_space<vmem>>
    %dma_start3A_27 = arith.constant 0 : i32
    %dma_start3A_28 = arith.constant 0 : i32
    %dma_start3A_29 = tpu.memref_slice %arg2[%dma_start3A_27, %dma_start3A_28] : memref<1024x64xf32, #tpu.memory_space<hbm>> -> memref<1024x64xf32, #tpu.memory_space<hbm>>
    tpu.enqueue_indirect_dma source(%dma_start3A_29 : memref<1024x64xf32, #tpu.memory_space<hbm>>) target(%dma_start3A_23 : memref<80x64xf32, #tpu.memory_space<vmem>>) offsets(%dma_start3A_26 : memref<80xi32, #tpu.memory_space<vmem>>) semaphore(%arg7 : memref<!tpu.dma_semaphore, #tpu.memory_space<semaphore_mem>>)
    %dma_start3A_30 = arith.constant 3 : i32
    %dma_start3A_31 = arith.constant 240 : i32
    %dma_start3A_32 = arith.constant 0 : i32
    %dma_start3A_33 = tpu.memref_slice %arg6[%dma_start3A_31, %dma_start3A_32] : memref<800x64xf32, #tpu.memory_space<vmem>> -> memref<80x64xf32, #tpu.memory_space<vmem>>
    %dma_start3A_34 = arith.constant 0 : i32
    %dma_start3A_35 = tpu.memref_slice %arg5[%dma_start3A_30, %dma_start3A_34] : memref<10x80xi32, #tpu.memory_space<vmem>> -> memref<1x80xi32, #tpu.memory_space<vmem>>
    %dma_start3A_36 = tpu.memref_squeeze %dma_start3A_35 : memref<1x80xi32, #tpu.memory_space<vmem>> -> memref<80xi32, #tpu.memory_space<vmem>>
    %dma_start3A_37 = arith.constant 0 : i32
    %dma_start3A_38 = arith.constant 0 : i32
    %dma_start3A_39 = tpu.memref_slice %arg2[%dma_start3A_37, %dma_start3A_38] : memref<1024x64xf32, #tpu.memory_space<hbm>> -> memref<1024x64xf32, #tpu.memory_space<hbm>>
    tpu.enqueue_indirect_dma source(%dma_start3A_39 : memref<1024x64xf32, #tpu.memory_space<hbm>>) target(%dma_start3A_33 : memref<80x64xf32, #tpu.memory_space<vmem>>) offsets(%dma_start3A_36 : memref<80xi32, #tpu.memory_space<vmem>>) semaphore(%arg7 : memref<!tpu.dma_semaphore, #tpu.memory_space<semaphore_mem>>)
    %dma_start3A_40 = arith.constant 4 : i32
    %dma_start3A_41 = arith.constant 320 : i32
    %dma_start3A_42 = arith.constant 0 : i32
    %dma_start3A_43 = tpu.memref_slice %arg6[%dma_start3A_41, %dma_start3A_42] : memref<800x64xf32, #tpu.memory_space<vmem>> -> memref<80x64xf32, #tpu.memory_space<vmem>>
    %dma_start3A_44 = arith.constant 0 : i32
    %dma_start3A_45 = tpu.memref_slice %arg5[%dma_start3A_40, %dma_start3A_44] : memref<10x80xi32, #tpu.memory_space<vmem>> -> memref<1x80xi32, #tpu.memory_space<vmem>>
    %dma_start3A_46 = tpu.memref_squeeze %dma_start3A_45 : memref<1x80xi32, #tpu.memory_space<vmem>> -> memref<80xi32, #tpu.memory_space<vmem>>
    %dma_start3A_47 = arith.constant 0 : i32
    %dma_start3A_48 = arith.constant 0 : i32
    %dma_start3A_49 = tpu.memref_slice %arg2[%dma_start3A_47, %dma_start3A_48] : memref<1024x64xf32, #tpu.memory_space<hbm>> -> memref<1024x64xf32, #tpu.memory_space<hbm>>
    tpu.enqueue_indirect_dma source(%dma_start3A_49 : memref<1024x64xf32, #tpu.memory_space<hbm>>) target(%dma_start3A_43 : memref<80x64xf32, #tpu.memory_space<vmem>>) offsets(%dma_start3A_46 : memref<80xi32, #tpu.memory_space<vmem>>) semaphore(%arg7 : memref<!tpu.dma_semaphore, #tpu.memory_space<semaphore_mem>>)
    %dma_start3A_50 = arith.constant 5 : i32
    %dma_start3A_51 = arith.constant 400 : i32
    %dma_start3A_52 = arith.constant 0 : i32
    %dma_start3A_53 = tpu.memref_slice %arg6[%dma_start3A_51, %dma_start3A_52] : memref<800x64xf32, #tpu.memory_space<vmem>> -> memref<80x64xf32, #tpu.memory_space<vmem>>
    %dma_start3A_54 = arith.constant 0 : i32
    %dma_start3A_55 = tpu.memref_slice %arg5[%dma_start3A_50, %dma_start3A_54] : memref<10x80xi32, #tpu.memory_space<vmem>> -> memref<1x80xi32, #tpu.memory_space<vmem>>
    %dma_start3A_56 = tpu.memref_squeeze %dma_start3A_55 : memref<1x80xi32, #tpu.memory_space<vmem>> -> memref<80xi32, #tpu.memory_space<vmem>>
    %dma_start3A_57 = arith.constant 0 : i32
    %dma_start3A_58 = arith.constant 0 : i32
    %dma_start3A_59 = tpu.memref_slice %arg2[%dma_start3A_57, %dma_start3A_58] : memref<1024x64xf32, #tpu.memory_space<hbm>> -> memref<1024x64xf32, #tpu.memory_space<hbm>>
    tpu.enqueue_indirect_dma source(%dma_start3A_59 : memref<1024x64xf32, #tpu.memory_space<hbm>>) target(%dma_start3A_53 : memref<80x64xf32, #tpu.memory_space<vmem>>) offsets(%dma_start3A_56 : memref<80xi32, #tpu.memory_space<vmem>>) semaphore(%arg7 : memref<!tpu.dma_semaphore, #tpu.memory_space<semaphore_mem>>)
    %dma_start3A_60 = arith.constant 6 : i32
    %dma_start3A_61 = arith.constant 480 : i32
    %dma_start3A_62 = arith.constant 0 : i32
    %dma_start3A_63 = tpu.memref_slice %arg6[%dma_start3A_61, %dma_start3A_62] : memref<800x64xf32, #tpu.memory_space<vmem>> -> memref<80x64xf32, #tpu.memory_space<vmem>>
    %dma_start3A_64 = arith.constant 0 : i32
    %dma_start3A_65 = tpu.memref_slice %arg5[%dma_start3A_60, %dma_start3A_64] : memref<10x80xi32, #tpu.memory_space<vmem>> -> memref<1x80xi32, #tpu.memory_space<vmem>>
    %dma_start3A_66 = tpu.memref_squeeze %dma_start3A_65 : memref<1x80xi32, #tpu.memory_space<vmem>> -> memref<80xi32, #tpu.memory_space<vmem>>
    %dma_start3A_67 = arith.constant 0 : i32
    %dma_start3A_68 = arith.constant 0 : i32
    %dma_start3A_69 = tpu.memref_slice %arg2[%dma_start3A_67, %dma_start3A_68] : memref<1024x64xf32, #tpu.memory_space<hbm>> -> memref<1024x64xf32, #tpu.memory_space<hbm>>
    tpu.enqueue_indirect_dma source(%dma_start3A_69 : memref<1024x64xf32, #tpu.memory_space<hbm>>) target(%dma_start3A_63 : memref<80x64xf32, #tpu.memory_space<vmem>>) offsets(%dma_start3A_66 : memref<80xi32, #tpu.memory_space<vmem>>) semaphore(%arg7 : memref<!tpu.dma_semaphore, #tpu.memory_space<semaphore_mem>>)
    %dma_start3A_70 = arith.constant 7 : i32
    %dma_start3A_71 = arith.constant 560 : i32
    %dma_start3A_72 = arith.constant 0 : i32
    %dma_start3A_73 = tpu.memref_slice %arg6[%dma_start3A_71, %dma_start3A_72] : memref<800x64xf32, #tpu.memory_space<vmem>> -> memref<80x64xf32, #tpu.memory_space<vmem>>
    %dma_start3A_74 = arith.constant 0 : i32
    %dma_start3A_75 = tpu.memref_slice %arg5[%dma_start3A_70, %dma_start3A_74] : memref<10x80xi32, #tpu.memory_space<vmem>> -> memref<1x80xi32, #tpu.memory_space<vmem>>
    %dma_start3A_76 = tpu.memref_squeeze %dma_start3A_75 : memref<1x80xi32, #tpu.memory_space<vmem>> -> memref<80xi32, #tpu.memory_space<vmem>>
    %dma_start3A_77 = arith.constant 0 : i32
    %dma_start3A_78 = arith.constant 0 : i32
    %dma_start3A_79 = tpu.memref_slice %arg2[%dma_start3A_77, %dma_start3A_78] : memref<1024x64xf32, #tpu.memory_space<hbm>> -> memref<1024x64xf32, #tpu.memory_space<hbm>>
    tpu.enqueue_indirect_dma source(%dma_start3A_79 : memref<1024x64xf32, #tpu.memory_space<hbm>>) target(%dma_start3A_73 : memref<80x64xf32, #tpu.memory_space<vmem>>) offsets(%dma_start3A_76 : memref<80xi32, #tpu.memory_space<vmem>>) semaphore(%arg7 : memref<!tpu.dma_semaphore, #tpu.memory_space<semaphore_mem>>)
    %dma_start3A_80 = arith.constant 8 : i32
    %dma_start3A_81 = arith.constant 640 : i32
    %dma_start3A_82 = arith.constant 0 : i32
    %dma_start3A_83 = tpu.memref_slice %arg6[%dma_start3A_81, %dma_start3A_82] : memref<800x64xf32, #tpu.memory_space<vmem>> -> memref<80x64xf32, #tpu.memory_space<vmem>>
    %dma_start3A_84 = arith.constant 0 : i32
    %dma_start3A_85 = tpu.memref_slice %arg5[%dma_start3A_80, %dma_start3A_84] : memref<10x80xi32, #tpu.memory_space<vmem>> -> memref<1x80xi32, #tpu.memory_space<vmem>>
    %dma_start3A_86 = tpu.memref_squeeze %dma_start3A_85 : memref<1x80xi32, #tpu.memory_space<vmem>> -> memref<80xi32, #tpu.memory_space<vmem>>
    %dma_start3A_87 = arith.constant 0 : i32
    %dma_start3A_88 = arith.constant 0 : i32
    %dma_start3A_89 = tpu.memref_slice %arg2[%dma_start3A_87, %dma_start3A_88] : memref<1024x64xf32, #tpu.memory_space<hbm>> -> memref<1024x64xf32, #tpu.memory_space<hbm>>
    tpu.enqueue_indirect_dma source(%dma_start3A_89 : memref<1024x64xf32, #tpu.memory_space<hbm>>) target(%dma_start3A_83 : memref<80x64xf32, #tpu.memory_space<vmem>>) offsets(%dma_start3A_86 : memref<80xi32, #tpu.memory_space<vmem>>) semaphore(%arg7 : memref<!tpu.dma_semaphore, #tpu.memory_space<semaphore_mem>>)
    %dma_start3A_90 = arith.constant 9 : i32
    %dma_start3A_91 = arith.constant 720 : i32
    %dma_start3A_92 = arith.constant 0 : i32
    %dma_start3A_93 = tpu.memref_slice %arg6[%dma_start3A_91, %dma_start3A_92] : memref<800x64xf32, #tpu.memory_space<vmem>> -> memref<80x64xf32, #tpu.memory_space<vmem>>
    %dma_start3A_94 = arith.constant 0 : i32
    %dma_start3A_95 = tpu.memref_slice %arg5[%dma_start3A_90, %dma_start3A_94] : memref<10x80xi32, #tpu.memory_space<vmem>> -> memref<1x80xi32, #tpu.memory_space<vmem>>
    %dma_start3A_96 = tpu.memref_squeeze %dma_start3A_95 : memref<1x80xi32, #tpu.memory_space<vmem>> -> memref<80xi32, #tpu.memory_space<vmem>>
    %dma_start3A_97 = arith.constant 0 : i32
    %dma_start3A_98 = arith.constant 0 : i32
    %dma_start3A_99 = tpu.memref_slice %arg2[%dma_start3A_97, %dma_start3A_98] : memref<1024x64xf32, #tpu.memory_space<hbm>> -> memref<1024x64xf32, #tpu.memory_space<hbm>>
    tpu.enqueue_indirect_dma source(%dma_start3A_99 : memref<1024x64xf32, #tpu.memory_space<hbm>>) target(%dma_start3A_93 : memref<80x64xf32, #tpu.memory_space<vmem>>) offsets(%dma_start3A_96 : memref<80xi32, #tpu.memory_space<vmem>>) semaphore(%arg7 : memref<!tpu.dma_semaphore, #tpu.memory_space<semaphore_mem>>)
    %dma_wait3A = arith.constant 0 : i32
    %dma_wait3A_100 = arith.constant 0 : i32
    %dma_wait3A_101 = arith.constant 0 : i32
    %dma_wait3A_102 = tpu.memref_slice %arg6[%dma_wait3A_100, %dma_wait3A_101] : memref<800x64xf32, #tpu.memory_space<vmem>> -> memref<80x64xf32, #tpu.memory_space<vmem>>
    %dma_wait3A_103 = arith.constant 0 : i32
    %dma_wait3A_104 = tpu.memref_slice %arg5[%dma_wait3A, %dma_wait3A_103] : memref<10x80xi32, #tpu.memory_space<vmem>> -> memref<1x80xi32, #tpu.memory_space<vmem>>
    %dma_wait3A_105 = tpu.memref_squeeze %dma_wait3A_104 : memref<1x80xi32, #tpu.memory_space<vmem>> -> memref<80xi32, #tpu.memory_space<vmem>>
    %dma_wait3A_106 = arith.constant 0 : i32
    %dma_wait3A_107 = arith.constant 0 : i32
    %dma_wait3A_108 = tpu.memref_slice %arg2[%dma_wait3A_106, %dma_wait3A_107] : memref<1024x64xf32, #tpu.memory_space<hbm>> -> memref<1024x64xf32, #tpu.memory_space<hbm>>
    tpu.wait_indirect_dma semaphore(%arg7 : memref<!tpu.dma_semaphore, #tpu.memory_space<semaphore_mem>>) src(%dma_wait3A_108 : memref<1024x64xf32, #tpu.memory_space<hbm>>) dst(%dma_wait3A_102 : memref<80x64xf32, #tpu.memory_space<vmem>>)
    %mul3A_109 = arith.constant 800 : i32
    %mul3A_110 = arith.muli %add3A, %mul3A_109 : i32
    %add3A_111 = arith.constant 0 : i32
    %add3A_112 = arith.addi %mul3A_110, %add3A_111 : i32
    %dma_start3A_113 = arith.constant 0 : i32
    %dma_start3A_114 = arith.constant 0 : i32
    %dma_start3A_115 = tpu.memref_slice %arg6[%dma_start3A_113, %dma_start3A_114] : memref<800x64xf32, #tpu.memory_space<vmem>> -> memref<80x64xf32, #tpu.memory_space<vmem>>
    %dma_start3A_116 = arith.constant 0 : i32
    %dma_start3A_117 = tpu.memref_slice %arg4[%add3A_112, %dma_start3A_116] : memref<25600x64xf32, #tpu.memory_space<hbm>> -> memref<80x64xf32, #tpu.memory_space<hbm>>
    %dma_start3A_118 = arith.constant 0 : i32
    %dma_start3A_119 = tpu.memref_slice %arg4[%add3A_112, %dma_start3A_118] : memref<25600x64xf32, #tpu.memory_space<hbm>> -> memref<80x64xf32, #tpu.memory_space<hbm>>
    %dma_start3A_120 = arith.constant 0 : i32
    %dma_start3A_121 = arith.constant 0 : i32
    %dma_start3A_122 = tpu.memref_slice %arg6[%dma_start3A_120, %dma_start3A_121] : memref<800x64xf32, #tpu.memory_space<vmem>> -> memref<80x64xf32, #tpu.memory_space<vmem>>
    tpu.enqueue_dma source(%dma_start3A_122 : memref<80x64xf32, #tpu.memory_space<vmem>>) target(%dma_start3A_119 : memref<80x64xf32, #tpu.memory_space<hbm>>) target_semaphore(%arg8 : memref<!tpu.dma_semaphore, #tpu.memory_space<semaphore_mem>>)
    %dma_wait3A_123 = arith.constant 1 : i32
    %dma_wait3A_124 = arith.constant 80 : i32
    %dma_wait3A_125 = arith.constant 0 : i32
    %dma_wait3A_126 = tpu.memref_slice %arg6[%dma_wait3A_124, %dma_wait3A_125] : memref<800x64xf32, #tpu.memory_space<vmem>> -> memref<80x64xf32, #tpu.memory_space<vmem>>
    %dma_wait3A_127 = arith.constant 0 : i32
    %dma_wait3A_128 = tpu.memref_slice %arg5[%dma_wait3A_123, %dma_wait3A_127] : memref<10x80xi32, #tpu.memory_space<vmem>> -> memref<1x80xi32, #tpu.memory_space<vmem>>
    %dma_wait3A_129 = tpu.memref_squeeze %dma_wait3A_128 : memref<1x80xi32, #tpu.memory_space<vmem>> -> memref<80xi32, #tpu.memory_space<vmem>>
    %dma_wait3A_130 = arith.constant 0 : i32
    %dma_wait3A_131 = arith.constant 0 : i32
    %dma_wait3A_132 = tpu.memref_slice %arg2[%dma_wait3A_130, %dma_wait3A_131] : memref<1024x64xf32, #tpu.memory_space<hbm>> -> memref<1024x64xf32, #tpu.memory_space<hbm>>
    tpu.wait_indirect_dma semaphore(%arg7 : memref<!tpu.dma_semaphore, #tpu.memory_space<semaphore_mem>>) src(%dma_wait3A_132 : memref<1024x64xf32, #tpu.memory_space<hbm>>) dst(%dma_wait3A_126 : memref<80x64xf32, #tpu.memory_space<vmem>>)
    %mul3A_133 = arith.constant 800 : i32
    %mul3A_134 = arith.muli %add3A, %mul3A_133 : i32
    %add3A_135 = arith.constant 80 : i32
    %add3A_136 = arith.addi %mul3A_134, %add3A_135 : i32
    %dma_start3A_137 = arith.constant 80 : i32
    %dma_start3A_138 = arith.constant 0 : i32
    %dma_start3A_139 = tpu.memref_slice %arg6[%dma_start3A_137, %dma_start3A_138] : memref<800x64xf32, #tpu.memory_space<vmem>> -> memref<80x64xf32, #tpu.memory_space<vmem>>
    %dma_start3A_140 = arith.constant 0 : i32
    %dma_start3A_141 = tpu.memref_slice %arg4[%add3A_136, %dma_start3A_140] : memref<25600x64xf32, #tpu.memory_space<hbm>> -> memref<80x64xf32, #tpu.memory_space<hbm>>
    %dma_start3A_142 = arith.constant 0 : i32
    %dma_start3A_143 = tpu.memref_slice %arg4[%add3A_136, %dma_start3A_142] : memref<25600x64xf32, #tpu.memory_space<hbm>> -> memref<80x64xf32, #tpu.memory_space<hbm>>
    %dma_start3A_144 = arith.constant 80 : i32
    %dma_start3A_145 = arith.constant 0 : i32
    %dma_start3A_146 = tpu.memref_slice %arg6[%dma_start3A_144, %dma_start3A_145] : memref<800x64xf32, #tpu.memory_space<vmem>> -> memref<80x64xf32, #tpu.memory_space<vmem>>
    tpu.enqueue_dma source(%dma_start3A_146 : memref<80x64xf32, #tpu.memory_space<vmem>>) target(%dma_start3A_143 : memref<80x64xf32, #tpu.memory_space<hbm>>) target_semaphore(%arg8 : memref<!tpu.dma_semaphore, #tpu.memory_space<semaphore_mem>>)
    %dma_wait3A_147 = arith.constant 2 : i32
    %dma_wait3A_148 = arith.constant 160 : i32
    %dma_wait3A_149 = arith.constant 0 : i32
    %dma_wait3A_150 = tpu.memref_slice %arg6[%dma_wait3A_148, %dma_wait3A_149] : memref<800x64xf32, #tpu.memory_space<vmem>> -> memref<80x64xf32, #tpu.memory_space<vmem>>
    %dma_wait3A_151 = arith.constant 0 : i32
    %dma_wait3A_152 = tpu.memref_slice %arg5[%dma_wait3A_147, %dma_wait3A_151] : memref<10x80xi32, #tpu.memory_space<vmem>> -> memref<1x80xi32, #tpu.memory_space<vmem>>
    %dma_wait3A_153 = tpu.memref_squeeze %dma_wait3A_152 : memref<1x80xi32, #tpu.memory_space<vmem>> -> memref<80xi32, #tpu.memory_space<vmem>>
    %dma_wait3A_154 = arith.constant 0 : i32
    %dma_wait3A_155 = arith.constant 0 : i32
    %dma_wait3A_156 = tpu.memref_slice %arg2[%dma_wait3A_154, %dma_wait3A_155] : memref<1024x64xf32, #tpu.memory_space<hbm>> -> memref<1024x64xf32, #tpu.memory_space<hbm>>
    tpu.wait_indirect_dma semaphore(%arg7 : memref<!tpu.dma_semaphore, #tpu.memory_space<semaphore_mem>>) src(%dma_wait3A_156 : memref<1024x64xf32, #tpu.memory_space<hbm>>) dst(%dma_wait3A_150 : memref<80x64xf32, #tpu.memory_space<vmem>>)
    %mul3A_157 = arith.constant 800 : i32
    %mul3A_158 = arith.muli %add3A, %mul3A_157 : i32
    %add3A_159 = arith.constant 160 : i32
    %add3A_160 = arith.addi %mul3A_158, %add3A_159 : i32
    %dma_start3A_161 = arith.constant 160 : i32
    %dma_start3A_162 = arith.constant 0 : i32
    %dma_start3A_163 = tpu.memref_slice %arg6[%dma_start3A_161, %dma_start3A_162] : memref<800x64xf32, #tpu.memory_space<vmem>> -> memref<80x64xf32, #tpu.memory_space<vmem>>
    %dma_start3A_164 = arith.constant 0 : i32
    %dma_start3A_165 = tpu.memref_slice %arg4[%add3A_160, %dma_start3A_164] : memref<25600x64xf32, #tpu.memory_space<hbm>> -> memref<80x64xf32, #tpu.memory_space<hbm>>
    %dma_start3A_166 = arith.constant 0 : i32
    %dma_start3A_167 = tpu.memref_slice %arg4[%add3A_160, %dma_start3A_166] : memref<25600x64xf32, #tpu.memory_space<hbm>> -> memref<80x64xf32, #tpu.memory_space<hbm>>
    %dma_start3A_168 = arith.constant 160 : i32
    %dma_start3A_169 = arith.constant 0 : i32
    %dma_start3A_170 = tpu.memref_slice %arg6[%dma_start3A_168, %dma_start3A_169] : memref<800x64xf32, #tpu.memory_space<vmem>> -> memref<80x64xf32, #tpu.memory_space<vmem>>
    tpu.enqueue_dma source(%dma_start3A_170 : memref<80x64xf32, #tpu.memory_space<vmem>>) target(%dma_start3A_167 : memref<80x64xf32, #tpu.memory_space<hbm>>) target_semaphore(%arg8 : memref<!tpu.dma_semaphore, #tpu.memory_space<semaphore_mem>>)
    %dma_wait3A_171 = arith.constant 3 : i32
    %dma_wait3A_172 = arith.constant 240 : i32
    %dma_wait3A_173 = arith.constant 0 : i32
    %dma_wait3A_174 = tpu.memref_slice %arg6[%dma_wait3A_172, %dma_wait3A_173] : memref<800x64xf32, #tpu.memory_space<vmem>> -> memref<80x64xf32, #tpu.memory_space<vmem>>
    %dma_wait3A_175 = arith.constant 0 : i32
    %dma_wait3A_176 = tpu.memref_slice %arg5[%dma_wait3A_171, %dma_wait3A_175] : memref<10x80xi32, #tpu.memory_space<vmem>> -> memref<1x80xi32, #tpu.memory_space<vmem>>
    %dma_wait3A_177 = tpu.memref_squeeze %dma_wait3A_176 : memref<1x80xi32, #tpu.memory_space<vmem>> -> memref<80xi32, #tpu.memory_space<vmem>>
    %dma_wait3A_178 = arith.constant 0 : i32
    %dma_wait3A_179 = arith.constant 0 : i32
    %dma_wait3A_180 = tpu.memref_slice %arg2[%dma_wait3A_178, %dma_wait3A_179] : memref<1024x64xf32, #tpu.memory_space<hbm>> -> memref<1024x64xf32, #tpu.memory_space<hbm>>
    tpu.wait_indirect_dma semaphore(%arg7 : memref<!tpu.dma_semaphore, #tpu.memory_space<semaphore_mem>>) src(%dma_wait3A_180 : memref<1024x64xf32, #tpu.memory_space<hbm>>) dst(%dma_wait3A_174 : memref<80x64xf32, #tpu.memory_space<vmem>>)
    %mul3A_181 = arith.constant 800 : i32
    %mul3A_182 = arith.muli %add3A, %mul3A_181 : i32
    %add3A_183 = arith.constant 240 : i32
    %add3A_184 = arith.addi %mul3A_182, %add3A_183 : i32
    %dma_start3A_185 = arith.constant 240 : i32
    %dma_start3A_186 = arith.constant 0 : i32
    %dma_start3A_187 = tpu.memref_slice %arg6[%dma_start3A_185, %dma_start3A_186] : memref<800x64xf32, #tpu.memory_space<vmem>> -> memref<80x64xf32, #tpu.memory_space<vmem>>
    %dma_start3A_188 = arith.constant 0 : i32
    %dma_start3A_189 = tpu.memref_slice %arg4[%add3A_184, %dma_start3A_188] : memref<25600x64xf32, #tpu.memory_space<hbm>> -> memref<80x64xf32, #tpu.memory_space<hbm>>
    %dma_start3A_190 = arith.constant 0 : i32
    %dma_start3A_191 = tpu.memref_slice %arg4[%add3A_184, %dma_start3A_190] : memref<25600x64xf32, #tpu.memory_space<hbm>> -> memref<80x64xf32, #tpu.memory_space<hbm>>
    %dma_start3A_192 = arith.constant 240 : i32
    %dma_start3A_193 = arith.constant 0 : i32
    %dma_start3A_194 = tpu.memref_slice %arg6[%dma_start3A_192, %dma_start3A_193] : memref<800x64xf32, #tpu.memory_space<vmem>> -> memref<80x64xf32, #tpu.memory_space<vmem>>
    tpu.enqueue_dma source(%dma_start3A_194 : memref<80x64xf32, #tpu.memory_space<vmem>>) target(%dma_start3A_191 : memref<80x64xf32, #tpu.memory_space<hbm>>) target_semaphore(%arg8 : memref<!tpu.dma_semaphore, #tpu.memory_space<semaphore_mem>>)
    %dma_wait3A_195 = arith.constant 4 : i32
    %dma_wait3A_196 = arith.constant 320 : i32
    %dma_wait3A_197 = arith.constant 0 : i32
    %dma_wait3A_198 = tpu.memref_slice %arg6[%dma_wait3A_196, %dma_wait3A_197] : memref<800x64xf32, #tpu.memory_space<vmem>> -> memref<80x64xf32, #tpu.memory_space<vmem>>
    %dma_wait3A_199 = arith.constant 0 : i32
    %dma_wait3A_200 = tpu.memref_slice %arg5[%dma_wait3A_195, %dma_wait3A_199] : memref<10x80xi32, #tpu.memory_space<vmem>> -> memref<1x80xi32, #tpu.memory_space<vmem>>
    %dma_wait3A_201 = tpu.memref_squeeze %dma_wait3A_200 : memref<1x80xi32, #tpu.memory_space<vmem>> -> memref<80xi32, #tpu.memory_space<vmem>>
    %dma_wait3A_202 = arith.constant 0 : i32
    %dma_wait3A_203 = arith.constant 0 : i32
    %dma_wait3A_204 = tpu.memref_slice %arg2[%dma_wait3A_202, %dma_wait3A_203] : memref<1024x64xf32, #tpu.memory_space<hbm>> -> memref<1024x64xf32, #tpu.memory_space<hbm>>
    tpu.wait_indirect_dma semaphore(%arg7 : memref<!tpu.dma_semaphore, #tpu.memory_space<semaphore_mem>>) src(%dma_wait3A_204 : memref<1024x64xf32, #tpu.memory_space<hbm>>) dst(%dma_wait3A_198 : memref<80x64xf32, #tpu.memory_space<vmem>>)
    %mul3A_205 = arith.constant 800 : i32
    %mul3A_206 = arith.muli %add3A, %mul3A_205 : i32
    %add3A_207 = arith.constant 320 : i32
    %add3A_208 = arith.addi %mul3A_206, %add3A_207 : i32
    %dma_start3A_209 = arith.constant 320 : i32
    %dma_start3A_210 = arith.constant 0 : i32
    %dma_start3A_211 = tpu.memref_slice %arg6[%dma_start3A_209, %dma_start3A_210] : memref<800x64xf32, #tpu.memory_space<vmem>> -> memref<80x64xf32, #tpu.memory_space<vmem>>
    %dma_start3A_212 = arith.constant 0 : i32
    %dma_start3A_213 = tpu.memref_slice %arg4[%add3A_208, %dma_start3A_212] : memref<25600x64xf32, #tpu.memory_space<hbm>> -> memref<80x64xf32, #tpu.memory_space<hbm>>
    %dma_start3A_214 = arith.constant 0 : i32
    %dma_start3A_215 = tpu.memref_slice %arg4[%add3A_208, %dma_start3A_214] : memref<25600x64xf32, #tpu.memory_space<hbm>> -> memref<80x64xf32, #tpu.memory_space<hbm>>
    %dma_start3A_216 = arith.constant 320 : i32
    %dma_start3A_217 = arith.constant 0 : i32
    %dma_start3A_218 = tpu.memref_slice %arg6[%dma_start3A_216, %dma_start3A_217] : memref<800x64xf32, #tpu.memory_space<vmem>> -> memref<80x64xf32, #tpu.memory_space<vmem>>
    tpu.enqueue_dma source(%dma_start3A_218 : memref<80x64xf32, #tpu.memory_space<vmem>>) target(%dma_start3A_215 : memref<80x64xf32, #tpu.memory_space<hbm>>) target_semaphore(%arg8 : memref<!tpu.dma_semaphore, #tpu.memory_space<semaphore_mem>>)
    %dma_wait3A_219 = arith.constant 5 : i32
    %dma_wait3A_220 = arith.constant 400 : i32
    %dma_wait3A_221 = arith.constant 0 : i32
    %dma_wait3A_222 = tpu.memref_slice %arg6[%dma_wait3A_220, %dma_wait3A_221] : memref<800x64xf32, #tpu.memory_space<vmem>> -> memref<80x64xf32, #tpu.memory_space<vmem>>
    %dma_wait3A_223 = arith.constant 0 : i32
    %dma_wait3A_224 = tpu.memref_slice %arg5[%dma_wait3A_219, %dma_wait3A_223] : memref<10x80xi32, #tpu.memory_space<vmem>> -> memref<1x80xi32, #tpu.memory_space<vmem>>
    %dma_wait3A_225 = tpu.memref_squeeze %dma_wait3A_224 : memref<1x80xi32, #tpu.memory_space<vmem>> -> memref<80xi32, #tpu.memory_space<vmem>>
    %dma_wait3A_226 = arith.constant 0 : i32
    %dma_wait3A_227 = arith.constant 0 : i32
    %dma_wait3A_228 = tpu.memref_slice %arg2[%dma_wait3A_226, %dma_wait3A_227] : memref<1024x64xf32, #tpu.memory_space<hbm>> -> memref<1024x64xf32, #tpu.memory_space<hbm>>
    tpu.wait_indirect_dma semaphore(%arg7 : memref<!tpu.dma_semaphore, #tpu.memory_space<semaphore_mem>>) src(%dma_wait3A_228 : memref<1024x64xf32, #tpu.memory_space<hbm>>) dst(%dma_wait3A_222 : memref<80x64xf32, #tpu.memory_space<vmem>>)
    %mul3A_229 = arith.constant 800 : i32
    %mul3A_230 = arith.muli %add3A, %mul3A_229 : i32
    %add3A_231 = arith.constant 400 : i32
    %add3A_232 = arith.addi %mul3A_230, %add3A_231 : i32
    %dma_start3A_233 = arith.constant 400 : i32
    %dma_start3A_234 = arith.constant 0 : i32
    %dma_start3A_235 = tpu.memref_slice %arg6[%dma_start3A_233, %dma_start3A_234] : memref<800x64xf32, #tpu.memory_space<vmem>> -> memref<80x64xf32, #tpu.memory_space<vmem>>
    %dma_start3A_236 = arith.constant 0 : i32
    %dma_start3A_237 = tpu.memref_slice %arg4[%add3A_232, %dma_start3A_236] : memref<25600x64xf32, #tpu.memory_space<hbm>> -> memref<80x64xf32, #tpu.memory_space<hbm>>
    %dma_start3A_238 = arith.constant 0 : i32
    %dma_start3A_239 = tpu.memref_slice %arg4[%add3A_232, %dma_start3A_238] : memref<25600x64xf32, #tpu.memory_space<hbm>> -> memref<80x64xf32, #tpu.memory_space<hbm>>
    %dma_start3A_240 = arith.constant 400 : i32
    %dma_start3A_241 = arith.constant 0 : i32
    %dma_start3A_242 = tpu.memref_slice %arg6[%dma_start3A_240, %dma_start3A_241] : memref<800x64xf32, #tpu.memory_space<vmem>> -> memref<80x64xf32, #tpu.memory_space<vmem>>
    tpu.enqueue_dma source(%dma_start3A_242 : memref<80x64xf32, #tpu.memory_space<vmem>>) target(%dma_start3A_239 : memref<80x64xf32, #tpu.memory_space<hbm>>) target_semaphore(%arg8 : memref<!tpu.dma_semaphore, #tpu.memory_space<semaphore_mem>>)
    %dma_wait3A_243 = arith.constant 6 : i32
    %dma_wait3A_244 = arith.constant 480 : i32
    %dma_wait3A_245 = arith.constant 0 : i32
    %dma_wait3A_246 = tpu.memref_slice %arg6[%dma_wait3A_244, %dma_wait3A_245] : memref<800x64xf32, #tpu.memory_space<vmem>> -> memref<80x64xf32, #tpu.memory_space<vmem>>
    %dma_wait3A_247 = arith.constant 0 : i32
    %dma_wait3A_248 = tpu.memref_slice %arg5[%dma_wait3A_243, %dma_wait3A_247] : memref<10x80xi32, #tpu.memory_space<vmem>> -> memref<1x80xi32, #tpu.memory_space<vmem>>
    %dma_wait3A_249 = tpu.memref_squeeze %dma_wait3A_248 : memref<1x80xi32, #tpu.memory_space<vmem>> -> memref<80xi32, #tpu.memory_space<vmem>>
    %dma_wait3A_250 = arith.constant 0 : i32
    %dma_wait3A_251 = arith.constant 0 : i32
    %dma_wait3A_252 = tpu.memref_slice %arg2[%dma_wait3A_250, %dma_wait3A_251] : memref<1024x64xf32, #tpu.memory_space<hbm>> -> memref<1024x64xf32, #tpu.memory_space<hbm>>
    tpu.wait_indirect_dma semaphore(%arg7 : memref<!tpu.dma_semaphore, #tpu.memory_space<semaphore_mem>>) src(%dma_wait3A_252 : memref<1024x64xf32, #tpu.memory_space<hbm>>) dst(%dma_wait3A_246 : memref<80x64xf32, #tpu.memory_space<vmem>>)
    %mul3A_253 = arith.constant 800 : i32
    %mul3A_254 = arith.muli %add3A, %mul3A_253 : i32
    %add3A_255 = arith.constant 480 : i32
    %add3A_256 = arith.addi %mul3A_254, %add3A_255 : i32
    %dma_start3A_257 = arith.constant 480 : i32
    %dma_start3A_258 = arith.constant 0 : i32
    %dma_start3A_259 = tpu.memref_slice %arg6[%dma_start3A_257, %dma_start3A_258] : memref<800x64xf32, #tpu.memory_space<vmem>> -> memref<80x64xf32, #tpu.memory_space<vmem>>
    %dma_start3A_260 = arith.constant 0 : i32
    %dma_start3A_261 = tpu.memref_slice %arg4[%add3A_256, %dma_start3A_260] : memref<25600x64xf32, #tpu.memory_space<hbm>> -> memref<80x64xf32, #tpu.memory_space<hbm>>
    %dma_start3A_262 = arith.constant 0 : i32
    %dma_start3A_263 = tpu.memref_slice %arg4[%add3A_256, %dma_start3A_262] : memref<25600x64xf32, #tpu.memory_space<hbm>> -> memref<80x64xf32, #tpu.memory_space<hbm>>
    %dma_start3A_264 = arith.constant 480 : i32
    %dma_start3A_265 = arith.constant 0 : i32
    %dma_start3A_266 = tpu.memref_slice %arg6[%dma_start3A_264, %dma_start3A_265] : memref<800x64xf32, #tpu.memory_space<vmem>> -> memref<80x64xf32, #tpu.memory_space<vmem>>
    tpu.enqueue_dma source(%dma_start3A_266 : memref<80x64xf32, #tpu.memory_space<vmem>>) target(%dma_start3A_263 : memref<80x64xf32, #tpu.memory_space<hbm>>) target_semaphore(%arg8 : memref<!tpu.dma_semaphore, #tpu.memory_space<semaphore_mem>>)
    %dma_wait3A_267 = arith.constant 7 : i32
    %dma_wait3A_268 = arith.constant 560 : i32
    %dma_wait3A_269 = arith.constant 0 : i32
    %dma_wait3A_270 = tpu.memref_slice %arg6[%dma_wait3A_268, %dma_wait3A_269] : memref<800x64xf32, #tpu.memory_space<vmem>> -> memref<80x64xf32, #tpu.memory_space<vmem>>
    %dma_wait3A_271 = arith.constant 0 : i32
    %dma_wait3A_272 = tpu.memref_slice %arg5[%dma_wait3A_267, %dma_wait3A_271] : memref<10x80xi32, #tpu.memory_space<vmem>> -> memref<1x80xi32, #tpu.memory_space<vmem>>
    %dma_wait3A_273 = tpu.memref_squeeze %dma_wait3A_272 : memref<1x80xi32, #tpu.memory_space<vmem>> -> memref<80xi32, #tpu.memory_space<vmem>>
    %dma_wait3A_274 = arith.constant 0 : i32
    %dma_wait3A_275 = arith.constant 0 : i32
    %dma_wait3A_276 = tpu.memref_slice %arg2[%dma_wait3A_274, %dma_wait3A_275] : memref<1024x64xf32, #tpu.memory_space<hbm>> -> memref<1024x64xf32, #tpu.memory_space<hbm>>
    tpu.wait_indirect_dma semaphore(%arg7 : memref<!tpu.dma_semaphore, #tpu.memory_space<semaphore_mem>>) src(%dma_wait3A_276 : memref<1024x64xf32, #tpu.memory_space<hbm>>) dst(%dma_wait3A_270 : memref<80x64xf32, #tpu.memory_space<vmem>>)
    %mul3A_277 = arith.constant 800 : i32
    %mul3A_278 = arith.muli %add3A, %mul3A_277 : i32
    %add3A_279 = arith.constant 560 : i32
    %add3A_280 = arith.addi %mul3A_278, %add3A_279 : i32
    %dma_start3A_281 = arith.constant 560 : i32
    %dma_start3A_282 = arith.constant 0 : i32
    %dma_start3A_283 = tpu.memref_slice %arg6[%dma_start3A_281, %dma_start3A_282] : memref<800x64xf32, #tpu.memory_space<vmem>> -> memref<80x64xf32, #tpu.memory_space<vmem>>
    %dma_start3A_284 = arith.constant 0 : i32
    %dma_start3A_285 = tpu.memref_slice %arg4[%add3A_280, %dma_start3A_284] : memref<25600x64xf32, #tpu.memory_space<hbm>> -> memref<80x64xf32, #tpu.memory_space<hbm>>
    %dma_start3A_286 = arith.constant 0 : i32
    %dma_start3A_287 = tpu.memref_slice %arg4[%add3A_280, %dma_start3A_286] : memref<25600x64xf32, #tpu.memory_space<hbm>> -> memref<80x64xf32, #tpu.memory_space<hbm>>
    %dma_start3A_288 = arith.constant 560 : i32
    %dma_start3A_289 = arith.constant 0 : i32
    %dma_start3A_290 = tpu.memref_slice %arg6[%dma_start3A_288, %dma_start3A_289] : memref<800x64xf32, #tpu.memory_space<vmem>> -> memref<80x64xf32, #tpu.memory_space<vmem>>
    tpu.enqueue_dma source(%dma_start3A_290 : memref<80x64xf32, #tpu.memory_space<vmem>>) target(%dma_start3A_287 : memref<80x64xf32, #tpu.memory_space<hbm>>) target_semaphore(%arg8 : memref<!tpu.dma_semaphore, #tpu.memory_space<semaphore_mem>>)
    %dma_wait3A_291 = arith.constant 8 : i32
    %dma_wait3A_292 = arith.constant 640 : i32
    %dma_wait3A_293 = arith.constant 0 : i32
    %dma_wait3A_294 = tpu.memref_slice %arg6[%dma_wait3A_292, %dma_wait3A_293] : memref<800x64xf32, #tpu.memory_space<vmem>> -> memref<80x64xf32, #tpu.memory_space<vmem>>
    %dma_wait3A_295 = arith.constant 0 : i32
    %dma_wait3A_296 = tpu.memref_slice %arg5[%dma_wait3A_291, %dma_wait3A_295] : memref<10x80xi32, #tpu.memory_space<vmem>> -> memref<1x80xi32, #tpu.memory_space<vmem>>
    %dma_wait3A_297 = tpu.memref_squeeze %dma_wait3A_296 : memref<1x80xi32, #tpu.memory_space<vmem>> -> memref<80xi32, #tpu.memory_space<vmem>>
    %dma_wait3A_298 = arith.constant 0 : i32
    %dma_wait3A_299 = arith.constant 0 : i32
    %dma_wait3A_300 = tpu.memref_slice %arg2[%dma_wait3A_298, %dma_wait3A_299] : memref<1024x64xf32, #tpu.memory_space<hbm>> -> memref<1024x64xf32, #tpu.memory_space<hbm>>
    tpu.wait_indirect_dma semaphore(%arg7 : memref<!tpu.dma_semaphore, #tpu.memory_space<semaphore_mem>>) src(%dma_wait3A_300 : memref<1024x64xf32, #tpu.memory_space<hbm>>) dst(%dma_wait3A_294 : memref<80x64xf32, #tpu.memory_space<vmem>>)
    %mul3A_301 = arith.constant 800 : i32
    %mul3A_302 = arith.muli %add3A, %mul3A_301 : i32
    %add3A_303 = arith.constant 640 : i32
    %add3A_304 = arith.addi %mul3A_302, %add3A_303 : i32
    %dma_start3A_305 = arith.constant 640 : i32
    %dma_start3A_306 = arith.constant 0 : i32
    %dma_start3A_307 = tpu.memref_slice %arg6[%dma_start3A_305, %dma_start3A_306] : memref<800x64xf32, #tpu.memory_space<vmem>> -> memref<80x64xf32, #tpu.memory_space<vmem>>
    %dma_start3A_308 = arith.constant 0 : i32
    %dma_start3A_309 = tpu.memref_slice %arg4[%add3A_304, %dma_start3A_308] : memref<25600x64xf32, #tpu.memory_space<hbm>> -> memref<80x64xf32, #tpu.memory_space<hbm>>
    %dma_start3A_310 = arith.constant 0 : i32
    %dma_start3A_311 = tpu.memref_slice %arg4[%add3A_304, %dma_start3A_310] : memref<25600x64xf32, #tpu.memory_space<hbm>> -> memref<80x64xf32, #tpu.memory_space<hbm>>
    %dma_start3A_312 = arith.constant 640 : i32
    %dma_start3A_313 = arith.constant 0 : i32
    %dma_start3A_314 = tpu.memref_slice %arg6[%dma_start3A_312, %dma_start3A_313] : memref<800x64xf32, #tpu.memory_space<vmem>> -> memref<80x64xf32, #tpu.memory_space<vmem>>
    tpu.enqueue_dma source(%dma_start3A_314 : memref<80x64xf32, #tpu.memory_space<vmem>>) target(%dma_start3A_311 : memref<80x64xf32, #tpu.memory_space<hbm>>) target_semaphore(%arg8 : memref<!tpu.dma_semaphore, #tpu.memory_space<semaphore_mem>>)
    %dma_wait3A_315 = arith.constant 9 : i32
    %dma_wait3A_316 = arith.constant 720 : i32
    %dma_wait3A_317 = arith.constant 0 : i32
    %dma_wait3A_318 = tpu.memref_slice %arg6[%dma_wait3A_316, %dma_wait3A_317] : memref<800x64xf32, #tpu.memory_space<vmem>> -> memref<80x64xf32, #tpu.memory_space<vmem>>
    %dma_wait3A_319 = arith.constant 0 : i32
    %dma_wait3A_320 = tpu.memref_slice %arg5[%dma_wait3A_315, %dma_wait3A_319] : memref<10x80xi32, #tpu.memory_space<vmem>> -> memref<1x80xi32, #tpu.memory_space<vmem>>
    %dma_wait3A_321 = tpu.memref_squeeze %dma_wait3A_320 : memref<1x80xi32, #tpu.memory_space<vmem>> -> memref<80xi32, #tpu.memory_space<vmem>>
    %dma_wait3A_322 = arith.constant 0 : i32
    %dma_wait3A_323 = arith.constant 0 : i32
    %dma_wait3A_324 = tpu.memref_slice %arg2[%dma_wait3A_322, %dma_wait3A_323] : memref<1024x64xf32, #tpu.memory_space<hbm>> -> memref<1024x64xf32, #tpu.memory_space<hbm>>
    tpu.wait_indirect_dma semaphore(%arg7 : memref<!tpu.dma_semaphore, #tpu.memory_space<semaphore_mem>>) src(%dma_wait3A_324 : memref<1024x64xf32, #tpu.memory_space<hbm>>) dst(%dma_wait3A_318 : memref<80x64xf32, #tpu.memory_space<vmem>>)
    %mul3A_325 = arith.constant 800 : i32
    %mul3A_326 = arith.muli %add3A, %mul3A_325 : i32
    %add3A_327 = arith.constant 720 : i32
    %add3A_328 = arith.addi %mul3A_326, %add3A_327 : i32
    %dma_start3A_329 = arith.constant 720 : i32
    %dma_start3A_330 = arith.constant 0 : i32
    %dma_start3A_331 = tpu.memref_slice %arg6[%dma_start3A_329, %dma_start3A_330] : memref<800x64xf32, #tpu.memory_space<vmem>> -> memref<80x64xf32, #tpu.memory_space<vmem>>
    %dma_start3A_332 = arith.constant 0 : i32
    %dma_start3A_333 = tpu.memref_slice %arg4[%add3A_328, %dma_start3A_332] : memref<25600x64xf32, #tpu.memory_space<hbm>> -> memref<80x64xf32, #tpu.memory_space<hbm>>
    %dma_start3A_334 = arith.constant 0 : i32
    %dma_start3A_335 = tpu.memref_slice %arg4[%add3A_328, %dma_start3A_334] : memref<25600x64xf32, #tpu.memory_space<hbm>> -> memref<80x64xf32, #tpu.memory_space<hbm>>
    %dma_start3A_336 = arith.constant 720 : i32
    %dma_start3A_337 = arith.constant 0 : i32
    %dma_start3A_338 = tpu.memref_slice %arg6[%dma_start3A_336, %dma_start3A_337] : memref<800x64xf32, #tpu.memory_space<vmem>> -> memref<80x64xf32, #tpu.memory_space<vmem>>
    tpu.enqueue_dma source(%dma_start3A_338 : memref<80x64xf32, #tpu.memory_space<vmem>>) target(%dma_start3A_335 : memref<80x64xf32, #tpu.memory_space<hbm>>) target_semaphore(%arg8 : memref<!tpu.dma_semaphore, #tpu.memory_space<semaphore_mem>>)
    %dma_wait3A_339 = arith.constant 0 : i32
    %dma_wait3A_340 = arith.constant 0 : i32
    %dma_wait3A_341 = tpu.memref_slice %arg6[%dma_wait3A_339, %dma_wait3A_340] : memref<800x64xf32, #tpu.memory_space<vmem>> -> memref<80x64xf32, #tpu.memory_space<vmem>>
    %dma_wait3A_342 = arith.constant 0 : i32
    %dma_wait3A_343 = tpu.memref_slice %arg4[%add3A_112, %dma_wait3A_342] : memref<25600x64xf32, #tpu.memory_space<hbm>> -> memref<80x64xf32, #tpu.memory_space<hbm>>
    %dma_wait3A_344 = arith.constant 0 : i32
    %dma_wait3A_345 = tpu.memref_slice %arg4[%add3A_112, %dma_wait3A_344] : memref<25600x64xf32, #tpu.memory_space<hbm>> -> memref<80x64xf32, #tpu.memory_space<hbm>>
    %dma_wait3A_346 = arith.constant 0 : i32
    %dma_wait3A_347 = arith.constant 0 : i32
    %dma_wait3A_348 = tpu.memref_slice %arg6[%dma_wait3A_346, %dma_wait3A_347] : memref<800x64xf32, #tpu.memory_space<vmem>> -> memref<80x64xf32, #tpu.memory_space<vmem>>
    tpu.wait_dma2 semaphore(%arg8 : memref<!tpu.dma_semaphore, #tpu.memory_space<semaphore_mem>>) src(%dma_wait3A_348 : memref<80x64xf32, #tpu.memory_space<vmem>>) dst(%dma_wait3A_345 : memref<80x64xf32, #tpu.memory_space<hbm>>)
    %dma_wait3A_349 = arith.constant 80 : i32
    %dma_wait3A_350 = arith.constant 0 : i32
    %dma_wait3A_351 = tpu.memref_slice %arg6[%dma_wait3A_349, %dma_wait3A_350] : memref<800x64xf32, #tpu.memory_space<vmem>> -> memref<80x64xf32, #tpu.memory_space<vmem>>
    %dma_wait3A_352 = arith.constant 0 : i32
    %dma_wait3A_353 = tpu.memref_slice %arg4[%add3A_136, %dma_wait3A_352] : memref<25600x64xf32, #tpu.memory_space<hbm>> -> memref<80x64xf32, #tpu.memory_space<hbm>>
    %dma_wait3A_354 = arith.constant 0 : i32
    %dma_wait3A_355 = tpu.memref_slice %arg4[%add3A_136, %dma_wait3A_354] : memref<25600x64xf32, #tpu.memory_space<hbm>> -> memref<80x64xf32, #tpu.memory_space<hbm>>
    %dma_wait3A_356 = arith.constant 80 : i32
    %dma_wait3A_357 = arith.constant 0 : i32
    %dma_wait3A_358 = tpu.memref_slice %arg6[%dma_wait3A_356, %dma_wait3A_357] : memref<800x64xf32, #tpu.memory_space<vmem>> -> memref<80x64xf32, #tpu.memory_space<vmem>>
    tpu.wait_dma2 semaphore(%arg8 : memref<!tpu.dma_semaphore, #tpu.memory_space<semaphore_mem>>) src(%dma_wait3A_358 : memref<80x64xf32, #tpu.memory_space<vmem>>) dst(%dma_wait3A_355 : memref<80x64xf32, #tpu.memory_space<hbm>>)
    %dma_wait3A_359 = arith.constant 160 : i32
    %dma_wait3A_360 = arith.constant 0 : i32
    %dma_wait3A_361 = tpu.memref_slice %arg6[%dma_wait3A_359, %dma_wait3A_360] : memref<800x64xf32, #tpu.memory_space<vmem>> -> memref<80x64xf32, #tpu.memory_space<vmem>>
    %dma_wait3A_362 = arith.constant 0 : i32
    %dma_wait3A_363 = tpu.memref_slice %arg4[%add3A_160, %dma_wait3A_362] : memref<25600x64xf32, #tpu.memory_space<hbm>> -> memref<80x64xf32, #tpu.memory_space<hbm>>
    %dma_wait3A_364 = arith.constant 0 : i32
    %dma_wait3A_365 = tpu.memref_slice %arg4[%add3A_160, %dma_wait3A_364] : memref<25600x64xf32, #tpu.memory_space<hbm>> -> memref<80x64xf32, #tpu.memory_space<hbm>>
    %dma_wait3A_366 = arith.constant 160 : i32
    %dma_wait3A_367 = arith.constant 0 : i32
    %dma_wait3A_368 = tpu.memref_slice %arg6[%dma_wait3A_366, %dma_wait3A_367] : memref<800x64xf32, #tpu.memory_space<vmem>> -> memref<80x64xf32, #tpu.memory_space<vmem>>
    tpu.wait_dma2 semaphore(%arg8 : memref<!tpu.dma_semaphore, #tpu.memory_space<semaphore_mem>>) src(%dma_wait3A_368 : memref<80x64xf32, #tpu.memory_space<vmem>>) dst(%dma_wait3A_365 : memref<80x64xf32, #tpu.memory_space<hbm>>)
    %dma_wait3A_369 = arith.constant 240 : i32
    %dma_wait3A_370 = arith.constant 0 : i32
    %dma_wait3A_371 = tpu.memref_slice %arg6[%dma_wait3A_369, %dma_wait3A_370] : memref<800x64xf32, #tpu.memory_space<vmem>> -> memref<80x64xf32, #tpu.memory_space<vmem>>
    %dma_wait3A_372 = arith.constant 0 : i32
    %dma_wait3A_373 = tpu.memref_slice %arg4[%add3A_184, %dma_wait3A_372] : memref<25600x64xf32, #tpu.memory_space<hbm>> -> memref<80x64xf32, #tpu.memory_space<hbm>>
    %dma_wait3A_374 = arith.constant 0 : i32
    %dma_wait3A_375 = tpu.memref_slice %arg4[%add3A_184, %dma_wait3A_374] : memref<25600x64xf32, #tpu.memory_space<hbm>> -> memref<80x64xf32, #tpu.memory_space<hbm>>
    %dma_wait3A_376 = arith.constant 240 : i32
    %dma_wait3A_377 = arith.constant 0 : i32
    %dma_wait3A_378 = tpu.memref_slice %arg6[%dma_wait3A_376, %dma_wait3A_377] : memref<800x64xf32, #tpu.memory_space<vmem>> -> memref<80x64xf32, #tpu.memory_space<vmem>>
    tpu.wait_dma2 semaphore(%arg8 : memref<!tpu.dma_semaphore, #tpu.memory_space<semaphore_mem>>) src(%dma_wait3A_378 : memref<80x64xf32, #tpu.memory_space<vmem>>) dst(%dma_wait3A_375 : memref<80x64xf32, #tpu.memory_space<hbm>>)
    %dma_wait3A_379 = arith.constant 320 : i32
    %dma_wait3A_380 = arith.constant 0 : i32
    %dma_wait3A_381 = tpu.memref_slice %arg6[%dma_wait3A_379, %dma_wait3A_380] : memref<800x64xf32, #tpu.memory_space<vmem>> -> memref<80x64xf32, #tpu.memory_space<vmem>>
    %dma_wait3A_382 = arith.constant 0 : i32
    %dma_wait3A_383 = tpu.memref_slice %arg4[%add3A_208, %dma_wait3A_382] : memref<25600x64xf32, #tpu.memory_space<hbm>> -> memref<80x64xf32, #tpu.memory_space<hbm>>
    %dma_wait3A_384 = arith.constant 0 : i32
    %dma_wait3A_385 = tpu.memref_slice %arg4[%add3A_208, %dma_wait3A_384] : memref<25600x64xf32, #tpu.memory_space<hbm>> -> memref<80x64xf32, #tpu.memory_space<hbm>>
    %dma_wait3A_386 = arith.constant 320 : i32
    %dma_wait3A_387 = arith.constant 0 : i32
    %dma_wait3A_388 = tpu.memref_slice %arg6[%dma_wait3A_386, %dma_wait3A_387] : memref<800x64xf32, #tpu.memory_space<vmem>> -> memref<80x64xf32, #tpu.memory_space<vmem>>
    tpu.wait_dma2 semaphore(%arg8 : memref<!tpu.dma_semaphore, #tpu.memory_space<semaphore_mem>>) src(%dma_wait3A_388 : memref<80x64xf32, #tpu.memory_space<vmem>>) dst(%dma_wait3A_385 : memref<80x64xf32, #tpu.memory_space<hbm>>)
    %dma_wait3A_389 = arith.constant 400 : i32
    %dma_wait3A_390 = arith.constant 0 : i32
    %dma_wait3A_391 = tpu.memref_slice %arg6[%dma_wait3A_389, %dma_wait3A_390] : memref<800x64xf32, #tpu.memory_space<vmem>> -> memref<80x64xf32, #tpu.memory_space<vmem>>
    %dma_wait3A_392 = arith.constant 0 : i32
    %dma_wait3A_393 = tpu.memref_slice %arg4[%add3A_232, %dma_wait3A_392] : memref<25600x64xf32, #tpu.memory_space<hbm>> -> memref<80x64xf32, #tpu.memory_space<hbm>>
    %dma_wait3A_394 = arith.constant 0 : i32
    %dma_wait3A_395 = tpu.memref_slice %arg4[%add3A_232, %dma_wait3A_394] : memref<25600x64xf32, #tpu.memory_space<hbm>> -> memref<80x64xf32, #tpu.memory_space<hbm>>
    %dma_wait3A_396 = arith.constant 400 : i32
    %dma_wait3A_397 = arith.constant 0 : i32
    %dma_wait3A_398 = tpu.memref_slice %arg6[%dma_wait3A_396, %dma_wait3A_397] : memref<800x64xf32, #tpu.memory_space<vmem>> -> memref<80x64xf32, #tpu.memory_space<vmem>>
    tpu.wait_dma2 semaphore(%arg8 : memref<!tpu.dma_semaphore, #tpu.memory_space<semaphore_mem>>) src(%dma_wait3A_398 : memref<80x64xf32, #tpu.memory_space<vmem>>) dst(%dma_wait3A_395 : memref<80x64xf32, #tpu.memory_space<hbm>>)
    %dma_wait3A_399 = arith.constant 480 : i32
    %dma_wait3A_400 = arith.constant 0 : i32
    %dma_wait3A_401 = tpu.memref_slice %arg6[%dma_wait3A_399, %dma_wait3A_400] : memref<800x64xf32, #tpu.memory_space<vmem>> -> memref<80x64xf32, #tpu.memory_space<vmem>>
    %dma_wait3A_402 = arith.constant 0 : i32
    %dma_wait3A_403 = tpu.memref_slice %arg4[%add3A_256, %dma_wait3A_402] : memref<25600x64xf32, #tpu.memory_space<hbm>> -> memref<80x64xf32, #tpu.memory_space<hbm>>
    %dma_wait3A_404 = arith.constant 0 : i32
    %dma_wait3A_405 = tpu.memref_slice %arg4[%add3A_256, %dma_wait3A_404] : memref<25600x64xf32, #tpu.memory_space<hbm>> -> memref<80x64xf32, #tpu.memory_space<hbm>>
    %dma_wait3A_406 = arith.constant 480 : i32
    %dma_wait3A_407 = arith.constant 0 : i32
    %dma_wait3A_408 = tpu.memref_slice %arg6[%dma_wait3A_406, %dma_wait3A_407] : memref<800x64xf32, #tpu.memory_space<vmem>> -> memref<80x64xf32, #tpu.memory_space<vmem>>
    tpu.wait_dma2 semaphore(%arg8 : memref<!tpu.dma_semaphore, #tpu.memory_space<semaphore_mem>>) src(%dma_wait3A_408 : memref<80x64xf32, #tpu.memory_space<vmem>>) dst(%dma_wait3A_405 : memref<80x64xf32, #tpu.memory_space<hbm>>)
    %dma_wait3A_409 = arith.constant 560 : i32
    %dma_wait3A_410 = arith.constant 0 : i32
    %dma_wait3A_411 = tpu.memref_slice %arg6[%dma_wait3A_409, %dma_wait3A_410] : memref<800x64xf32, #tpu.memory_space<vmem>> -> memref<80x64xf32, #tpu.memory_space<vmem>>
    %dma_wait3A_412 = arith.constant 0 : i32
    %dma_wait3A_413 = tpu.memref_slice %arg4[%add3A_280, %dma_wait3A_412] : memref<25600x64xf32, #tpu.memory_space<hbm>> -> memref<80x64xf32, #tpu.memory_space<hbm>>
    %dma_wait3A_414 = arith.constant 0 : i32
    %dma_wait3A_415 = tpu.memref_slice %arg4[%add3A_280, %dma_wait3A_414] : memref<25600x64xf32, #tpu.memory_space<hbm>> -> memref<80x64xf32, #tpu.memory_space<hbm>>
    %dma_wait3A_416 = arith.constant 560 : i32
    %dma_wait3A_417 = arith.constant 0 : i32
    %dma_wait3A_418 = tpu.memref_slice %arg6[%dma_wait3A_416, %dma_wait3A_417] : memref<800x64xf32, #tpu.memory_space<vmem>> -> memref<80x64xf32, #tpu.memory_space<vmem>>
    tpu.wait_dma2 semaphore(%arg8 : memref<!tpu.dma_semaphore, #tpu.memory_space<semaphore_mem>>) src(%dma_wait3A_418 : memref<80x64xf32, #tpu.memory_space<vmem>>) dst(%dma_wait3A_415 : memref<80x64xf32, #tpu.memory_space<hbm>>)
    %dma_wait3A_419 = arith.constant 640 : i32
    %dma_wait3A_420 = arith.constant 0 : i32
    %dma_wait3A_421 = tpu.memref_slice %arg6[%dma_wait3A_419, %dma_wait3A_420] : memref<800x64xf32, #tpu.memory_space<vmem>> -> memref<80x64xf32, #tpu.memory_space<vmem>>
    %dma_wait3A_422 = arith.constant 0 : i32
    %dma_wait3A_423 = tpu.memref_slice %arg4[%add3A_304, %dma_wait3A_422] : memref<25600x64xf32, #tpu.memory_space<hbm>> -> memref<80x64xf32, #tpu.memory_space<hbm>>
    %dma_wait3A_424 = arith.constant 0 : i32
    %dma_wait3A_425 = tpu.memref_slice %arg4[%add3A_304, %dma_wait3A_424] : memref<25600x64xf32, #tpu.memory_space<hbm>> -> memref<80x64xf32, #tpu.memory_space<hbm>>
    %dma_wait3A_426 = arith.constant 640 : i32
    %dma_wait3A_427 = arith.constant 0 : i32
    %dma_wait3A_428 = tpu.memref_slice %arg6[%dma_wait3A_426, %dma_wait3A_427] : memref<800x64xf32, #tpu.memory_space<vmem>> -> memref<80x64xf32, #tpu.memory_space<vmem>>
    tpu.wait_dma2 semaphore(%arg8 : memref<!tpu.dma_semaphore, #tpu.memory_space<semaphore_mem>>) src(%dma_wait3A_428 : memref<80x64xf32, #tpu.memory_space<vmem>>) dst(%dma_wait3A_425 : memref<80x64xf32, #tpu.memory_space<hbm>>)
    %dma_wait3A_429 = arith.constant 720 : i32
    %dma_wait3A_430 = arith.constant 0 : i32
    %dma_wait3A_431 = tpu.memref_slice %arg6[%dma_wait3A_429, %dma_wait3A_430] : memref<800x64xf32, #tpu.memory_space<vmem>> -> memref<80x64xf32, #tpu.memory_space<vmem>>
    %dma_wait3A_432 = arith.constant 0 : i32
    %dma_wait3A_433 = tpu.memref_slice %arg4[%add3A_328, %dma_wait3A_432] : memref<25600x64xf32, #tpu.memory_space<hbm>> -> memref<80x64xf32, #tpu.memory_space<hbm>>
    %dma_wait3A_434 = arith.constant 0 : i32
    %dma_wait3A_435 = tpu.memref_slice %arg4[%add3A_328, %dma_wait3A_434] : memref<25600x64xf32, #tpu.memory_space<hbm>> -> memref<80x64xf32, #tpu.memory_space<hbm>>
    %dma_wait3A_436 = arith.constant 720 : i32
    %dma_wait3A_437 = arith.constant 0 : i32
    %dma_wait3A_438 = tpu.memref_slice %arg6[%dma_wait3A_436, %dma_wait3A_437] : memref<800x64xf32, #tpu.memory_space<vmem>> -> memref<80x64xf32, #tpu.memory_space<vmem>>
    tpu.wait_dma2 semaphore(%arg8 : memref<!tpu.dma_semaphore, #tpu.memory_space<semaphore_mem>>) src(%dma_wait3A_438 : memref<80x64xf32, #tpu.memory_space<vmem>>) dst(%dma_wait3A_435 : memref<80x64xf32, #tpu.memory_space<hbm>>)
    return
  }
}

#map = affine_map<(d0, d1) -> (0, 0)>
#map1 = affine_map<(d0, d1) -> (0, 0, 0)>
module attributes {stable_mosaic.version = 14 : i64} {
  func.func @k(%arg0: i32, %arg1: i32, %arg2: memref<1024x64xf32, #tpu.memory_space<hbm>>, %arg3: memref<32x10x80xi32, #tpu.memory_space<hbm>>, %arg4: memref<25600x64xf32, #tpu.memory_space<hbm>>, %arg5: memref<10x80xi32, #tpu.memory_space<vmem>>, %arg6: memref<800x64xf32, #tpu.memory_space<vmem>>, %arg7: memref<!tpu.dma_semaphore, #tpu.memory_space<semaphore_mem>>, %arg8: memref<!tpu.dma_semaphore, #tpu.memory_space<semaphore_mem>>) attributes {dimension_semantics = [#tpu.dimension_semantics<core_parallel>, #tpu.dimension_semantics<subcore_parallel>], iteration_bounds = array<i64: 2, 16>, scalar_prefetch = 0 : i64, scratch_operands = 4 : i64, tpu.core_type = #tpu.core_type<sc_vector_subcore>, window_params = [{transform_indices = #map}, {transform_indices = #map1}, {transform_indices = #map}]} {
    %mul3A = arith.constant 2 : i32
    %mul3A_0 = arith.muli %arg1, %mul3A : i32
    %add3A = arith.addi %mul3A_0, %arg0 : i32
    "tpu.region"() ({
      %run_scoped3A = tpu.sem_alloc : memref<!tpu.dma_semaphore, #tpu.memory_space<semaphore_mem>>
      %dma_start3A_439 = arith.constant 0 : i32
      %dma_start3A_440 = arith.constant 0 : i32
      %dma_start3A_441 = tpu.memref_slice %arg3[%add3A, %dma_start3A_439, %dma_start3A_440] : memref<32x10x80xi32, #tpu.memory_space<hbm>> -> memref<1x10x80xi32, #tpu.memory_space<hbm>>
      %dma_start3A_442 = tpu.memref_squeeze %dma_start3A_441 : memref<1x10x80xi32, #tpu.memory_space<hbm>> -> memref<10x80xi32, #tpu.memory_space<hbm>>
      %dma_start3A_443 = arith.constant 0 : i32
      %dma_start3A_444 = arith.constant 0 : i32
      %dma_start3A_445 = tpu.memref_slice %arg3[%add3A, %dma_start3A_443, %dma_start3A_444] : memref<32x10x80xi32, #tpu.memory_space<hbm>> -> memref<1x10x80xi32, #tpu.memory_space<hbm>>
      %dma_start3A_446 = tpu.memref_squeeze %dma_start3A_445 : memref<1x10x80xi32, #tpu.memory_space<hbm>> -> memref<10x80xi32, #tpu.memory_space<hbm>>
      tpu.enqueue_dma source(%dma_start3A_446 : memref<10x80xi32, #tpu.memory_space<hbm>>) target(%arg5 : memref<10x80xi32, #tpu.memory_space<vmem>>) target_semaphore(%run_scoped3A : memref<!tpu.dma_semaphore, #tpu.memory_space<semaphore_mem>>)
      %dma_wait3A_447 = arith.constant 0 : i32
      %dma_wait3A_448 = arith.constant 0 : i32
      %dma_wait3A_449 = tpu.memref_slice %arg3[%add3A, %dma_wait3A_447, %dma_wait3A_448] : memref<32x10x80xi32, #tpu.memory_space<hbm>> -> memref<1x10x80xi32, #tpu.memory_space<hbm>>
      %dma_wait3A_450 = tpu.memref_squeeze %dma_wait3A_449 : memref<1x10x80xi32, #tpu.memory_space<hbm>> -> memref<10x80xi32, #tpu.memory_space<hbm>>
      %dma_wait3A_451 = arith.constant 0 : i32
      %dma_wait3A_452 = arith.constant 0 : i32
      %dma_wait3A_453 = tpu.memref_slice %arg3[%add3A, %dma_wait3A_451, %dma_wait3A_452] : memref<32x10x80xi32, #tpu.memory_space<hbm>> -> memref<1x10x80xi32, #tpu.memory_space<hbm>>
      %dma_wait3A_454 = tpu.memref_squeeze %dma_wait3A_453 : memref<1x10x80xi32, #tpu.memory_space<hbm>> -> memref<10x80xi32, #tpu.memory_space<hbm>>
      tpu.wait_dma2 semaphore(%run_scoped3A : memref<!tpu.dma_semaphore, #tpu.memory_space<semaphore_mem>>) src(%dma_wait3A_454 : memref<10x80xi32, #tpu.memory_space<hbm>>) dst(%arg5 : memref<10x80xi32, #tpu.memory_space<vmem>>)
      tpu.yield
    }) : () -> ()
    %dma_start3A = arith.constant 0 : i32
    %dma_start3A_1 = arith.constant 0 : i32
    %dma_start3A_2 = arith.constant 0 : i32
    %dma_start3A_3 = tpu.memref_slice %arg6[%dma_start3A_1, %dma_start3A_2] : memref<800x64xf32, #tpu.memory_space<vmem>> -> memref<80x64xf32, #tpu.memory_space<vmem>>
    %dma_start3A_4 = arith.constant 0 : i32
    %dma_start3A_5 = tpu.memref_slice %arg5[%dma_start3A, %dma_start3A_4] : memref<10x80xi32, #tpu.memory_space<vmem>> -> memref<1x80xi32, #tpu.memory_space<vmem>>
    %dma_start3A_6 = tpu.memref_squeeze %dma_start3A_5 : memref<1x80xi32, #tpu.memory_space<vmem>> -> memref<80xi32, #tpu.memory_space<vmem>>
    %dma_start3A_7 = arith.constant 0 : i32
    %dma_start3A_8 = arith.constant 0 : i32
    %dma_start3A_9 = tpu.memref_slice %arg2[%dma_start3A_7, %dma_start3A_8] : memref<1024x64xf32, #tpu.memory_space<hbm>> -> memref<1024x64xf32, #tpu.memory_space<hbm>>
    tpu.enqueue_indirect_dma source(%dma_start3A_9 : memref<1024x64xf32, #tpu.memory_space<hbm>>) target(%dma_start3A_3 : memref<80x64xf32, #tpu.memory_space<vmem>>) offsets(%dma_start3A_6 : memref<80xi32, #tpu.memory_space<vmem>>) semaphore(%arg7 : memref<!tpu.dma_semaphore, #tpu.memory_space<semaphore_mem>>)
    %dma_start3A_10 = arith.constant 1 : i32
    %dma_start3A_11 = arith.constant 80 : i32
    %dma_start3A_12 = arith.constant 0 : i32
    %dma_start3A_13 = tpu.memref_slice %arg6[%dma_start3A_11, %dma_start3A_12] : memref<800x64xf32, #tpu.memory_space<vmem>> -> memref<80x64xf32, #tpu.memory_space<vmem>>
    %dma_start3A_14 = arith.constant 0 : i32
    %dma_start3A_15 = tpu.memref_slice %arg5[%dma_start3A_10, %dma_start3A_14] : memref<10x80xi32, #tpu.memory_space<vmem>> -> memref<1x80xi32, #tpu.memory_space<vmem>>
    %dma_start3A_16 = tpu.memref_squeeze %dma_start3A_15 : memref<1x80xi32, #tpu.memory_space<vmem>> -> memref<80xi32, #tpu.memory_space<vmem>>
    %dma_start3A_17 = arith.constant 0 : i32
    %dma_start3A_18 = arith.constant 0 : i32
    %dma_start3A_19 = tpu.memref_slice %arg2[%dma_start3A_17, %dma_start3A_18] : memref<1024x64xf32, #tpu.memory_space<hbm>> -> memref<1024x64xf32, #tpu.memory_space<hbm>>
    tpu.enqueue_indirect_dma source(%dma_start3A_19 : memref<1024x64xf32, #tpu.memory_space<hbm>>) target(%dma_start3A_13 : memref<80x64xf32, #tpu.memory_space<vmem>>) offsets(%dma_start3A_16 : memref<80xi32, #tpu.memory_space<vmem>>) semaphore(%arg7 : memref<!tpu.dma_semaphore, #tpu.memory_space<semaphore_mem>>)
    %dma_start3A_20 = arith.constant 2 : i32
    %dma_start3A_21 = arith.constant 160 : i32
    %dma_start3A_22 = arith.constant 0 : i32
    %dma_start3A_23 = tpu.memref_slice %arg6[%dma_start3A_21, %dma_start3A_22] : memref<800x64xf32, #tpu.memory_space<vmem>> -> memref<80x64xf32, #tpu.memory_space<vmem>>
    %dma_start3A_24 = arith.constant 0 : i32
    %dma_start3A_25 = tpu.memref_slice %arg5[%dma_start3A_20, %dma_start3A_24] : memref<10x80xi32, #tpu.memory_space<vmem>> -> memref<1x80xi32, #tpu.memory_space<vmem>>
    %dma_start3A_26 = tpu.memref_squeeze %dma_start3A_25 : memref<1x80xi32, #tpu.memory_space<vmem>> -> memref<80xi32, #tpu.memory_space<vmem>>
    %dma_start3A_27 = arith.constant 0 : i32
    %dma_start3A_28 = arith.constant 0 : i32
    %dma_start3A_29 = tpu.memref_slice %arg2[%dma_start3A_27, %dma_start3A_28] : memref<1024x64xf32, #tpu.memory_space<hbm>> -> memref<1024x64xf32, #tpu.memory_space<hbm>>
    tpu.enqueue_indirect_dma source(%dma_start3A_29 : memref<1024x64xf32, #tpu.memory_space<hbm>>) target(%dma_start3A_23 : memref<80x64xf32, #tpu.memory_space<vmem>>) offsets(%dma_start3A_26 : memref<80xi32, #tpu.memory_space<vmem>>) semaphore(%arg7 : memref<!tpu.dma_semaphore, #tpu.memory_space<semaphore_mem>>)
    %dma_start3A_30 = arith.constant 3 : i32
    %dma_start3A_31 = arith.constant 240 : i32
    %dma_start3A_32 = arith.constant 0 : i32
    %dma_start3A_33 = tpu.memref_slice %arg6[%dma_start3A_31, %dma_start3A_32] : memref<800x64xf32, #tpu.memory_space<vmem>> -> memref<80x64xf32, #tpu.memory_space<vmem>>
    %dma_start3A_34 = arith.constant 0 : i32
    %dma_start3A_35 = tpu.memref_slice %arg5[%dma_start3A_30, %dma_start3A_34] : memref<10x80xi32, #tpu.memory_space<vmem>> -> memref<1x80xi32, #tpu.memory_space<vmem>>
    %dma_start3A_36 = tpu.memref_squeeze %dma_start3A_35 : memref<1x80xi32, #tpu.memory_space<vmem>> -> memref<80xi32, #tpu.memory_space<vmem>>
    %dma_start3A_37 = arith.constant 0 : i32
    %dma_start3A_38 = arith.constant 0 : i32
    %dma_start3A_39 = tpu.memref_slice %arg2[%dma_start3A_37, %dma_start3A_38] : memref<1024x64xf32, #tpu.memory_space<hbm>> -> memref<1024x64xf32, #tpu.memory_space<hbm>>
    tpu.enqueue_indirect_dma source(%dma_start3A_39 : memref<1024x64xf32, #tpu.memory_space<hbm>>) target(%dma_start3A_33 : memref<80x64xf32, #tpu.memory_space<vmem>>) offsets(%dma_start3A_36 : memref<80xi32, #tpu.memory_space<vmem>>) semaphore(%arg7 : memref<!tpu.dma_semaphore, #tpu.memory_space<semaphore_mem>>)
    %dma_start3A_40 = arith.constant 4 : i32
    %dma_start3A_41 = arith.constant 320 : i32
    %dma_start3A_42 = arith.constant 0 : i32
    %dma_start3A_43 = tpu.memref_slice %arg6[%dma_start3A_41, %dma_start3A_42] : memref<800x64xf32, #tpu.memory_space<vmem>> -> memref<80x64xf32, #tpu.memory_space<vmem>>
    %dma_start3A_44 = arith.constant 0 : i32
    %dma_start3A_45 = tpu.memref_slice %arg5[%dma_start3A_40, %dma_start3A_44] : memref<10x80xi32, #tpu.memory_space<vmem>> -> memref<1x80xi32, #tpu.memory_space<vmem>>
    %dma_start3A_46 = tpu.memref_squeeze %dma_start3A_45 : memref<1x80xi32, #tpu.memory_space<vmem>> -> memref<80xi32, #tpu.memory_space<vmem>>
    %dma_start3A_47 = arith.constant 0 : i32
    %dma_start3A_48 = arith.constant 0 : i32
    %dma_start3A_49 = tpu.memref_slice %arg2[%dma_start3A_47, %dma_start3A_48] : memref<1024x64xf32, #tpu.memory_space<hbm>> -> memref<1024x64xf32, #tpu.memory_space<hbm>>
    tpu.enqueue_indirect_dma source(%dma_start3A_49 : memref<1024x64xf32, #tpu.memory_space<hbm>>) target(%dma_start3A_43 : memref<80x64xf32, #tpu.memory_space<vmem>>) offsets(%dma_start3A_46 : memref<80xi32, #tpu.memory_space<vmem>>) semaphore(%arg7 : memref<!tpu.dma_semaphore, #tpu.memory_space<semaphore_mem>>)
    %dma_start3A_50 = arith.constant 5 : i32
    %dma_start3A_51 = arith.constant 400 : i32
    %dma_start3A_52 = arith.constant 0 : i32
    %dma_start3A_53 = tpu.memref_slice %arg6[%dma_start3A_51, %dma_start3A_52] : memref<800x64xf32, #tpu.memory_space<vmem>> -> memref<80x64xf32, #tpu.memory_space<vmem>>
    %dma_start3A_54 = arith.constant 0 : i32
    %dma_start3A_55 = tpu.memref_slice %arg5[%dma_start3A_50, %dma_start3A_54] : memref<10x80xi32, #tpu.memory_space<vmem>> -> memref<1x80xi32, #tpu.memory_space<vmem>>
    %dma_start3A_56 = tpu.memref_squeeze %dma_start3A_55 : memref<1x80xi32, #tpu.memory_space<vmem>> -> memref<80xi32, #tpu.memory_space<vmem>>
    %dma_start3A_57 = arith.constant 0 : i32
    %dma_start3A_58 = arith.constant 0 : i32
    %dma_start3A_59 = tpu.memref_slice %arg2[%dma_start3A_57, %dma_start3A_58] : memref<1024x64xf32, #tpu.memory_space<hbm>> -> memref<1024x64xf32, #tpu.memory_space<hbm>>
    tpu.enqueue_indirect_dma source(%dma_start3A_59 : memref<1024x64xf32, #tpu.memory_space<hbm>>) target(%dma_start3A_53 : memref<80x64xf32, #tpu.memory_space<vmem>>) offsets(%dma_start3A_56 : memref<80xi32, #tpu.memory_space<vmem>>) semaphore(%arg7 : memref<!tpu.dma_semaphore, #tpu.memory_space<semaphore_mem>>)
    %dma_start3A_60 = arith.constant 6 : i32
    %dma_start3A_61 = arith.constant 480 : i32
    %dma_start3A_62 = arith.constant 0 : i32
    %dma_start3A_63 = tpu.memref_slice %arg6[%dma_start3A_61, %dma_start3A_62] : memref<800x64xf32, #tpu.memory_space<vmem>> -> memref<80x64xf32, #tpu.memory_space<vmem>>
    %dma_start3A_64 = arith.constant 0 : i32
    %dma_start3A_65 = tpu.memref_slice %arg5[%dma_start3A_60, %dma_start3A_64] : memref<10x80xi32, #tpu.memory_space<vmem>> -> memref<1x80xi32, #tpu.memory_space<vmem>>
    %dma_start3A_66 = tpu.memref_squeeze %dma_start3A_65 : memref<1x80xi32, #tpu.memory_space<vmem>> -> memref<80xi32, #tpu.memory_space<vmem>>
    %dma_start3A_67 = arith.constant 0 : i32
    %dma_start3A_68 = arith.constant 0 : i32
    %dma_start3A_69 = tpu.memref_slice %arg2[%dma_start3A_67, %dma_start3A_68] : memref<1024x64xf32, #tpu.memory_space<hbm>> -> memref<1024x64xf32, #tpu.memory_space<hbm>>
    tpu.enqueue_indirect_dma source(%dma_start3A_69 : memref<1024x64xf32, #tpu.memory_space<hbm>>) target(%dma_start3A_63 : memref<80x64xf32, #tpu.memory_space<vmem>>) offsets(%dma_start3A_66 : memref<80xi32, #tpu.memory_space<vmem>>) semaphore(%arg7 : memref<!tpu.dma_semaphore, #tpu.memory_space<semaphore_mem>>)
    %dma_start3A_70 = arith.constant 7 : i32
    %dma_start3A_71 = arith.constant 560 : i32
    %dma_start3A_72 = arith.constant 0 : i32
    %dma_start3A_73 = tpu.memref_slice %arg6[%dma_start3A_71, %dma_start3A_72] : memref<800x64xf32, #tpu.memory_space<vmem>> -> memref<80x64xf32, #tpu.memory_space<vmem>>
    %dma_start3A_74 = arith.constant 0 : i32
    %dma_start3A_75 = tpu.memref_slice %arg5[%dma_start3A_70, %dma_start3A_74] : memref<10x80xi32, #tpu.memory_space<vmem>> -> memref<1x80xi32, #tpu.memory_space<vmem>>
    %dma_start3A_76 = tpu.memref_squeeze %dma_start3A_75 : memref<1x80xi32, #tpu.memory_space<vmem>> -> memref<80xi32, #tpu.memory_space<vmem>>
    %dma_start3A_77 = arith.constant 0 : i32
    %dma_start3A_78 = arith.constant 0 : i32
    %dma_start3A_79 = tpu.memref_slice %arg2[%dma_start3A_77, %dma_start3A_78] : memref<1024x64xf32, #tpu.memory_space<hbm>> -> memref<1024x64xf32, #tpu.memory_space<hbm>>
    tpu.enqueue_indirect_dma source(%dma_start3A_79 : memref<1024x64xf32, #tpu.memory_space<hbm>>) target(%dma_start3A_73 : memref<80x64xf32, #tpu.memory_space<vmem>>) offsets(%dma_start3A_76 : memref<80xi32, #tpu.memory_space<vmem>>) semaphore(%arg7 : memref<!tpu.dma_semaphore, #tpu.memory_space<semaphore_mem>>)
    %dma_start3A_80 = arith.constant 8 : i32
    %dma_start3A_81 = arith.constant 640 : i32
    %dma_start3A_82 = arith.constant 0 : i32
    %dma_start3A_83 = tpu.memref_slice %arg6[%dma_start3A_81, %dma_start3A_82] : memref<800x64xf32, #tpu.memory_space<vmem>> -> memref<80x64xf32, #tpu.memory_space<vmem>>
    %dma_start3A_84 = arith.constant 0 : i32
    %dma_start3A_85 = tpu.memref_slice %arg5[%dma_start3A_80, %dma_start3A_84] : memref<10x80xi32, #tpu.memory_space<vmem>> -> memref<1x80xi32, #tpu.memory_space<vmem>>
    %dma_start3A_86 = tpu.memref_squeeze %dma_start3A_85 : memref<1x80xi32, #tpu.memory_space<vmem>> -> memref<80xi32, #tpu.memory_space<vmem>>
    %dma_start3A_87 = arith.constant 0 : i32
    %dma_start3A_88 = arith.constant 0 : i32
    %dma_start3A_89 = tpu.memref_slice %arg2[%dma_start3A_87, %dma_start3A_88] : memref<1024x64xf32, #tpu.memory_space<hbm>> -> memref<1024x64xf32, #tpu.memory_space<hbm>>
    tpu.enqueue_indirect_dma source(%dma_start3A_89 : memref<1024x64xf32, #tpu.memory_space<hbm>>) target(%dma_start3A_83 : memref<80x64xf32, #tpu.memory_space<vmem>>) offsets(%dma_start3A_86 : memref<80xi32, #tpu.memory_space<vmem>>) semaphore(%arg7 : memref<!tpu.dma_semaphore, #tpu.memory_space<semaphore_mem>>)
    %dma_start3A_90 = arith.constant 9 : i32
    %dma_start3A_91 = arith.constant 720 : i32
    %dma_start3A_92 = arith.constant 0 : i32
    %dma_start3A_93 = tpu.memref_slice %arg6[%dma_start3A_91, %dma_start3A_92] : memref<800x64xf32, #tpu.memory_space<vmem>> -> memref<80x64xf32, #tpu.memory_space<vmem>>
    %dma_start3A_94 = arith.constant 0 : i32
    %dma_start3A_95 = tpu.memref_slice %arg5[%dma_start3A_90, %dma_start3A_94] : memref<10x80xi32, #tpu.memory_space<vmem>> -> memref<1x80xi32, #tpu.memory_space<vmem>>
    %dma_start3A_96 = tpu.memref_squeeze %dma_start3A_95 : memref<1x80xi32, #tpu.memory_space<vmem>> -> memref<80xi32, #tpu.memory_space<vmem>>
    %dma_start3A_97 = arith.constant 0 : i32
    %dma_start3A_98 = arith.constant 0 : i32
    %dma_start3A_99 = tpu.memref_slice %arg2[%dma_start3A_97, %dma_start3A_98] : memref<1024x64xf32, #tpu.memory_space<hbm>> -> memref<1024x64xf32, #tpu.memory_space<hbm>>
    tpu.enqueue_indirect_dma source(%dma_start3A_99 : memref<1024x64xf32, #tpu.memory_space<hbm>>) target(%dma_start3A_93 : memref<80x64xf32, #tpu.memory_space<vmem>>) offsets(%dma_start3A_96 : memref<80xi32, #tpu.memory_space<vmem>>) semaphore(%arg7 : memref<!tpu.dma_semaphore, #tpu.memory_space<semaphore_mem>>)
    %dma_wait3A = arith.constant 0 : i32
    %dma_wait3A_100 = arith.constant 0 : i32
    %dma_wait3A_101 = arith.constant 0 : i32
    %dma_wait3A_102 = tpu.memref_slice %arg6[%dma_wait3A_100, %dma_wait3A_101] : memref<800x64xf32, #tpu.memory_space<vmem>> -> memref<80x64xf32, #tpu.memory_space<vmem>>
    %dma_wait3A_103 = arith.constant 0 : i32
    %dma_wait3A_104 = tpu.memref_slice %arg5[%dma_wait3A, %dma_wait3A_103] : memref<10x80xi32, #tpu.memory_space<vmem>> -> memref<1x80xi32, #tpu.memory_space<vmem>>
    %dma_wait3A_105 = tpu.memref_squeeze %dma_wait3A_104 : memref<1x80xi32, #tpu.memory_space<vmem>> -> memref<80xi32, #tpu.memory_space<vmem>>
    %dma_wait3A_106 = arith.constant 0 : i32
    %dma_wait3A_107 = arith.constant 0 : i32
    %dma_wait3A_108 = tpu.memref_slice %arg2[%dma_wait3A_106, %dma_wait3A_107] : memref<1024x64xf32, #tpu.memory_space<hbm>> -> memref<1024x64xf32, #tpu.memory_space<hbm>>
    tpu.wait_indirect_dma semaphore(%arg7 : memref<!tpu.dma_semaphore, #tpu.memory_space<semaphore_mem>>) src(%dma_wait3A_108 : memref<1024x64xf32, #tpu.memory_space<hbm>>) dst(%dma_wait3A_102 : memref<80x64xf32, #tpu.memory_space<vmem>>)
    %mul3A_109 = arith.constant 800 : i32
    %mul3A_110 = arith.muli %add3A, %mul3A_109 : i32
    %add3A_111 = arith.constant 0 : i32
    %add3A_112 = arith.addi %mul3A_110, %add3A_111 : i32
    %dma_start3A_113 = arith.constant 0 : i32
    %dma_start3A_114 = arith.constant 0 : i32
    %dma_start3A_115 = tpu.memref_slice %arg6[%dma_start3A_113, %dma_start3A_114] : memref<800x64xf32, #tpu.memory_space<vmem>> -> memref<80x64xf32, #tpu.memory_space<vmem>>
    %dma_start3A_116 = arith.constant 0 : i32
    %dma_start3A_117 = tpu.memref_slice %arg4[%add3A_112, %dma_start3A_116] : memref<25600x64xf32, #tpu.memory_space<hbm>> -> memref<80x64xf32, #tpu.memory_space<hbm>>
    %dma_start3A_118 = arith.constant 0 : i32
    %dma_start3A_119 = tpu.memref_slice %arg4[%add3A_112, %dma_start3A_118] : memref<25600x64xf32, #tpu.memory_space<hbm>> -> memref<80x64xf32, #tpu.memory_space<hbm>>
    %dma_start3A_120 = arith.constant 0 : i32
    %dma_start3A_121 = arith.constant 0 : i32
    %dma_start3A_122 = tpu.memref_slice %arg6[%dma_start3A_120, %dma_start3A_121] : memref<800x64xf32, #tpu.memory_space<vmem>> -> memref<80x64xf32, #tpu.memory_space<vmem>>
    tpu.enqueue_dma source(%dma_start3A_122 : memref<80x64xf32, #tpu.memory_space<vmem>>) target(%dma_start3A_119 : memref<80x64xf32, #tpu.memory_space<hbm>>) target_semaphore(%arg8 : memref<!tpu.dma_semaphore, #tpu.memory_space<semaphore_mem>>)
    %dma_wait3A_123 = arith.constant 1 : i32
    %dma_wait3A_124 = arith.constant 80 : i32
    %dma_wait3A_125 = arith.constant 0 : i32
    %dma_wait3A_126 = tpu.memref_slice %arg6[%dma_wait3A_124, %dma_wait3A_125] : memref<800x64xf32, #tpu.memory_space<vmem>> -> memref<80x64xf32, #tpu.memory_space<vmem>>
    %dma_wait3A_127 = arith.constant 0 : i32
    %dma_wait3A_128 = tpu.memref_slice %arg5[%dma_wait3A_123, %dma_wait3A_127] : memref<10x80xi32, #tpu.memory_space<vmem>> -> memref<1x80xi32, #tpu.memory_space<vmem>>
    %dma_wait3A_129 = tpu.memref_squeeze %dma_wait3A_128 : memref<1x80xi32, #tpu.memory_space<vmem>> -> memref<80xi32, #tpu.memory_space<vmem>>
    %dma_wait3A_130 = arith.constant 0 : i32
    %dma_wait3A_131 = arith.constant 0 : i32
    %dma_wait3A_132 = tpu.memref_slice %arg2[%dma_wait3A_130, %dma_wait3A_131] : memref<1024x64xf32, #tpu.memory_space<hbm>> -> memref<1024x64xf32, #tpu.memory_space<hbm>>
    tpu.wait_indirect_dma semaphore(%arg7 : memref<!tpu.dma_semaphore, #tpu.memory_space<semaphore_mem>>) src(%dma_wait3A_132 : memref<1024x64xf32, #tpu.memory_space<hbm>>) dst(%dma_wait3A_126 : memref<80x64xf32, #tpu.memory_space<vmem>>)
    %mul3A_133 = arith.constant 800 : i32
    %mul3A_134 = arith.muli %add3A, %mul3A_133 : i32
    %add3A_135 = arith.constant 80 : i32
    %add3A_136 = arith.addi %mul3A_134, %add3A_135 : i32
    %dma_start3A_137 = arith.constant 80 : i32
    %dma_start3A_138 = arith.constant 0 : i32
    %dma_start3A_139 = tpu.memref_slice %arg6[%dma_start3A_137, %dma_start3A_138] : memref<800x64xf32, #tpu.memory_space<vmem>> -> memref<80x64xf32, #tpu.memory_space<vmem>>
    %dma_start3A_140 = arith.constant 0 : i32
    %dma_start3A_141 = tpu.memref_slice %arg4[%add3A_136, %dma_start3A_140] : memref<25600x64xf32, #tpu.memory_space<hbm>> -> memref<80x64xf32, #tpu.memory_space<hbm>>
    %dma_start3A_142 = arith.constant 0 : i32
    %dma_start3A_143 = tpu.memref_slice %arg4[%add3A_136, %dma_start3A_142] : memref<25600x64xf32, #tpu.memory_space<hbm>> -> memref<80x64xf32, #tpu.memory_space<hbm>>
    %dma_start3A_144 = arith.constant 80 : i32
    %dma_start3A_145 = arith.constant 0 : i32
    %dma_start3A_146 = tpu.memref_slice %arg6[%dma_start3A_144, %dma_start3A_145] : memref<800x64xf32, #tpu.memory_space<vmem>> -> memref<80x64xf32, #tpu.memory_space<vmem>>
    tpu.enqueue_dma source(%dma_start3A_146 : memref<80x64xf32, #tpu.memory_space<vmem>>) target(%dma_start3A_143 : memref<80x64xf32, #tpu.memory_space<hbm>>) target_semaphore(%arg8 : memref<!tpu.dma_semaphore, #tpu.memory_space<semaphore_mem>>)
    %dma_wait3A_147 = arith.constant 2 : i32
    %dma_wait3A_148 = arith.constant 160 : i32
    %dma_wait3A_149 = arith.constant 0 : i32
    %dma_wait3A_150 = tpu.memref_slice %arg6[%dma_wait3A_148, %dma_wait3A_149] : memref<800x64xf32, #tpu.memory_space<vmem>> -> memref<80x64xf32, #tpu.memory_space<vmem>>
    %dma_wait3A_151 = arith.constant 0 : i32
    %dma_wait3A_152 = tpu.memref_slice %arg5[%dma_wait3A_147, %dma_wait3A_151] : memref<10x80xi32, #tpu.memory_space<vmem>> -> memref<1x80xi32, #tpu.memory_space<vmem>>
    %dma_wait3A_153 = tpu.memref_squeeze %dma_wait3A_152 : memref<1x80xi32, #tpu.memory_space<vmem>> -> memref<80xi32, #tpu.memory_space<vmem>>
    %dma_wait3A_154 = arith.constant 0 : i32
    %dma_wait3A_155 = arith.constant 0 : i32
    %dma_wait3A_156 = tpu.memref_slice %arg2[%dma_wait3A_154, %dma_wait3A_155] : memref<1024x64xf32, #tpu.memory_space<hbm>> -> memref<1024x64xf32, #tpu.memory_space<hbm>>
    tpu.wait_indirect_dma semaphore(%arg7 : memref<!tpu.dma_semaphore, #tpu.memory_space<semaphore_mem>>) src(%dma_wait3A_156 : memref<1024x64xf32, #tpu.memory_space<hbm>>) dst(%dma_wait3A_150 : memref<80x64xf32, #tpu.memory_space<vmem>>)
    %mul3A_157 = arith.constant 800 : i32
    %mul3A_158 = arith.muli %add3A, %mul3A_157 : i32
    %add3A_159 = arith.constant 160 : i32
    %add3A_160 = arith.addi %mul3A_158, %add3A_159 : i32
    %dma_start3A_161 = arith.constant 160 : i32
    %dma_start3A_162 = arith.constant 0 : i32
    %dma_start3A_163 = tpu.memref_slice %arg6[%dma_start3A_161, %dma_start3A_162] : memref<800x64xf32, #tpu.memory_space<vmem>> -> memref<80x64xf32, #tpu.memory_space<vmem>>
    %dma_start3A_164 = arith.constant 0 : i32
    %dma_start3A_165 = tpu.memref_slice %arg4[%add3A_160, %dma_start3A_164] : memref<25600x64xf32, #tpu.memory_space<hbm>> -> memref<80x64xf32, #tpu.memory_space<hbm>>
    %dma_start3A_166 = arith.constant 0 : i32
    %dma_start3A_167 = tpu.memref_slice %arg4[%add3A_160, %dma_start3A_166] : memref<25600x64xf32, #tpu.memory_space<hbm>> -> memref<80x64xf32, #tpu.memory_space<hbm>>
    %dma_start3A_168 = arith.constant 160 : i32
    %dma_start3A_169 = arith.constant 0 : i32
    %dma_start3A_170 = tpu.memref_slice %arg6[%dma_start3A_168, %dma_start3A_169] : memref<800x64xf32, #tpu.memory_space<vmem>> -> memref<80x64xf32, #tpu.memory_space<vmem>>
    tpu.enqueue_dma source(%dma_start3A_170 : memref<80x64xf32, #tpu.memory_space<vmem>>) target(%dma_start3A_167 : memref<80x64xf32, #tpu.memory_space<hbm>>) target_semaphore(%arg8 : memref<!tpu.dma_semaphore, #tpu.memory_space<semaphore_mem>>)
    %dma_wait3A_171 = arith.constant 3 : i32
    %dma_wait3A_172 = arith.constant 240 : i32
    %dma_wait3A_173 = arith.constant 0 : i32
    %dma_wait3A_174 = tpu.memref_slice %arg6[%dma_wait3A_172, %dma_wait3A_173] : memref<800x64xf32, #tpu.memory_space<vmem>> -> memref<80x64xf32, #tpu.memory_space<vmem>>
    %dma_wait3A_175 = arith.constant 0 : i32
    %dma_wait3A_176 = tpu.memref_slice %arg5[%dma_wait3A_171, %dma_wait3A_175] : memref<10x80xi32, #tpu.memory_space<vmem>> -> memref<1x80xi32, #tpu.memory_space<vmem>>
    %dma_wait3A_177 = tpu.memref_squeeze %dma_wait3A_176 : memref<1x80xi32, #tpu.memory_space<vmem>> -> memref<80xi32, #tpu.memory_space<vmem>>
    %dma_wait3A_178 = arith.constant 0 : i32
    %dma_wait3A_179 = arith.constant 0 : i32
    %dma_wait3A_180 = tpu.memref_slice %arg2[%dma_wait3A_178, %dma_wait3A_179] : memref<1024x64xf32, #tpu.memory_space<hbm>> -> memref<1024x64xf32, #tpu.memory_space<hbm>>
    tpu.wait_indirect_dma semaphore(%arg7 : memref<!tpu.dma_semaphore, #tpu.memory_space<semaphore_mem>>) src(%dma_wait3A_180 : memref<1024x64xf32, #tpu.memory_space<hbm>>) dst(%dma_wait3A_174 : memref<80x64xf32, #tpu.memory_space<vmem>>)
    %mul3A_181 = arith.constant 800 : i32
    %mul3A_182 = arith.muli %add3A, %mul3A_181 : i32
    %add3A_183 = arith.constant 240 : i32
    %add3A_184 = arith.addi %mul3A_182, %add3A_183 : i32
    %dma_start3A_185 = arith.constant 240 : i32
    %dma_start3A_186 = arith.constant 0 : i32
    %dma_start3A_187 = tpu.memref_slice %arg6[%dma_start3A_185, %dma_start3A_186] : memref<800x64xf32, #tpu.memory_space<vmem>> -> memref<80x64xf32, #tpu.memory_space<vmem>>
    %dma_start3A_188 = arith.constant 0 : i32
    %dma_start3A_189 = tpu.memref_slice %arg4[%add3A_184, %dma_start3A_188] : memref<25600x64xf32, #tpu.memory_space<hbm>> -> memref<80x64xf32, #tpu.memory_space<hbm>>
    %dma_start3A_190 = arith.constant 0 : i32
    %dma_start3A_191 = tpu.memref_slice %arg4[%add3A_184, %dma_start3A_190] : memref<25600x64xf32, #tpu.memory_space<hbm>> -> memref<80x64xf32, #tpu.memory_space<hbm>>
    %dma_start3A_192 = arith.constant 240 : i32
    %dma_start3A_193 = arith.constant 0 : i32
    %dma_start3A_194 = tpu.memref_slice %arg6[%dma_start3A_192, %dma_start3A_193] : memref<800x64xf32, #tpu.memory_space<vmem>> -> memref<80x64xf32, #tpu.memory_space<vmem>>
    tpu.enqueue_dma source(%dma_start3A_194 : memref<80x64xf32, #tpu.memory_space<vmem>>) target(%dma_start3A_191 : memref<80x64xf32, #tpu.memory_space<hbm>>) target_semaphore(%arg8 : memref<!tpu.dma_semaphore, #tpu.memory_space<semaphore_mem>>)
    %dma_wait3A_195 = arith.constant 4 : i32
    %dma_wait3A_196 = arith.constant 320 : i32
    %dma_wait3A_197 = arith.constant 0 : i32
    %dma_wait3A_198 = tpu.memref_slice %arg6[%dma_wait3A_196, %dma_wait3A_197] : memref<800x64xf32, #tpu.memory_space<vmem>> -> memref<80x64xf32, #tpu.memory_space<vmem>>
    %dma_wait3A_199 = arith.constant 0 : i32
    %dma_wait3A_200 = tpu.memref_slice %arg5[%dma_wait3A_195, %dma_wait3A_199] : memref<10x80xi32, #tpu.memory_space<vmem>> -> memref<1x80xi32, #tpu.memory_space<vmem>>
    %dma_wait3A_201 = tpu.memref_squeeze %dma_wait3A_200 : memref<1x80xi32, #tpu.memory_space<vmem>> -> memref<80xi32, #tpu.memory_space<vmem>>
    %dma_wait3A_202 = arith.constant 0 : i32
    %dma_wait3A_203 = arith.constant 0 : i32
    %dma_wait3A_204 = tpu.memref_slice %arg2[%dma_wait3A_202, %dma_wait3A_203] : memref<1024x64xf32, #tpu.memory_space<hbm>> -> memref<1024x64xf32, #tpu.memory_space<hbm>>
    tpu.wait_indirect_dma semaphore(%arg7 : memref<!tpu.dma_semaphore, #tpu.memory_space<semaphore_mem>>) src(%dma_wait3A_204 : memref<1024x64xf32, #tpu.memory_space<hbm>>) dst(%dma_wait3A_198 : memref<80x64xf32, #tpu.memory_space<vmem>>)
    %mul3A_205 = arith.constant 800 : i32
    %mul3A_206 = arith.muli %add3A, %mul3A_205 : i32
    %add3A_207 = arith.constant 320 : i32
    %add3A_208 = arith.addi %mul3A_206, %add3A_207 : i32
    %dma_start3A_209 = arith.constant 320 : i32
    %dma_start3A_210 = arith.constant 0 : i32
    %dma_start3A_211 = tpu.memref_slice %arg6[%dma_start3A_209, %dma_start3A_210] : memref<800x64xf32, #tpu.memory_space<vmem>> -> memref<80x64xf32, #tpu.memory_space<vmem>>
    %dma_start3A_212 = arith.constant 0 : i32
    %dma_start3A_213 = tpu.memref_slice %arg4[%add3A_208, %dma_start3A_212] : memref<25600x64xf32, #tpu.memory_space<hbm>> -> memref<80x64xf32, #tpu.memory_space<hbm>>
    %dma_start3A_214 = arith.constant 0 : i32
    %dma_start3A_215 = tpu.memref_slice %arg4[%add3A_208, %dma_start3A_214] : memref<25600x64xf32, #tpu.memory_space<hbm>> -> memref<80x64xf32, #tpu.memory_space<hbm>>
    %dma_start3A_216 = arith.constant 320 : i32
    %dma_start3A_217 = arith.constant 0 : i32
    %dma_start3A_218 = tpu.memref_slice %arg6[%dma_start3A_216, %dma_start3A_217] : memref<800x64xf32, #tpu.memory_space<vmem>> -> memref<80x64xf32, #tpu.memory_space<vmem>>
    tpu.enqueue_dma source(%dma_start3A_218 : memref<80x64xf32, #tpu.memory_space<vmem>>) target(%dma_start3A_215 : memref<80x64xf32, #tpu.memory_space<hbm>>) target_semaphore(%arg8 : memref<!tpu.dma_semaphore, #tpu.memory_space<semaphore_mem>>)
    %dma_wait3A_219 = arith.constant 5 : i32
    %dma_wait3A_220 = arith.constant 400 : i32
    %dma_wait3A_221 = arith.constant 0 : i32
    %dma_wait3A_222 = tpu.memref_slice %arg6[%dma_wait3A_220, %dma_wait3A_221] : memref<800x64xf32, #tpu.memory_space<vmem>> -> memref<80x64xf32, #tpu.memory_space<vmem>>
    %dma_wait3A_223 = arith.constant 0 : i32
    %dma_wait3A_224 = tpu.memref_slice %arg5[%dma_wait3A_219, %dma_wait3A_223] : memref<10x80xi32, #tpu.memory_space<vmem>> -> memref<1x80xi32, #tpu.memory_space<vmem>>
    %dma_wait3A_225 = tpu.memref_squeeze %dma_wait3A_224 : memref<1x80xi32, #tpu.memory_space<vmem>> -> memref<80xi32, #tpu.memory_space<vmem>>
    %dma_wait3A_226 = arith.constant 0 : i32
    %dma_wait3A_227 = arith.constant 0 : i32
    %dma_wait3A_228 = tpu.memref_slice %arg2[%dma_wait3A_226, %dma_wait3A_227] : memref<1024x64xf32, #tpu.memory_space<hbm>> -> memref<1024x64xf32, #tpu.memory_space<hbm>>
    tpu.wait_indirect_dma semaphore(%arg7 : memref<!tpu.dma_semaphore, #tpu.memory_space<semaphore_mem>>) src(%dma_wait3A_228 : memref<1024x64xf32, #tpu.memory_space<hbm>>) dst(%dma_wait3A_222 : memref<80x64xf32, #tpu.memory_space<vmem>>)
    %mul3A_229 = arith.constant 800 : i32
    %mul3A_230 = arith.muli %add3A, %mul3A_229 : i32
    %add3A_231 = arith.constant 400 : i32
    %add3A_232 = arith.addi %mul3A_230, %add3A_231 : i32
    %dma_start3A_233 = arith.constant 400 : i32
    %dma_start3A_234 = arith.constant 0 : i32
    %dma_start3A_235 = tpu.memref_slice %arg6[%dma_start3A_233, %dma_start3A_234] : memref<800x64xf32, #tpu.memory_space<vmem>> -> memref<80x64xf32, #tpu.memory_space<vmem>>
    %dma_start3A_236 = arith.constant 0 : i32
    %dma_start3A_237 = tpu.memref_slice %arg4[%add3A_232, %dma_start3A_236] : memref<25600x64xf32, #tpu.memory_space<hbm>> -> memref<80x64xf32, #tpu.memory_space<hbm>>
    %dma_start3A_238 = arith.constant 0 : i32
    %dma_start3A_239 = tpu.memref_slice %arg4[%add3A_232, %dma_start3A_238] : memref<25600x64xf32, #tpu.memory_space<hbm>> -> memref<80x64xf32, #tpu.memory_space<hbm>>
    %dma_start3A_240 = arith.constant 400 : i32
    %dma_start3A_241 = arith.constant 0 : i32
    %dma_start3A_242 = tpu.memref_slice %arg6[%dma_start3A_240, %dma_start3A_241] : memref<800x64xf32, #tpu.memory_space<vmem>> -> memref<80x64xf32, #tpu.memory_space<vmem>>
    tpu.enqueue_dma source(%dma_start3A_242 : memref<80x64xf32, #tpu.memory_space<vmem>>) target(%dma_start3A_239 : memref<80x64xf32, #tpu.memory_space<hbm>>) target_semaphore(%arg8 : memref<!tpu.dma_semaphore, #tpu.memory_space<semaphore_mem>>)
    %dma_wait3A_243 = arith.constant 6 : i32
    %dma_wait3A_244 = arith.constant 480 : i32
    %dma_wait3A_245 = arith.constant 0 : i32
    %dma_wait3A_246 = tpu.memref_slice %arg6[%dma_wait3A_244, %dma_wait3A_245] : memref<800x64xf32, #tpu.memory_space<vmem>> -> memref<80x64xf32, #tpu.memory_space<vmem>>
    %dma_wait3A_247 = arith.constant 0 : i32
    %dma_wait3A_248 = tpu.memref_slice %arg5[%dma_wait3A_243, %dma_wait3A_247] : memref<10x80xi32, #tpu.memory_space<vmem>> -> memref<1x80xi32, #tpu.memory_space<vmem>>
    %dma_wait3A_249 = tpu.memref_squeeze %dma_wait3A_248 : memref<1x80xi32, #tpu.memory_space<vmem>> -> memref<80xi32, #tpu.memory_space<vmem>>
    %dma_wait3A_250 = arith.constant 0 : i32
    %dma_wait3A_251 = arith.constant 0 : i32
    %dma_wait3A_252 = tpu.memref_slice %arg2[%dma_wait3A_250, %dma_wait3A_251] : memref<1024x64xf32, #tpu.memory_space<hbm>> -> memref<1024x64xf32, #tpu.memory_space<hbm>>
    tpu.wait_indirect_dma semaphore(%arg7 : memref<!tpu.dma_semaphore, #tpu.memory_space<semaphore_mem>>) src(%dma_wait3A_252 : memref<1024x64xf32, #tpu.memory_space<hbm>>) dst(%dma_wait3A_246 : memref<80x64xf32, #tpu.memory_space<vmem>>)
    %mul3A_253 = arith.constant 800 : i32
    %mul3A_254 = arith.muli %add3A, %mul3A_253 : i32
    %add3A_255 = arith.constant 480 : i32
    %add3A_256 = arith.addi %mul3A_254, %add3A_255 : i32
    %dma_start3A_257 = arith.constant 480 : i32
    %dma_start3A_258 = arith.constant 0 : i32
    %dma_start3A_259 = tpu.memref_slice %arg6[%dma_start3A_257, %dma_start3A_258] : memref<800x64xf32, #tpu.memory_space<vmem>> -> memref<80x64xf32, #tpu.memory_space<vmem>>
    %dma_start3A_260 = arith.constant 0 : i32
    %dma_start3A_261 = tpu.memref_slice %arg4[%add3A_256, %dma_start3A_260] : memref<25600x64xf32, #tpu.memory_space<hbm>> -> memref<80x64xf32, #tpu.memory_space<hbm>>
    %dma_start3A_262 = arith.constant 0 : i32
    %dma_start3A_263 = tpu.memref_slice %arg4[%add3A_256, %dma_start3A_262] : memref<25600x64xf32, #tpu.memory_space<hbm>> -> memref<80x64xf32, #tpu.memory_space<hbm>>
    %dma_start3A_264 = arith.constant 480 : i32
    %dma_start3A_265 = arith.constant 0 : i32
    %dma_start3A_266 = tpu.memref_slice %arg6[%dma_start3A_264, %dma_start3A_265] : memref<800x64xf32, #tpu.memory_space<vmem>> -> memref<80x64xf32, #tpu.memory_space<vmem>>
    tpu.enqueue_dma source(%dma_start3A_266 : memref<80x64xf32, #tpu.memory_space<vmem>>) target(%dma_start3A_263 : memref<80x64xf32, #tpu.memory_space<hbm>>) target_semaphore(%arg8 : memref<!tpu.dma_semaphore, #tpu.memory_space<semaphore_mem>>)
    %dma_wait3A_267 = arith.constant 7 : i32
    %dma_wait3A_268 = arith.constant 560 : i32
    %dma_wait3A_269 = arith.constant 0 : i32
    %dma_wait3A_270 = tpu.memref_slice %arg6[%dma_wait3A_268, %dma_wait3A_269] : memref<800x64xf32, #tpu.memory_space<vmem>> -> memref<80x64xf32, #tpu.memory_space<vmem>>
    %dma_wait3A_271 = arith.constant 0 : i32
    %dma_wait3A_272 = tpu.memref_slice %arg5[%dma_wait3A_267, %dma_wait3A_271] : memref<10x80xi32, #tpu.memory_space<vmem>> -> memref<1x80xi32, #tpu.memory_space<vmem>>
    %dma_wait3A_273 = tpu.memref_squeeze %dma_wait3A_272 : memref<1x80xi32, #tpu.memory_space<vmem>> -> memref<80xi32, #tpu.memory_space<vmem>>
    %dma_wait3A_274 = arith.constant 0 : i32
    %dma_wait3A_275 = arith.constant 0 : i32
    %dma_wait3A_276 = tpu.memref_slice %arg2[%dma_wait3A_274, %dma_wait3A_275] : memref<1024x64xf32, #tpu.memory_space<hbm>> -> memref<1024x64xf32, #tpu.memory_space<hbm>>
    tpu.wait_indirect_dma semaphore(%arg7 : memref<!tpu.dma_semaphore, #tpu.memory_space<semaphore_mem>>) src(%dma_wait3A_276 : memref<1024x64xf32, #tpu.memory_space<hbm>>) dst(%dma_wait3A_270 : memref<80x64xf32, #tpu.memory_space<vmem>>)
    %mul3A_277 = arith.constant 800 : i32
    %mul3A_278 = arith.muli %add3A, %mul3A_277 : i32
    %add3A_279 = arith.constant 560 : i32
    %add3A_280 = arith.addi %mul3A_278, %add3A_279 : i32
    %dma_start3A_281 = arith.constant 560 : i32
    %dma_start3A_282 = arith.constant 0 : i32
    %dma_start3A_283 = tpu.memref_slice %arg6[%dma_start3A_281, %dma_start3A_282] : memref<800x64xf32, #tpu.memory_space<vmem>> -> memref<80x64xf32, #tpu.memory_space<vmem>>
    %dma_start3A_284 = arith.constant 0 : i32
    %dma_start3A_285 = tpu.memref_slice %arg4[%add3A_280, %dma_start3A_284] : memref<25600x64xf32, #tpu.memory_space<hbm>> -> memref<80x64xf32, #tpu.memory_space<hbm>>
    %dma_start3A_286 = arith.constant 0 : i32
    %dma_start3A_287 = tpu.memref_slice %arg4[%add3A_280, %dma_start3A_286] : memref<25600x64xf32, #tpu.memory_space<hbm>> -> memref<80x64xf32, #tpu.memory_space<hbm>>
    %dma_start3A_288 = arith.constant 560 : i32
    %dma_start3A_289 = arith.constant 0 : i32
    %dma_start3A_290 = tpu.memref_slice %arg6[%dma_start3A_288, %dma_start3A_289] : memref<800x64xf32, #tpu.memory_space<vmem>> -> memref<80x64xf32, #tpu.memory_space<vmem>>
    tpu.enqueue_dma source(%dma_start3A_290 : memref<80x64xf32, #tpu.memory_space<vmem>>) target(%dma_start3A_287 : memref<80x64xf32, #tpu.memory_space<hbm>>) target_semaphore(%arg8 : memref<!tpu.dma_semaphore, #tpu.memory_space<semaphore_mem>>)
    %dma_wait3A_291 = arith.constant 8 : i32
    %dma_wait3A_292 = arith.constant 640 : i32
    %dma_wait3A_293 = arith.constant 0 : i32
    %dma_wait3A_294 = tpu.memref_slice %arg6[%dma_wait3A_292, %dma_wait3A_293] : memref<800x64xf32, #tpu.memory_space<vmem>> -> memref<80x64xf32, #tpu.memory_space<vmem>>
    %dma_wait3A_295 = arith.constant 0 : i32
    %dma_wait3A_296 = tpu.memref_slice %arg5[%dma_wait3A_291, %dma_wait3A_295] : memref<10x80xi32, #tpu.memory_space<vmem>> -> memref<1x80xi32, #tpu.memory_space<vmem>>
    %dma_wait3A_297 = tpu.memref_squeeze %dma_wait3A_296 : memref<1x80xi32, #tpu.memory_space<vmem>> -> memref<80xi32, #tpu.memory_space<vmem>>
    %dma_wait3A_298 = arith.constant 0 : i32
    %dma_wait3A_299 = arith.constant 0 : i32
    %dma_wait3A_300 = tpu.memref_slice %arg2[%dma_wait3A_298, %dma_wait3A_299] : memref<1024x64xf32, #tpu.memory_space<hbm>> -> memref<1024x64xf32, #tpu.memory_space<hbm>>
    tpu.wait_indirect_dma semaphore(%arg7 : memref<!tpu.dma_semaphore, #tpu.memory_space<semaphore_mem>>) src(%dma_wait3A_300 : memref<1024x64xf32, #tpu.memory_space<hbm>>) dst(%dma_wait3A_294 : memref<80x64xf32, #tpu.memory_space<vmem>>)
    %mul3A_301 = arith.constant 800 : i32
    %mul3A_302 = arith.muli %add3A, %mul3A_301 : i32
    %add3A_303 = arith.constant 640 : i32
    %add3A_304 = arith.addi %mul3A_302, %add3A_303 : i32
    %dma_start3A_305 = arith.constant 640 : i32
    %dma_start3A_306 = arith.constant 0 : i32
    %dma_start3A_307 = tpu.memref_slice %arg6[%dma_start3A_305, %dma_start3A_306] : memref<800x64xf32, #tpu.memory_space<vmem>> -> memref<80x64xf32, #tpu.memory_space<vmem>>
    %dma_start3A_308 = arith.constant 0 : i32
    %dma_start3A_309 = tpu.memref_slice %arg4[%add3A_304, %dma_start3A_308] : memref<25600x64xf32, #tpu.memory_space<hbm>> -> memref<80x64xf32, #tpu.memory_space<hbm>>
    %dma_start3A_310 = arith.constant 0 : i32
    %dma_start3A_311 = tpu.memref_slice %arg4[%add3A_304, %dma_start3A_310] : memref<25600x64xf32, #tpu.memory_space<hbm>> -> memref<80x64xf32, #tpu.memory_space<hbm>>
    %dma_start3A_312 = arith.constant 640 : i32
    %dma_start3A_313 = arith.constant 0 : i32
    %dma_start3A_314 = tpu.memref_slice %arg6[%dma_start3A_312, %dma_start3A_313] : memref<800x64xf32, #tpu.memory_space<vmem>> -> memref<80x64xf32, #tpu.memory_space<vmem>>
    tpu.enqueue_dma source(%dma_start3A_314 : memref<80x64xf32, #tpu.memory_space<vmem>>) target(%dma_start3A_311 : memref<80x64xf32, #tpu.memory_space<hbm>>) target_semaphore(%arg8 : memref<!tpu.dma_semaphore, #tpu.memory_space<semaphore_mem>>)
    %dma_wait3A_315 = arith.constant 9 : i32
    %dma_wait3A_316 = arith.constant 720 : i32
    %dma_wait3A_317 = arith.constant 0 : i32
    %dma_wait3A_318 = tpu.memref_slice %arg6[%dma_wait3A_316, %dma_wait3A_317] : memref<800x64xf32, #tpu.memory_space<vmem>> -> memref<80x64xf32, #tpu.memory_space<vmem>>
    %dma_wait3A_319 = arith.constant 0 : i32
    %dma_wait3A_320 = tpu.memref_slice %arg5[%dma_wait3A_315, %dma_wait3A_319] : memref<10x80xi32, #tpu.memory_space<vmem>> -> memref<1x80xi32, #tpu.memory_space<vmem>>
    %dma_wait3A_321 = tpu.memref_squeeze %dma_wait3A_320 : memref<1x80xi32, #tpu.memory_space<vmem>> -> memref<80xi32, #tpu.memory_space<vmem>>
    %dma_wait3A_322 = arith.constant 0 : i32
    %dma_wait3A_323 = arith.constant 0 : i32
    %dma_wait3A_324 = tpu.memref_slice %arg2[%dma_wait3A_322, %dma_wait3A_323] : memref<1024x64xf32, #tpu.memory_space<hbm>> -> memref<1024x64xf32, #tpu.memory_space<hbm>>
    tpu.wait_indirect_dma semaphore(%arg7 : memref<!tpu.dma_semaphore, #tpu.memory_space<semaphore_mem>>) src(%dma_wait3A_324 : memref<1024x64xf32, #tpu.memory_space<hbm>>) dst(%dma_wait3A_318 : memref<80x64xf32, #tpu.memory_space<vmem>>)
    %mul3A_325 = arith.constant 800 : i32
    %mul3A_326 = arith.muli %add3A, %mul3A_325 : i32
    %add3A_327 = arith.constant 720 : i32
    %add3A_328 = arith.addi %mul3A_326, %add3A_327 : i32
    %dma_start3A_329 = arith.constant 720 : i32
    %dma_start3A_330 = arith.constant 0 : i32
    %dma_start3A_331 = tpu.memref_slice %arg6[%dma_start3A_329, %dma_start3A_330] : memref<800x64xf32, #tpu.memory_space<vmem>> -> memref<80x64xf32, #tpu.memory_space<vmem>>
    %dma_start3A_332 = arith.constant 0 : i32
    %dma_start3A_333 = tpu.memref_slice %arg4[%add3A_328, %dma_start3A_332] : memref<25600x64xf32, #tpu.memory_space<hbm>> -> memref<80x64xf32, #tpu.memory_space<hbm>>
    %dma_start3A_334 = arith.constant 0 : i32
    %dma_start3A_335 = tpu.memref_slice %arg4[%add3A_328, %dma_start3A_334] : memref<25600x64xf32, #tpu.memory_space<hbm>> -> memref<80x64xf32, #tpu.memory_space<hbm>>
    %dma_start3A_336 = arith.constant 720 : i32
    %dma_start3A_337 = arith.constant 0 : i32
    %dma_start3A_338 = tpu.memref_slice %arg6[%dma_start3A_336, %dma_start3A_337] : memref<800x64xf32, #tpu.memory_space<vmem>> -> memref<80x64xf32, #tpu.memory_space<vmem>>
    tpu.enqueue_dma source(%dma_start3A_338 : memref<80x64xf32, #tpu.memory_space<vmem>>) target(%dma_start3A_335 : memref<80x64xf32, #tpu.memory_space<hbm>>) target_semaphore(%arg8 : memref<!tpu.dma_semaphore, #tpu.memory_space<semaphore_mem>>)
    %dma_wait3A_339 = arith.constant 0 : i32
    %dma_wait3A_340 = arith.constant 0 : i32
    %dma_wait3A_341 = tpu.memref_slice %arg6[%dma_wait3A_339, %dma_wait3A_340] : memref<800x64xf32, #tpu.memory_space<vmem>> -> memref<80x64xf32, #tpu.memory_space<vmem>>
    %dma_wait3A_342 = arith.constant 0 : i32
    %dma_wait3A_343 = tpu.memref_slice %arg4[%add3A_112, %dma_wait3A_342] : memref<25600x64xf32, #tpu.memory_space<hbm>> -> memref<80x64xf32, #tpu.memory_space<hbm>>
    %dma_wait3A_344 = arith.constant 0 : i32
    %dma_wait3A_345 = tpu.memref_slice %arg4[%add3A_112, %dma_wait3A_344] : memref<25600x64xf32, #tpu.memory_space<hbm>> -> memref<80x64xf32, #tpu.memory_space<hbm>>
    %dma_wait3A_346 = arith.constant 0 : i32
    %dma_wait3A_347 = arith.constant 0 : i32
    %dma_wait3A_348 = tpu.memref_slice %arg6[%dma_wait3A_346, %dma_wait3A_347] : memref<800x64xf32, #tpu.memory_space<vmem>> -> memref<80x64xf32, #tpu.memory_space<vmem>>
    tpu.wait_dma2 semaphore(%arg8 : memref<!tpu.dma_semaphore, #tpu.memory_space<semaphore_mem>>) src(%dma_wait3A_348 : memref<80x64xf32, #tpu.memory_space<vmem>>) dst(%dma_wait3A_345 : memref<80x64xf32, #tpu.memory_space<hbm>>)
    %dma_wait3A_349 = arith.constant 80 : i32
    %dma_wait3A_350 = arith.constant 0 : i32
    %dma_wait3A_351 = tpu.memref_slice %arg6[%dma_wait3A_349, %dma_wait3A_350] : memref<800x64xf32, #tpu.memory_space<vmem>> -> memref<80x64xf32, #tpu.memory_space<vmem>>
    %dma_wait3A_352 = arith.constant 0 : i32
    %dma_wait3A_353 = tpu.memref_slice %arg4[%add3A_136, %dma_wait3A_352] : memref<25600x64xf32, #tpu.memory_space<hbm>> -> memref<80x64xf32, #tpu.memory_space<hbm>>
    %dma_wait3A_354 = arith.constant 0 : i32
    %dma_wait3A_355 = tpu.memref_slice %arg4[%add3A_136, %dma_wait3A_354] : memref<25600x64xf32, #tpu.memory_space<hbm>> -> memref<80x64xf32, #tpu.memory_space<hbm>>
    %dma_wait3A_356 = arith.constant 80 : i32
    %dma_wait3A_357 = arith.constant 0 : i32
    %dma_wait3A_358 = tpu.memref_slice %arg6[%dma_wait3A_356, %dma_wait3A_357] : memref<800x64xf32, #tpu.memory_space<vmem>> -> memref<80x64xf32, #tpu.memory_space<vmem>>
    tpu.wait_dma2 semaphore(%arg8 : memref<!tpu.dma_semaphore, #tpu.memory_space<semaphore_mem>>) src(%dma_wait3A_358 : memref<80x64xf32, #tpu.memory_space<vmem>>) dst(%dma_wait3A_355 : memref<80x64xf32, #tpu.memory_space<hbm>>)
    %dma_wait3A_359 = arith.constant 160 : i32
    %dma_wait3A_360 = arith.constant 0 : i32
    %dma_wait3A_361 = tpu.memref_slice %arg6[%dma_wait3A_359, %dma_wait3A_360] : memref<800x64xf32, #tpu.memory_space<vmem>> -> memref<80x64xf32, #tpu.memory_space<vmem>>
    %dma_wait3A_362 = arith.constant 0 : i32
    %dma_wait3A_363 = tpu.memref_slice %arg4[%add3A_160, %dma_wait3A_362] : memref<25600x64xf32, #tpu.memory_space<hbm>> -> memref<80x64xf32, #tpu.memory_space<hbm>>
    %dma_wait3A_364 = arith.constant 0 : i32
    %dma_wait3A_365 = tpu.memref_slice %arg4[%add3A_160, %dma_wait3A_364] : memref<25600x64xf32, #tpu.memory_space<hbm>> -> memref<80x64xf32, #tpu.memory_space<hbm>>
    %dma_wait3A_366 = arith.constant 160 : i32
    %dma_wait3A_367 = arith.constant 0 : i32
    %dma_wait3A_368 = tpu.memref_slice %arg6[%dma_wait3A_366, %dma_wait3A_367] : memref<800x64xf32, #tpu.memory_space<vmem>> -> memref<80x64xf32, #tpu.memory_space<vmem>>
    tpu.wait_dma2 semaphore(%arg8 : memref<!tpu.dma_semaphore, #tpu.memory_space<semaphore_mem>>) src(%dma_wait3A_368 : memref<80x64xf32, #tpu.memory_space<vmem>>) dst(%dma_wait3A_365 : memref<80x64xf32, #tpu.memory_space<hbm>>)
    %dma_wait3A_369 = arith.constant 240 : i32
    %dma_wait3A_370 = arith.constant 0 : i32
    %dma_wait3A_371 = tpu.memref_slice %arg6[%dma_wait3A_369, %dma_wait3A_370] : memref<800x64xf32, #tpu.memory_space<vmem>> -> memref<80x64xf32, #tpu.memory_space<vmem>>
    %dma_wait3A_372 = arith.constant 0 : i32
    %dma_wait3A_373 = tpu.memref_slice %arg4[%add3A_184, %dma_wait3A_372] : memref<25600x64xf32, #tpu.memory_space<hbm>> -> memref<80x64xf32, #tpu.memory_space<hbm>>
    %dma_wait3A_374 = arith.constant 0 : i32
    %dma_wait3A_375 = tpu.memref_slice %arg4[%add3A_184, %dma_wait3A_374] : memref<25600x64xf32, #tpu.memory_space<hbm>> -> memref<80x64xf32, #tpu.memory_space<hbm>>
    %dma_wait3A_376 = arith.constant 240 : i32
    %dma_wait3A_377 = arith.constant 0 : i32
    %dma_wait3A_378 = tpu.memref_slice %arg6[%dma_wait3A_376, %dma_wait3A_377] : memref<800x64xf32, #tpu.memory_space<vmem>> -> memref<80x64xf32, #tpu.memory_space<vmem>>
    tpu.wait_dma2 semaphore(%arg8 : memref<!tpu.dma_semaphore, #tpu.memory_space<semaphore_mem>>) src(%dma_wait3A_378 : memref<80x64xf32, #tpu.memory_space<vmem>>) dst(%dma_wait3A_375 : memref<80x64xf32, #tpu.memory_space<hbm>>)
    %dma_wait3A_379 = arith.constant 320 : i32
    %dma_wait3A_380 = arith.constant 0 : i32
    %dma_wait3A_381 = tpu.memref_slice %arg6[%dma_wait3A_379, %dma_wait3A_380] : memref<800x64xf32, #tpu.memory_space<vmem>> -> memref<80x64xf32, #tpu.memory_space<vmem>>
    %dma_wait3A_382 = arith.constant 0 : i32
    %dma_wait3A_383 = tpu.memref_slice %arg4[%add3A_208, %dma_wait3A_382] : memref<25600x64xf32, #tpu.memory_space<hbm>> -> memref<80x64xf32, #tpu.memory_space<hbm>>
    %dma_wait3A_384 = arith.constant 0 : i32
    %dma_wait3A_385 = tpu.memref_slice %arg4[%add3A_208, %dma_wait3A_384] : memref<25600x64xf32, #tpu.memory_space<hbm>> -> memref<80x64xf32, #tpu.memory_space<hbm>>
    %dma_wait3A_386 = arith.constant 320 : i32
    %dma_wait3A_387 = arith.constant 0 : i32
    %dma_wait3A_388 = tpu.memref_slice %arg6[%dma_wait3A_386, %dma_wait3A_387] : memref<800x64xf32, #tpu.memory_space<vmem>> -> memref<80x64xf32, #tpu.memory_space<vmem>>
    tpu.wait_dma2 semaphore(%arg8 : memref<!tpu.dma_semaphore, #tpu.memory_space<semaphore_mem>>) src(%dma_wait3A_388 : memref<80x64xf32, #tpu.memory_space<vmem>>) dst(%dma_wait3A_385 : memref<80x64xf32, #tpu.memory_space<hbm>>)
    %dma_wait3A_389 = arith.constant 400 : i32
    %dma_wait3A_390 = arith.constant 0 : i32
    %dma_wait3A_391 = tpu.memref_slice %arg6[%dma_wait3A_389, %dma_wait3A_390] : memref<800x64xf32, #tpu.memory_space<vmem>> -> memref<80x64xf32, #tpu.memory_space<vmem>>
    %dma_wait3A_392 = arith.constant 0 : i32
    %dma_wait3A_393 = tpu.memref_slice %arg4[%add3A_232, %dma_wait3A_392] : memref<25600x64xf32, #tpu.memory_space<hbm>> -> memref<80x64xf32, #tpu.memory_space<hbm>>
    %dma_wait3A_394 = arith.constant 0 : i32
    %dma_wait3A_395 = tpu.memref_slice %arg4[%add3A_232, %dma_wait3A_394] : memref<25600x64xf32, #tpu.memory_space<hbm>> -> memref<80x64xf32, #tpu.memory_space<hbm>>
    %dma_wait3A_396 = arith.constant 400 : i32
    %dma_wait3A_397 = arith.constant 0 : i32
    %dma_wait3A_398 = tpu.memref_slice %arg6[%dma_wait3A_396, %dma_wait3A_397] : memref<800x64xf32, #tpu.memory_space<vmem>> -> memref<80x64xf32, #tpu.memory_space<vmem>>
    tpu.wait_dma2 semaphore(%arg8 : memref<!tpu.dma_semaphore, #tpu.memory_space<semaphore_mem>>) src(%dma_wait3A_398 : memref<80x64xf32, #tpu.memory_space<vmem>>) dst(%dma_wait3A_395 : memref<80x64xf32, #tpu.memory_space<hbm>>)
    %dma_wait3A_399 = arith.constant 480 : i32
    %dma_wait3A_400 = arith.constant 0 : i32
    %dma_wait3A_401 = tpu.memref_slice %arg6[%dma_wait3A_399, %dma_wait3A_400] : memref<800x64xf32, #tpu.memory_space<vmem>> -> memref<80x64xf32, #tpu.memory_space<vmem>>
    %dma_wait3A_402 = arith.constant 0 : i32
    %dma_wait3A_403 = tpu.memref_slice %arg4[%add3A_256, %dma_wait3A_402] : memref<25600x64xf32, #tpu.memory_space<hbm>> -> memref<80x64xf32, #tpu.memory_space<hbm>>
    %dma_wait3A_404 = arith.constant 0 : i32
    %dma_wait3A_405 = tpu.memref_slice %arg4[%add3A_256, %dma_wait3A_404] : memref<25600x64xf32, #tpu.memory_space<hbm>> -> memref<80x64xf32, #tpu.memory_space<hbm>>
    %dma_wait3A_406 = arith.constant 480 : i32
    %dma_wait3A_407 = arith.constant 0 : i32
    %dma_wait3A_408 = tpu.memref_slice %arg6[%dma_wait3A_406, %dma_wait3A_407] : memref<800x64xf32, #tpu.memory_space<vmem>> -> memref<80x64xf32, #tpu.memory_space<vmem>>
    tpu.wait_dma2 semaphore(%arg8 : memref<!tpu.dma_semaphore, #tpu.memory_space<semaphore_mem>>) src(%dma_wait3A_408 : memref<80x64xf32, #tpu.memory_space<vmem>>) dst(%dma_wait3A_405 : memref<80x64xf32, #tpu.memory_space<hbm>>)
    %dma_wait3A_409 = arith.constant 560 : i32
    %dma_wait3A_410 = arith.constant 0 : i32
    %dma_wait3A_411 = tpu.memref_slice %arg6[%dma_wait3A_409, %dma_wait3A_410] : memref<800x64xf32, #tpu.memory_space<vmem>> -> memref<80x64xf32, #tpu.memory_space<vmem>>
    %dma_wait3A_412 = arith.constant 0 : i32
    %dma_wait3A_413 = tpu.memref_slice %arg4[%add3A_280, %dma_wait3A_412] : memref<25600x64xf32, #tpu.memory_space<hbm>> -> memref<80x64xf32, #tpu.memory_space<hbm>>
    %dma_wait3A_414 = arith.constant 0 : i32
    %dma_wait3A_415 = tpu.memref_slice %arg4[%add3A_280, %dma_wait3A_414] : memref<25600x64xf32, #tpu.memory_space<hbm>> -> memref<80x64xf32, #tpu.memory_space<hbm>>
    %dma_wait3A_416 = arith.constant 560 : i32
    %dma_wait3A_417 = arith.constant 0 : i32
    %dma_wait3A_418 = tpu.memref_slice %arg6[%dma_wait3A_416, %dma_wait3A_417] : memref<800x64xf32, #tpu.memory_space<vmem>> -> memref<80x64xf32, #tpu.memory_space<vmem>>
    tpu.wait_dma2 semaphore(%arg8 : memref<!tpu.dma_semaphore, #tpu.memory_space<semaphore_mem>>) src(%dma_wait3A_418 : memref<80x64xf32, #tpu.memory_space<vmem>>) dst(%dma_wait3A_415 : memref<80x64xf32, #tpu.memory_space<hbm>>)
    %dma_wait3A_419 = arith.constant 640 : i32
    %dma_wait3A_420 = arith.constant 0 : i32
    %dma_wait3A_421 = tpu.memref_slice %arg6[%dma_wait3A_419, %dma_wait3A_420] : memref<800x64xf32, #tpu.memory_space<vmem>> -> memref<80x64xf32, #tpu.memory_space<vmem>>
    %dma_wait3A_422 = arith.constant 0 : i32
    %dma_wait3A_423 = tpu.memref_slice %arg4[%add3A_304, %dma_wait3A_422] : memref<25600x64xf32, #tpu.memory_space<hbm>> -> memref<80x64xf32, #tpu.memory_space<hbm>>
    %dma_wait3A_424 = arith.constant 0 : i32
    %dma_wait3A_425 = tpu.memref_slice %arg4[%add3A_304, %dma_wait3A_424] : memref<25600x64xf32, #tpu.memory_space<hbm>> -> memref<80x64xf32, #tpu.memory_space<hbm>>
    %dma_wait3A_426 = arith.constant 640 : i32
    %dma_wait3A_427 = arith.constant 0 : i32
    %dma_wait3A_428 = tpu.memref_slice %arg6[%dma_wait3A_426, %dma_wait3A_427] : memref<800x64xf32, #tpu.memory_space<vmem>> -> memref<80x64xf32, #tpu.memory_space<vmem>>
    tpu.wait_dma2 semaphore(%arg8 : memref<!tpu.dma_semaphore, #tpu.memory_space<semaphore_mem>>) src(%dma_wait3A_428 : memref<80x64xf32, #tpu.memory_space<vmem>>) dst(%dma_wait3A_425 : memref<80x64xf32, #tpu.memory_space<hbm>>)
    %dma_wait3A_429 = arith.constant 720 : i32
    %dma_wait3A_430 = arith.constant 0 : i32
    %dma_wait3A_431 = tpu.memref_slice %arg6[%dma_wait3A_429, %dma_wait3A_430] : memref<800x64xf32, #tpu.memory_space<vmem>> -> memref<80x64xf32, #tpu.memory_space<vmem>>
    %dma_wait3A_432 = arith.constant 0 : i32
    %dma_wait3A_433 = tpu.memref_slice %arg4[%add3A_328, %dma_wait3A_432] : memref<25600x64xf32, #tpu.memory_space<hbm>> -> memref<80x64xf32, #tpu.memory_space<hbm>>
    %dma_wait3A_434 = arith.constant 0 : i32
    %dma_wait3A_435 = tpu.memref_slice %arg4[%add3A_328, %dma_wait3A_434] : memref<25600x64xf32, #tpu.memory_space<hbm>> -> memref<80x64xf32, #tpu.memory_space<hbm>>
    %dma_wait3A_436 = arith.constant 720 : i32
    %dma_wait3A_437 = arith.constant 0 : i32
    %dma_wait3A_438 = tpu.memref_slice %arg6[%dma_wait3A_436, %dma_wait3A_437] : memref<800x64xf32, #tpu.memory_space<vmem>> -> memref<80x64xf32, #tpu.memory_space<vmem>>
    tpu.wait_dma2 semaphore(%arg8 : memref<!tpu.dma_semaphore, #tpu.memory_space<semaphore_mem>>) src(%dma_wait3A_438 : memref<80x64xf32, #tpu.memory_space<vmem>>) dst(%dma_wait3A_435 : memref<80x64xf32, #tpu.memory_space<hbm>>)
    return
  }
}

module attributes {stable_mosaic.version = 14 : i64} {
  func.func @_tc1_body(%arg0: memref<256x50x128xf32, #tpu.memory_space<vmem>>, %arg1: memref<512x50xi32, #tpu.memory_space<vmem>>, %arg2: memref<256x64xf32, #tpu.memory_space<vmem>>, %arg3: memref<256x64xf32, #tpu.memory_space<vmem>>, %arg4: memref<256xf32, #tpu.memory_space<vmem>>, %arg5: memref<256xf32, #tpu.memory_space<vmem>>, %arg6: memref<64x64xf32, #tpu.memory_space<vmem>>, %arg7: memref<64xf32, #tpu.memory_space<vmem>>, %arg8: memref<1024x1024xbf16, #tpu.memory_space<vmem>>, %arg9: memref<1024x1024xbf16, #tpu.memory_space<vmem>>, %arg10: memref<1024x64xf32, #tpu.memory_space<vmem>>, %arg11: memref<1024x64xf32, #tpu.memory_space<vmem>>, %arg12: memref<512x64xf32, #tpu.memory_space<vmem>>, %arg13: memref<512x64xf32, #tpu.memory_space<vmem>>) attributes {dimension_semantics = [], scalar_prefetch = 0 : i64, scratch_operands = 2 : i64, tpu.core_type = #tpu.core_type<tc>} {
    %get3A = arith.constant 0 : index
    %get3A_0 = arith.constant 0 : index
    %get3A_1 = vector.load %arg2[%get3A, %get3A_0] : memref<256x64xf32, #tpu.memory_space<vmem>>, vector<256x64xf32>
    %get3A_2 = arith.constant 0 : index
    %get3A_3 = arith.constant 0 : index
    %get3A_4 = vector.load %arg3[%get3A_2, %get3A_3] : memref<256x64xf32, #tpu.memory_space<vmem>>, vector<256x64xf32>
    %broadcast_in_dim3A = arith.constant 0.000000e+00 : f32
    %broadcast_in_dim3A_5 = vector.broadcast %broadcast_in_dim3A : f32 to vector<64x64xf32>
    %slice3A = vector.extract_strided_slice %get3A_1 {offsets = [0, 0], sizes = [64, 64], strides = [1, 1]} : vector<256x64xf32> to vector<64x64xf32>
    %transpose3A = tpu.transpose %slice3A, [1, 0] : vector<64x64xf32> -> vector<64x64xf32>
    %slice3A_6 = vector.extract_strided_slice %get3A_4 {offsets = [0, 0], sizes = [64, 64], strides = [1, 1]} : vector<256x64xf32> to vector<64x64xf32>
    %transpose3A_7 = tpu.transpose %slice3A_6, [1, 0] : vector<64x64xf32> -> vector<64x64xf32>
    %concatenate3A = tpu.concatenate %transpose3A, %broadcast_in_dim3A_5 in 1 : vector<64x64xf32>, vector<64x64xf32> -> vector<64x128xf32>
    %concatenate3A_8 = tpu.concatenate %broadcast_in_dim3A_5, %transpose3A in 1 : vector<64x64xf32>, vector<64x64xf32> -> vector<64x128xf32>
    %concatenate3A_9 = tpu.concatenate %concatenate3A, %concatenate3A_8 in 0 : vector<64x128xf32>, vector<64x128xf32> -> vector<128x128xf32>
    %concatenate3A_10 = tpu.concatenate %transpose3A_7, %broadcast_in_dim3A_5 in 1 : vector<64x64xf32>, vector<64x64xf32> -> vector<64x128xf32>
    %concatenate3A_11 = tpu.concatenate %broadcast_in_dim3A_5, %transpose3A_7 in 1 : vector<64x64xf32>, vector<64x64xf32> -> vector<64x128xf32>
    %concatenate3A_12 = tpu.concatenate %concatenate3A_10, %concatenate3A_11 in 0 : vector<64x128xf32>, vector<64x128xf32> -> vector<128x128xf32>
    %concatenate3A_13 = tpu.concatenate %concatenate3A_9, %concatenate3A_12 in 0 : vector<128x128xf32>, vector<128x128xf32> -> vector<256x128xf32>
    %slice3A_14 = vector.extract_strided_slice %get3A_1 {offsets = [64, 0], sizes = [64, 64], strides = [1, 1]} : vector<256x64xf32> to vector<64x64xf32>
    %transpose3A_15 = tpu.transpose %slice3A_14, [1, 0] : vector<64x64xf32> -> vector<64x64xf32>
    %slice3A_16 = vector.extract_strided_slice %get3A_4 {offsets = [64, 0], sizes = [64, 64], strides = [1, 1]} : vector<256x64xf32> to vector<64x64xf32>
    %transpose3A_17 = tpu.transpose %slice3A_16, [1, 0] : vector<64x64xf32> -> vector<64x64xf32>
    %concatenate3A_18 = tpu.concatenate %transpose3A_15, %broadcast_in_dim3A_5 in 1 : vector<64x64xf32>, vector<64x64xf32> -> vector<64x128xf32>
    %concatenate3A_19 = tpu.concatenate %broadcast_in_dim3A_5, %transpose3A_15 in 1 : vector<64x64xf32>, vector<64x64xf32> -> vector<64x128xf32>
    %concatenate3A_20 = tpu.concatenate %concatenate3A_18, %concatenate3A_19 in 0 : vector<64x128xf32>, vector<64x128xf32> -> vector<128x128xf32>
    %concatenate3A_21 = tpu.concatenate %transpose3A_17, %broadcast_in_dim3A_5 in 1 : vector<64x64xf32>, vector<64x64xf32> -> vector<64x128xf32>
    %concatenate3A_22 = tpu.concatenate %broadcast_in_dim3A_5, %transpose3A_17 in 1 : vector<64x64xf32>, vector<64x64xf32> -> vector<64x128xf32>
    %concatenate3A_23 = tpu.concatenate %concatenate3A_21, %concatenate3A_22 in 0 : vector<64x128xf32>, vector<64x128xf32> -> vector<128x128xf32>
    %concatenate3A_24 = tpu.concatenate %concatenate3A_20, %concatenate3A_23 in 0 : vector<128x128xf32>, vector<128x128xf32> -> vector<256x128xf32>
    %slice3A_25 = vector.extract_strided_slice %get3A_1 {offsets = [128, 0], sizes = [64, 64], strides = [1, 1]} : vector<256x64xf32> to vector<64x64xf32>
    %transpose3A_26 = tpu.transpose %slice3A_25, [1, 0] : vector<64x64xf32> -> vector<64x64xf32>
    %slice3A_27 = vector.extract_strided_slice %get3A_4 {offsets = [128, 0], sizes = [64, 64], strides = [1, 1]} : vector<256x64xf32> to vector<64x64xf32>
    %transpose3A_28 = tpu.transpose %slice3A_27, [1, 0] : vector<64x64xf32> -> vector<64x64xf32>
    %concatenate3A_29 = tpu.concatenate %transpose3A_26, %broadcast_in_dim3A_5 in 1 : vector<64x64xf32>, vector<64x64xf32> -> vector<64x128xf32>
    %concatenate3A_30 = tpu.concatenate %broadcast_in_dim3A_5, %transpose3A_26 in 1 : vector<64x64xf32>, vector<64x64xf32> -> vector<64x128xf32>
    %concatenate3A_31 = tpu.concatenate %concatenate3A_29, %concatenate3A_30 in 0 : vector<64x128xf32>, vector<64x128xf32> -> vector<128x128xf32>
    %concatenate3A_32 = tpu.concatenate %transpose3A_28, %broadcast_in_dim3A_5 in 1 : vector<64x64xf32>, vector<64x64xf32> -> vector<64x128xf32>
    %concatenate3A_33 = tpu.concatenate %broadcast_in_dim3A_5, %transpose3A_28 in 1 : vector<64x64xf32>, vector<64x64xf32> -> vector<64x128xf32>
    %concatenate3A_34 = tpu.concatenate %concatenate3A_32, %concatenate3A_33 in 0 : vector<64x128xf32>, vector<64x128xf32> -> vector<128x128xf32>
    %concatenate3A_35 = tpu.concatenate %concatenate3A_31, %concatenate3A_34 in 0 : vector<128x128xf32>, vector<128x128xf32> -> vector<256x128xf32>
    %slice3A_36 = vector.extract_strided_slice %get3A_1 {offsets = [192, 0], sizes = [64, 64], strides = [1, 1]} : vector<256x64xf32> to vector<64x64xf32>
    %transpose3A_37 = tpu.transpose %slice3A_36, [1, 0] : vector<64x64xf32> -> vector<64x64xf32>
    %slice3A_38 = vector.extract_strided_slice %get3A_4 {offsets = [192, 0], sizes = [64, 64], strides = [1, 1]} : vector<256x64xf32> to vector<64x64xf32>
    %transpose3A_39 = tpu.transpose %slice3A_38, [1, 0] : vector<64x64xf32> -> vector<64x64xf32>
    %concatenate3A_40 = tpu.concatenate %transpose3A_37, %broadcast_in_dim3A_5 in 1 : vector<64x64xf32>, vector<64x64xf32> -> vector<64x128xf32>
    %concatenate3A_41 = tpu.concatenate %broadcast_in_dim3A_5, %transpose3A_37 in 1 : vector<64x64xf32>, vector<64x64xf32> -> vector<64x128xf32>
    %concatenate3A_42 = tpu.concatenate %concatenate3A_40, %concatenate3A_41 in 0 : vector<64x128xf32>, vector<64x128xf32> -> vector<128x128xf32>
    %concatenate3A_43 = tpu.concatenate %transpose3A_39, %broadcast_in_dim3A_5 in 1 : vector<64x64xf32>, vector<64x64xf32> -> vector<64x128xf32>
    %concatenate3A_44 = tpu.concatenate %broadcast_in_dim3A_5, %transpose3A_39 in 1 : vector<64x64xf32>, vector<64x64xf32> -> vector<64x128xf32>
    %concatenate3A_45 = tpu.concatenate %concatenate3A_43, %concatenate3A_44 in 0 : vector<64x128xf32>, vector<64x128xf32> -> vector<128x128xf32>
    %concatenate3A_46 = tpu.concatenate %concatenate3A_42, %concatenate3A_45 in 0 : vector<128x128xf32>, vector<128x128xf32> -> vector<256x128xf32>
    %concatenate3A_47 = tpu.concatenate %concatenate3A_13, %concatenate3A_24, %concatenate3A_35, %concatenate3A_46 in 1 : vector<256x128xf32>, vector<256x128xf32>, vector<256x128xf32>, vector<256x128xf32> -> vector<256x512xf32>
    %convert_element_type3A = arith.truncf %concatenate3A_47 : vector<256x512xf32> to vector<256x512xbf16>
    %get3A_48 = arith.constant 0 : index
    %get3A_49 = vector.load %arg4[%get3A_48] : memref<256xf32, #tpu.memory_space<vmem>>, vector<256xf32>
    %get3A_50 = arith.constant 0 : index
    %get3A_51 = vector.load %arg5[%get3A_50] : memref<256xf32, #tpu.memory_space<vmem>>, vector<256xf32>
    %add3A = arith.addf %get3A_49, %get3A_51 : vector<256xf32>
    %reshape3A = vector.shape_cast %add3A : vector<256xf32> to vector<1x256xf32>
    %slice3A_52 = vector.extract_strided_slice %reshape3A {offsets = [0, 0], sizes = [1, 64], strides = [1, 1]} : vector<1x256xf32> to vector<1x64xf32>
    %concatenate3A_53 = tpu.concatenate %slice3A_52, %slice3A_52 in 1 : vector<1x64xf32>, vector<1x64xf32> -> vector<1x128xf32>
    %slice3A_54 = vector.extract_strided_slice %reshape3A {offsets = [0, 64], sizes = [1, 64], strides = [1, 1]} : vector<1x256xf32> to vector<1x64xf32>
    %concatenate3A_55 = tpu.concatenate %slice3A_54, %slice3A_54 in 1 : vector<1x64xf32>, vector<1x64xf32> -> vector<1x128xf32>
    %slice3A_56 = vector.extract_strided_slice %reshape3A {offsets = [0, 128], sizes = [1, 64], strides = [1, 1]} : vector<1x256xf32> to vector<1x64xf32>
    %concatenate3A_57 = tpu.concatenate %slice3A_56, %slice3A_56 in 1 : vector<1x64xf32>, vector<1x64xf32> -> vector<1x128xf32>
    %slice3A_58 = vector.extract_strided_slice %reshape3A {offsets = [0, 192], sizes = [1, 64], strides = [1, 1]} : vector<1x256xf32> to vector<1x64xf32>
    %concatenate3A_59 = tpu.concatenate %slice3A_58, %slice3A_58 in 1 : vector<1x64xf32>, vector<1x64xf32> -> vector<1x128xf32>
    %concatenate3A_60 = tpu.concatenate %concatenate3A_53, %concatenate3A_55, %concatenate3A_57, %concatenate3A_59 in 1 : vector<1x128xf32>, vector<1x128xf32>, vector<1x128xf32>, vector<1x128xf32> -> vector<1x512xf32>
    %broadcast_in_dim3A_61 = arith.constant 0.000000e+00 : f32
    %broadcast_in_dim3A_62 = vector.broadcast %broadcast_in_dim3A_61 : f32 to vector<256x128xf32>
    %scan3A = arith.constant 0 : i32
    %scan3A_63 = arith.constant 48 : i32
    %scan3A_64 = arith.addi %scan3A, %scan3A_63 : i32
    %scan3A_65 = arith.constant 8 : i32
    %scan3A_66:2 = scf.for %scan3A_276 = %scan3A to %scan3A_64 step %scan3A_65 iter_args(%scan3A_277 = %broadcast_in_dim3A_62, %scan3A_278 = %broadcast_in_dim3A_62) -> (vector<256x128xf32>, vector<256x128xf32>)  : i32 {
      %get3A_279 = arith.constant 0 : index
      %get3A_280 = arith.index_cast %scan3A_276 : i32 to index
      %get3A_281 = arith.constant 0 : index
      %get3A_282 = vector.load %arg0[%get3A_279, %get3A_280, %get3A_281] : memref<256x50x128xf32, #tpu.memory_space<vmem>>, vector<256x1x128xf32>
      %get3A_283 = vector.shape_cast %get3A_282 : vector<256x1x128xf32> to vector<256x128xf32>
      %concatenate3A_284 = tpu.concatenate %get3A_283, %scan3A_277 in 1 : vector<256x128xf32>, vector<256x128xf32> -> vector<256x256xf32>
      %convert_element_type3A_285 = arith.truncf %concatenate3A_284 : vector<256x256xf32> to vector<256x256xbf16>
      %dot_general3A_286 = arith.constant dense<0.000000e+00> : vector<256x512xf32>
      %dot_general3A_287 = tpu.matmul %convert_element_type3A_285, %convert_element_type3A, %dot_general3A_286 {dimension_numbers = #tpu.dot_dimension_numbers<[1], [0], [0], [1], [0, 0, 1, 1], [], []>, transpose_lhs_hint = false} : vector<256x256xbf16>, vector<256x512xbf16>, vector<256x512xf32> -> vector<256x512xf32>
      %add3A_288 = vector.broadcast %concatenate3A_60 : vector<1x512xf32> to vector<256x512xf32>
      %add3A_289 = arith.addf %add3A_288, %dot_general3A_287 : vector<256x512xf32>
      %slice3A_290 = vector.extract_strided_slice %add3A_289 {offsets = [0, 0], sizes = [256, 128], strides = [1, 1]} : vector<256x512xf32> to vector<256x128xf32>
      %logistic3A_291 = arith.negf %slice3A_290 : vector<256x128xf32>
      %logistic3A_292 = math.exp %logistic3A_291 : vector<256x128xf32>
      %logistic3A_293 = arith.constant 1.000000e+00 : f32
      %logistic3A_294 = vector.broadcast %logistic3A_293 : f32 to vector<256x128xf32>
      %logistic3A_295 = arith.addf %logistic3A_294, %logistic3A_292 : vector<256x128xf32>
      %logistic3A_296 = arith.divf %logistic3A_294, %logistic3A_295 : vector<256x128xf32>
      %slice3A_297 = vector.extract_strided_slice %add3A_289 {offsets = [0, 128], sizes = [256, 128], strides = [1, 1]} : vector<256x512xf32> to vector<256x128xf32>
      %logistic3A_298 = arith.negf %slice3A_297 : vector<256x128xf32>
      %logistic3A_299 = math.exp %logistic3A_298 : vector<256x128xf32>
      %logistic3A_300 = arith.constant 1.000000e+00 : f32
      %logistic3A_301 = vector.broadcast %logistic3A_300 : f32 to vector<256x128xf32>
      %logistic3A_302 = arith.addf %logistic3A_301, %logistic3A_299 : vector<256x128xf32>
      %logistic3A_303 = arith.divf %logistic3A_301, %logistic3A_302 : vector<256x128xf32>
      %slice3A_304 = vector.extract_strided_slice %add3A_289 {offsets = [0, 256], sizes = [256, 128], strides = [1, 1]} : vector<256x512xf32> to vector<256x128xf32>
      %tanh3A_305 = math.tanh %slice3A_304 : vector<256x128xf32>
      %slice3A_306 = vector.extract_strided_slice %add3A_289 {offsets = [0, 384], sizes = [256, 128], strides = [1, 1]} : vector<256x512xf32> to vector<256x128xf32>
      %logistic3A_307 = arith.negf %slice3A_306 : vector<256x128xf32>
      %logistic3A_308 = math.exp %logistic3A_307 : vector<256x128xf32>
      %logistic3A_309 = arith.constant 1.000000e+00 : f32
      %logistic3A_310 = vector.broadcast %logistic3A_309 : f32 to vector<256x128xf32>
      %logistic3A_311 = arith.addf %logistic3A_310, %logistic3A_308 : vector<256x128xf32>
      %logistic3A_312 = arith.divf %logistic3A_310, %logistic3A_311 : vector<256x128xf32>
      %mul3A_313 = arith.mulf %logistic3A_303, %scan3A_278 : vector<256x128xf32>
      %mul3A_314 = arith.mulf %logistic3A_296, %tanh3A_305 : vector<256x128xf32>
      %add3A_315 = arith.addf %mul3A_313, %mul3A_314 : vector<256x128xf32>
      %tanh3A_316 = math.tanh %add3A_315 : vector<256x128xf32>
      %mul3A_317 = arith.mulf %logistic3A_312, %tanh3A_316 : vector<256x128xf32>
      %scan3A_318 = arith.constant 1 : i32
      %scan3A_319 = arith.addi %scan3A_276, %scan3A_318 : i32
      %get3A_320 = arith.constant 0 : index
      %get3A_321 = arith.index_cast %scan3A_319 : i32 to index
      %get3A_322 = arith.constant 0 : index
      %get3A_323 = vector.load %arg0[%get3A_320, %get3A_321, %get3A_322] : memref<256x50x128xf32, #tpu.memory_space<vmem>>, vector<256x1x128xf32>
      %get3A_324 = vector.shape_cast %get3A_323 : vector<256x1x128xf32> to vector<256x128xf32>
      %concatenate3A_325 = tpu.concatenate %get3A_324, %mul3A_317 in 1 : vector<256x128xf32>, vector<256x128xf32> -> vector<256x256xf32>
      %convert_element_type3A_326 = arith.truncf %concatenate3A_325 : vector<256x256xf32> to vector<256x256xbf16>
      %dot_general3A_327 = arith.constant dense<0.000000e+00> : vector<256x512xf32>
      %dot_general3A_328 = tpu.matmul %convert_element_type3A_326, %convert_element_type3A, %dot_general3A_327 {dimension_numbers = #tpu.dot_dimension_numbers<[1], [0], [0], [1], [0, 0, 1, 1], [], []>, transpose_lhs_hint = false} : vector<256x256xbf16>, vector<256x512xbf16>, vector<256x512xf32> -> vector<256x512xf32>
      %add3A_329 = vector.broadcast %concatenate3A_60 : vector<1x512xf32> to vector<256x512xf32>
      %add3A_330 = arith.addf %add3A_329, %dot_general3A_328 : vector<256x512xf32>
      %slice3A_331 = vector.extract_strided_slice %add3A_330 {offsets = [0, 0], sizes = [256, 128], strides = [1, 1]} : vector<256x512xf32> to vector<256x128xf32>
      %logistic3A_332 = arith.negf %slice3A_331 : vector<256x128xf32>
      %logistic3A_333 = math.exp %logistic3A_332 : vector<256x128xf32>
      %logistic3A_334 = arith.constant 1.000000e+00 : f32
      %logistic3A_335 = vector.broadcast %logistic3A_334 : f32 to vector<256x128xf32>
      %logistic3A_336 = arith.addf %logistic3A_335, %logistic3A_333 : vector<256x128xf32>
      %logistic3A_337 = arith.divf %logistic3A_335, %logistic3A_336 : vector<256x128xf32>
      %slice3A_338 = vector.extract_strided_slice %add3A_330 {offsets = [0, 128], sizes = [256, 128], strides = [1, 1]} : vector<256x512xf32> to vector<256x128xf32>
      %logistic3A_339 = arith.negf %slice3A_338 : vector<256x128xf32>
      %logistic3A_340 = math.exp %logistic3A_339 : vector<256x128xf32>
      %logistic3A_341 = arith.constant 1.000000e+00 : f32
      %logistic3A_342 = vector.broadcast %logistic3A_341 : f32 to vector<256x128xf32>
      %logistic3A_343 = arith.addf %logistic3A_342, %logistic3A_340 : vector<256x128xf32>
      %logistic3A_344 = arith.divf %logistic3A_342, %logistic3A_343 : vector<256x128xf32>
      %slice3A_345 = vector.extract_strided_slice %add3A_330 {offsets = [0, 256], sizes = [256, 128], strides = [1, 1]} : vector<256x512xf32> to vector<256x128xf32>
      %tanh3A_346 = math.tanh %slice3A_345 : vector<256x128xf32>
      %slice3A_347 = vector.extract_strided_slice %add3A_330 {offsets = [0, 384], sizes = [256, 128], strides = [1, 1]} : vector<256x512xf32> to vector<256x128xf32>
      %logistic3A_348 = arith.negf %slice3A_347 : vector<256x128xf32>
      %logistic3A_349 = math.exp %logistic3A_348 : vector<256x128xf32>
      %logistic3A_350 = arith.constant 1.000000e+00 : f32
      %logistic3A_351 = vector.broadcast %logistic3A_350 : f32 to vector<256x128xf32>
      %logistic3A_352 = arith.addf %logistic3A_351, %logistic3A_349 : vector<256x128xf32>
      %logistic3A_353 = arith.divf %logistic3A_351, %logistic3A_352 : vector<256x128xf32>
      %mul3A_354 = arith.mulf %logistic3A_344, %add3A_315 : vector<256x128xf32>
      %mul3A_355 = arith.mulf %logistic3A_337, %tanh3A_346 : vector<256x128xf32>
      %add3A_356 = arith.addf %mul3A_354, %mul3A_355 : vector<256x128xf32>
      %tanh3A_357 = math.tanh %add3A_356 : vector<256x128xf32>
      %mul3A_358 = arith.mulf %logistic3A_353, %tanh3A_357 : vector<256x128xf32>
      %scan3A_359 = arith.constant 2 : i32
      %scan3A_360 = arith.addi %scan3A_276, %scan3A_359 : i32
      %get3A_361 = arith.constant 0 : index
      %get3A_362 = arith.index_cast %scan3A_360 : i32 to index
      %get3A_363 = arith.constant 0 : index
      %get3A_364 = vector.load %arg0[%get3A_361, %get3A_362, %get3A_363] : memref<256x50x128xf32, #tpu.memory_space<vmem>>, vector<256x1x128xf32>
      %get3A_365 = vector.shape_cast %get3A_364 : vector<256x1x128xf32> to vector<256x128xf32>
      %concatenate3A_366 = tpu.concatenate %get3A_365, %mul3A_358 in 1 : vector<256x128xf32>, vector<256x128xf32> -> vector<256x256xf32>
      %convert_element_type3A_367 = arith.truncf %concatenate3A_366 : vector<256x256xf32> to vector<256x256xbf16>
      %dot_general3A_368 = arith.constant dense<0.000000e+00> : vector<256x512xf32>
      %dot_general3A_369 = tpu.matmul %convert_element_type3A_367, %convert_element_type3A, %dot_general3A_368 {dimension_numbers = #tpu.dot_dimension_numbers<[1], [0], [0], [1], [0, 0, 1, 1], [], []>, transpose_lhs_hint = false} : vector<256x256xbf16>, vector<256x512xbf16>, vector<256x512xf32> -> vector<256x512xf32>
      %add3A_370 = vector.broadcast %concatenate3A_60 : vector<1x512xf32> to vector<256x512xf32>
      %add3A_371 = arith.addf %add3A_370, %dot_general3A_369 : vector<256x512xf32>
      %slice3A_372 = vector.extract_strided_slice %add3A_371 {offsets = [0, 0], sizes = [256, 128], strides = [1, 1]} : vector<256x512xf32> to vector<256x128xf32>
      %logistic3A_373 = arith.negf %slice3A_372 : vector<256x128xf32>
      %logistic3A_374 = math.exp %logistic3A_373 : vector<256x128xf32>
      %logistic3A_375 = arith.constant 1.000000e+00 : f32
      %logistic3A_376 = vector.broadcast %logistic3A_375 : f32 to vector<256x128xf32>
      %logistic3A_377 = arith.addf %logistic3A_376, %logistic3A_374 : vector<256x128xf32>
      %logistic3A_378 = arith.divf %logistic3A_376, %logistic3A_377 : vector<256x128xf32>
      %slice3A_379 = vector.extract_strided_slice %add3A_371 {offsets = [0, 128], sizes = [256, 128], strides = [1, 1]} : vector<256x512xf32> to vector<256x128xf32>
      %logistic3A_380 = arith.negf %slice3A_379 : vector<256x128xf32>
      %logistic3A_381 = math.exp %logistic3A_380 : vector<256x128xf32>
      %logistic3A_382 = arith.constant 1.000000e+00 : f32
      %logistic3A_383 = vector.broadcast %logistic3A_382 : f32 to vector<256x128xf32>
      %logistic3A_384 = arith.addf %logistic3A_383, %logistic3A_381 : vector<256x128xf32>
      %logistic3A_385 = arith.divf %logistic3A_383, %logistic3A_384 : vector<256x128xf32>
      %slice3A_386 = vector.extract_strided_slice %add3A_371 {offsets = [0, 256], sizes = [256, 128], strides = [1, 1]} : vector<256x512xf32> to vector<256x128xf32>
      %tanh3A_387 = math.tanh %slice3A_386 : vector<256x128xf32>
      %slice3A_388 = vector.extract_strided_slice %add3A_371 {offsets = [0, 384], sizes = [256, 128], strides = [1, 1]} : vector<256x512xf32> to vector<256x128xf32>
      %logistic3A_389 = arith.negf %slice3A_388 : vector<256x128xf32>
      %logistic3A_390 = math.exp %logistic3A_389 : vector<256x128xf32>
      %logistic3A_391 = arith.constant 1.000000e+00 : f32
      %logistic3A_392 = vector.broadcast %logistic3A_391 : f32 to vector<256x128xf32>
      %logistic3A_393 = arith.addf %logistic3A_392, %logistic3A_390 : vector<256x128xf32>
      %logistic3A_394 = arith.divf %logistic3A_392, %logistic3A_393 : vector<256x128xf32>
      %mul3A_395 = arith.mulf %logistic3A_385, %add3A_356 : vector<256x128xf32>
      %mul3A_396 = arith.mulf %logistic3A_378, %tanh3A_387 : vector<256x128xf32>
      %add3A_397 = arith.addf %mul3A_395, %mul3A_396 : vector<256x128xf32>
      %tanh3A_398 = math.tanh %add3A_397 : vector<256x128xf32>
      %mul3A_399 = arith.mulf %logistic3A_394, %tanh3A_398 : vector<256x128xf32>
      %scan3A_400 = arith.constant 3 : i32
      %scan3A_401 = arith.addi %scan3A_276, %scan3A_400 : i32
      %get3A_402 = arith.constant 0 : index
      %get3A_403 = arith.index_cast %scan3A_401 : i32 to index
      %get3A_404 = arith.constant 0 : index
      %get3A_405 = vector.load %arg0[%get3A_402, %get3A_403, %get3A_404] : memref<256x50x128xf32, #tpu.memory_space<vmem>>, vector<256x1x128xf32>
      %get3A_406 = vector.shape_cast %get3A_405 : vector<256x1x128xf32> to vector<256x128xf32>
      %concatenate3A_407 = tpu.concatenate %get3A_406, %mul3A_399 in 1 : vector<256x128xf32>, vector<256x128xf32> -> vector<256x256xf32>
      %convert_element_type3A_408 = arith.truncf %concatenate3A_407 : vector<256x256xf32> to vector<256x256xbf16>
      %dot_general3A_409 = arith.constant dense<0.000000e+00> : vector<256x512xf32>
      %dot_general3A_410 = tpu.matmul %convert_element_type3A_408, %convert_element_type3A, %dot_general3A_409 {dimension_numbers = #tpu.dot_dimension_numbers<[1], [0], [0], [1], [0, 0, 1, 1], [], []>, transpose_lhs_hint = false} : vector<256x256xbf16>, vector<256x512xbf16>, vector<256x512xf32> -> vector<256x512xf32>
      %add3A_411 = vector.broadcast %concatenate3A_60 : vector<1x512xf32> to vector<256x512xf32>
      %add3A_412 = arith.addf %add3A_411, %dot_general3A_410 : vector<256x512xf32>
      %slice3A_413 = vector.extract_strided_slice %add3A_412 {offsets = [0, 0], sizes = [256, 128], strides = [1, 1]} : vector<256x512xf32> to vector<256x128xf32>
      %logistic3A_414 = arith.negf %slice3A_413 : vector<256x128xf32>
      %logistic3A_415 = math.exp %logistic3A_414 : vector<256x128xf32>
      %logistic3A_416 = arith.constant 1.000000e+00 : f32
      %logistic3A_417 = vector.broadcast %logistic3A_416 : f32 to vector<256x128xf32>
      %logistic3A_418 = arith.addf %logistic3A_417, %logistic3A_415 : vector<256x128xf32>
      %logistic3A_419 = arith.divf %logistic3A_417, %logistic3A_418 : vector<256x128xf32>
      %slice3A_420 = vector.extract_strided_slice %add3A_412 {offsets = [0, 128], sizes = [256, 128], strides = [1, 1]} : vector<256x512xf32> to vector<256x128xf32>
      %logistic3A_421 = arith.negf %slice3A_420 : vector<256x128xf32>
      %logistic3A_422 = math.exp %logistic3A_421 : vector<256x128xf32>
      %logistic3A_423 = arith.constant 1.000000e+00 : f32
      %logistic3A_424 = vector.broadcast %logistic3A_423 : f32 to vector<256x128xf32>
      %logistic3A_425 = arith.addf %logistic3A_424, %logistic3A_422 : vector<256x128xf32>
      %logistic3A_426 = arith.divf %logistic3A_424, %logistic3A_425 : vector<256x128xf32>
      %slice3A_427 = vector.extract_strided_slice %add3A_412 {offsets = [0, 256], sizes = [256, 128], strides = [1, 1]} : vector<256x512xf32> to vector<256x128xf32>
      %tanh3A_428 = math.tanh %slice3A_427 : vector<256x128xf32>
      %slice3A_429 = vector.extract_strided_slice %add3A_412 {offsets = [0, 384], sizes = [256, 128], strides = [1, 1]} : vector<256x512xf32> to vector<256x128xf32>
      %logistic3A_430 = arith.negf %slice3A_429 : vector<256x128xf32>
      %logistic3A_431 = math.exp %logistic3A_430 : vector<256x128xf32>
      %logistic3A_432 = arith.constant 1.000000e+00 : f32
      %logistic3A_433 = vector.broadcast %logistic3A_432 : f32 to vector<256x128xf32>
      %logistic3A_434 = arith.addf %logistic3A_433, %logistic3A_431 : vector<256x128xf32>
      %logistic3A_435 = arith.divf %logistic3A_433, %logistic3A_434 : vector<256x128xf32>
      %mul3A_436 = arith.mulf %logistic3A_426, %add3A_397 : vector<256x128xf32>
      %mul3A_437 = arith.mulf %logistic3A_419, %tanh3A_428 : vector<256x128xf32>
      %add3A_438 = arith.addf %mul3A_436, %mul3A_437 : vector<256x128xf32>
      %tanh3A_439 = math.tanh %add3A_438 : vector<256x128xf32>
      %mul3A_440 = arith.mulf %logistic3A_435, %tanh3A_439 : vector<256x128xf32>
      %scan3A_441 = arith.constant 4 : i32
      %scan3A_442 = arith.addi %scan3A_276, %scan3A_441 : i32
      %get3A_443 = arith.constant 0 : index
      %get3A_444 = arith.index_cast %scan3A_442 : i32 to index
      %get3A_445 = arith.constant 0 : index
      %get3A_446 = vector.load %arg0[%get3A_443, %get3A_444, %get3A_445] : memref<256x50x128xf32, #tpu.memory_space<vmem>>, vector<256x1x128xf32>
      %get3A_447 = vector.shape_cast %get3A_446 : vector<256x1x128xf32> to vector<256x128xf32>
      %concatenate3A_448 = tpu.concatenate %get3A_447, %mul3A_440 in 1 : vector<256x128xf32>, vector<256x128xf32> -> vector<256x256xf32>
      %convert_element_type3A_449 = arith.truncf %concatenate3A_448 : vector<256x256xf32> to vector<256x256xbf16>
      %dot_general3A_450 = arith.constant dense<0.000000e+00> : vector<256x512xf32>
      %dot_general3A_451 = tpu.matmul %convert_element_type3A_449, %convert_element_type3A, %dot_general3A_450 {dimension_numbers = #tpu.dot_dimension_numbers<[1], [0], [0], [1], [0, 0, 1, 1], [], []>, transpose_lhs_hint = false} : vector<256x256xbf16>, vector<256x512xbf16>, vector<256x512xf32> -> vector<256x512xf32>
      %add3A_452 = vector.broadcast %concatenate3A_60 : vector<1x512xf32> to vector<256x512xf32>
      %add3A_453 = arith.addf %add3A_452, %dot_general3A_451 : vector<256x512xf32>
      %slice3A_454 = vector.extract_strided_slice %add3A_453 {offsets = [0, 0], sizes = [256, 128], strides = [1, 1]} : vector<256x512xf32> to vector<256x128xf32>
      %logistic3A_455 = arith.negf %slice3A_454 : vector<256x128xf32>
      %logistic3A_456 = math.exp %logistic3A_455 : vector<256x128xf32>
      %logistic3A_457 = arith.constant 1.000000e+00 : f32
      %logistic3A_458 = vector.broadcast %logistic3A_457 : f32 to vector<256x128xf32>
      %logistic3A_459 = arith.addf %logistic3A_458, %logistic3A_456 : vector<256x128xf32>
      %logistic3A_460 = arith.divf %logistic3A_458, %logistic3A_459 : vector<256x128xf32>
      %slice3A_461 = vector.extract_strided_slice %add3A_453 {offsets = [0, 128], sizes = [256, 128], strides = [1, 1]} : vector<256x512xf32> to vector<256x128xf32>
      %logistic3A_462 = arith.negf %slice3A_461 : vector<256x128xf32>
      %logistic3A_463 = math.exp %logistic3A_462 : vector<256x128xf32>
      %logistic3A_464 = arith.constant 1.000000e+00 : f32
      %logistic3A_465 = vector.broadcast %logistic3A_464 : f32 to vector<256x128xf32>
      %logistic3A_466 = arith.addf %logistic3A_465, %logistic3A_463 : vector<256x128xf32>
      %logistic3A_467 = arith.divf %logistic3A_465, %logistic3A_466 : vector<256x128xf32>
      %slice3A_468 = vector.extract_strided_slice %add3A_453 {offsets = [0, 256], sizes = [256, 128], strides = [1, 1]} : vector<256x512xf32> to vector<256x128xf32>
      %tanh3A_469 = math.tanh %slice3A_468 : vector<256x128xf32>
      %slice3A_470 = vector.extract_strided_slice %add3A_453 {offsets = [0, 384], sizes = [256, 128], strides = [1, 1]} : vector<256x512xf32> to vector<256x128xf32>
      %logistic3A_471 = arith.negf %slice3A_470 : vector<256x128xf32>
      %logistic3A_472 = math.exp %logistic3A_471 : vector<256x128xf32>
      %logistic3A_473 = arith.constant 1.000000e+00 : f32
      %logistic3A_474 = vector.broadcast %logistic3A_473 : f32 to vector<256x128xf32>
      %logistic3A_475 = arith.addf %logistic3A_474, %logistic3A_472 : vector<256x128xf32>
      %logistic3A_476 = arith.divf %logistic3A_474, %logistic3A_475 : vector<256x128xf32>
      %mul3A_477 = arith.mulf %logistic3A_467, %add3A_438 : vector<256x128xf32>
      %mul3A_478 = arith.mulf %logistic3A_460, %tanh3A_469 : vector<256x128xf32>
      %add3A_479 = arith.addf %mul3A_477, %mul3A_478 : vector<256x128xf32>
      %tanh3A_480 = math.tanh %add3A_479 : vector<256x128xf32>
      %mul3A_481 = arith.mulf %logistic3A_476, %tanh3A_480 : vector<256x128xf32>
      %scan3A_482 = arith.constant 5 : i32
      %scan3A_483 = arith.addi %scan3A_276, %scan3A_482 : i32
      %get3A_484 = arith.constant 0 : index
      %get3A_485 = arith.index_cast %scan3A_483 : i32 to index
      %get3A_486 = arith.constant 0 : index
      %get3A_487 = vector.load %arg0[%get3A_484, %get3A_485, %get3A_486] : memref<256x50x128xf32, #tpu.memory_space<vmem>>, vector<256x1x128xf32>
      %get3A_488 = vector.shape_cast %get3A_487 : vector<256x1x128xf32> to vector<256x128xf32>
      %concatenate3A_489 = tpu.concatenate %get3A_488, %mul3A_481 in 1 : vector<256x128xf32>, vector<256x128xf32> -> vector<256x256xf32>
      %convert_element_type3A_490 = arith.truncf %concatenate3A_489 : vector<256x256xf32> to vector<256x256xbf16>
      %dot_general3A_491 = arith.constant dense<0.000000e+00> : vector<256x512xf32>
      %dot_general3A_492 = tpu.matmul %convert_element_type3A_490, %convert_element_type3A, %dot_general3A_491 {dimension_numbers = #tpu.dot_dimension_numbers<[1], [0], [0], [1], [0, 0, 1, 1], [], []>, transpose_lhs_hint = false} : vector<256x256xbf16>, vector<256x512xbf16>, vector<256x512xf32> -> vector<256x512xf32>
      %add3A_493 = vector.broadcast %concatenate3A_60 : vector<1x512xf32> to vector<256x512xf32>
      %add3A_494 = arith.addf %add3A_493, %dot_general3A_492 : vector<256x512xf32>
      %slice3A_495 = vector.extract_strided_slice %add3A_494 {offsets = [0, 0], sizes = [256, 128], strides = [1, 1]} : vector<256x512xf32> to vector<256x128xf32>
      %logistic3A_496 = arith.negf %slice3A_495 : vector<256x128xf32>
      %logistic3A_497 = math.exp %logistic3A_496 : vector<256x128xf32>
      %logistic3A_498 = arith.constant 1.000000e+00 : f32
      %logistic3A_499 = vector.broadcast %logistic3A_498 : f32 to vector<256x128xf32>
      %logistic3A_500 = arith.addf %logistic3A_499, %logistic3A_497 : vector<256x128xf32>
      %logistic3A_501 = arith.divf %logistic3A_499, %logistic3A_500 : vector<256x128xf32>
      %slice3A_502 = vector.extract_strided_slice %add3A_494 {offsets = [0, 128], sizes = [256, 128], strides = [1, 1]} : vector<256x512xf32> to vector<256x128xf32>
      %logistic3A_503 = arith.negf %slice3A_502 : vector<256x128xf32>
      %logistic3A_504 = math.exp %logistic3A_503 : vector<256x128xf32>
      %logistic3A_505 = arith.constant 1.000000e+00 : f32
      %logistic3A_506 = vector.broadcast %logistic3A_505 : f32 to vector<256x128xf32>
      %logistic3A_507 = arith.addf %logistic3A_506, %logistic3A_504 : vector<256x128xf32>
      %logistic3A_508 = arith.divf %logistic3A_506, %logistic3A_507 : vector<256x128xf32>
      %slice3A_509 = vector.extract_strided_slice %add3A_494 {offsets = [0, 256], sizes = [256, 128], strides = [1, 1]} : vector<256x512xf32> to vector<256x128xf32>
      %tanh3A_510 = math.tanh %slice3A_509 : vector<256x128xf32>
      %slice3A_511 = vector.extract_strided_slice %add3A_494 {offsets = [0, 384], sizes = [256, 128], strides = [1, 1]} : vector<256x512xf32> to vector<256x128xf32>
      %logistic3A_512 = arith.negf %slice3A_511 : vector<256x128xf32>
      %logistic3A_513 = math.exp %logistic3A_512 : vector<256x128xf32>
      %logistic3A_514 = arith.constant 1.000000e+00 : f32
      %logistic3A_515 = vector.broadcast %logistic3A_514 : f32 to vector<256x128xf32>
      %logistic3A_516 = arith.addf %logistic3A_515, %logistic3A_513 : vector<256x128xf32>
      %logistic3A_517 = arith.divf %logistic3A_515, %logistic3A_516 : vector<256x128xf32>
      %mul3A_518 = arith.mulf %logistic3A_508, %add3A_479 : vector<256x128xf32>
      %mul3A_519 = arith.mulf %logistic3A_501, %tanh3A_510 : vector<256x128xf32>
      %add3A_520 = arith.addf %mul3A_518, %mul3A_519 : vector<256x128xf32>
      %tanh3A_521 = math.tanh %add3A_520 : vector<256x128xf32>
      %mul3A_522 = arith.mulf %logistic3A_517, %tanh3A_521 : vector<256x128xf32>
      %scan3A_523 = arith.constant 6 : i32
      %scan3A_524 = arith.addi %scan3A_276, %scan3A_523 : i32
      %get3A_525 = arith.constant 0 : index
      %get3A_526 = arith.index_cast %scan3A_524 : i32 to index
      %get3A_527 = arith.constant 0 : index
      %get3A_528 = vector.load %arg0[%get3A_525, %get3A_526, %get3A_527] : memref<256x50x128xf32, #tpu.memory_space<vmem>>, vector<256x1x128xf32>
      %get3A_529 = vector.shape_cast %get3A_528 : vector<256x1x128xf32> to vector<256x128xf32>
      %concatenate3A_530 = tpu.concatenate %get3A_529, %mul3A_522 in 1 : vector<256x128xf32>, vector<256x128xf32> -> vector<256x256xf32>
      %convert_element_type3A_531 = arith.truncf %concatenate3A_530 : vector<256x256xf32> to vector<256x256xbf16>
      %dot_general3A_532 = arith.constant dense<0.000000e+00> : vector<256x512xf32>
      %dot_general3A_533 = tpu.matmul %convert_element_type3A_531, %convert_element_type3A, %dot_general3A_532 {dimension_numbers = #tpu.dot_dimension_numbers<[1], [0], [0], [1], [0, 0, 1, 1], [], []>, transpose_lhs_hint = false} : vector<256x256xbf16>, vector<256x512xbf16>, vector<256x512xf32> -> vector<256x512xf32>
      %add3A_534 = vector.broadcast %concatenate3A_60 : vector<1x512xf32> to vector<256x512xf32>
      %add3A_535 = arith.addf %add3A_534, %dot_general3A_533 : vector<256x512xf32>
      %slice3A_536 = vector.extract_strided_slice %add3A_535 {offsets = [0, 0], sizes = [256, 128], strides = [1, 1]} : vector<256x512xf32> to vector<256x128xf32>
      %logistic3A_537 = arith.negf %slice3A_536 : vector<256x128xf32>
      %logistic3A_538 = math.exp %logistic3A_537 : vector<256x128xf32>
      %logistic3A_539 = arith.constant 1.000000e+00 : f32
      %logistic3A_540 = vector.broadcast %logistic3A_539 : f32 to vector<256x128xf32>
      %logistic3A_541 = arith.addf %logistic3A_540, %logistic3A_538 : vector<256x128xf32>
      %logistic3A_542 = arith.divf %logistic3A_540, %logistic3A_541 : vector<256x128xf32>
      %slice3A_543 = vector.extract_strided_slice %add3A_535 {offsets = [0, 128], sizes = [256, 128], strides = [1, 1]} : vector<256x512xf32> to vector<256x128xf32>
      %logistic3A_544 = arith.negf %slice3A_543 : vector<256x128xf32>
      %logistic3A_545 = math.exp %logistic3A_544 : vector<256x128xf32>
      %logistic3A_546 = arith.constant 1.000000e+00 : f32
      %logistic3A_547 = vector.broadcast %logistic3A_546 : f32 to vector<256x128xf32>
      %logistic3A_548 = arith.addf %logistic3A_547, %logistic3A_545 : vector<256x128xf32>
      %logistic3A_549 = arith.divf %logistic3A_547, %logistic3A_548 : vector<256x128xf32>
      %slice3A_550 = vector.extract_strided_slice %add3A_535 {offsets = [0, 256], sizes = [256, 128], strides = [1, 1]} : vector<256x512xf32> to vector<256x128xf32>
      %tanh3A_551 = math.tanh %slice3A_550 : vector<256x128xf32>
      %slice3A_552 = vector.extract_strided_slice %add3A_535 {offsets = [0, 384], sizes = [256, 128], strides = [1, 1]} : vector<256x512xf32> to vector<256x128xf32>
      %logistic3A_553 = arith.negf %slice3A_552 : vector<256x128xf32>
      %logistic3A_554 = math.exp %logistic3A_553 : vector<256x128xf32>
      %logistic3A_555 = arith.constant 1.000000e+00 : f32
      %logistic3A_556 = vector.broadcast %logistic3A_555 : f32 to vector<256x128xf32>
      %logistic3A_557 = arith.addf %logistic3A_556, %logistic3A_554 : vector<256x128xf32>
      %logistic3A_558 = arith.divf %logistic3A_556, %logistic3A_557 : vector<256x128xf32>
      %mul3A_559 = arith.mulf %logistic3A_549, %add3A_520 : vector<256x128xf32>
      %mul3A_560 = arith.mulf %logistic3A_542, %tanh3A_551 : vector<256x128xf32>
      %add3A_561 = arith.addf %mul3A_559, %mul3A_560 : vector<256x128xf32>
      %tanh3A_562 = math.tanh %add3A_561 : vector<256x128xf32>
      %mul3A_563 = arith.mulf %logistic3A_558, %tanh3A_562 : vector<256x128xf32>
      %scan3A_564 = arith.constant 7 : i32
      %scan3A_565 = arith.addi %scan3A_276, %scan3A_564 : i32
      %get3A_566 = arith.constant 0 : index
      %get3A_567 = arith.index_cast %scan3A_565 : i32 to index
      %get3A_568 = arith.constant 0 : index
      %get3A_569 = vector.load %arg0[%get3A_566, %get3A_567, %get3A_568] : memref<256x50x128xf32, #tpu.memory_space<vmem>>, vector<256x1x128xf32>
      %get3A_570 = vector.shape_cast %get3A_569 : vector<256x1x128xf32> to vector<256x128xf32>
      %concatenate3A_571 = tpu.concatenate %get3A_570, %mul3A_563 in 1 : vector<256x128xf32>, vector<256x128xf32> -> vector<256x256xf32>
      %convert_element_type3A_572 = arith.truncf %concatenate3A_571 : vector<256x256xf32> to vector<256x256xbf16>
      %dot_general3A_573 = arith.constant dense<0.000000e+00> : vector<256x512xf32>
      %dot_general3A_574 = tpu.matmul %convert_element_type3A_572, %convert_element_type3A, %dot_general3A_573 {dimension_numbers = #tpu.dot_dimension_numbers<[1], [0], [0], [1], [0, 0, 1, 1], [], []>, transpose_lhs_hint = false} : vector<256x256xbf16>, vector<256x512xbf16>, vector<256x512xf32> -> vector<256x512xf32>
      %add3A_575 = vector.broadcast %concatenate3A_60 : vector<1x512xf32> to vector<256x512xf32>
      %add3A_576 = arith.addf %add3A_575, %dot_general3A_574 : vector<256x512xf32>
      %slice3A_577 = vector.extract_strided_slice %add3A_576 {offsets = [0, 0], sizes = [256, 128], strides = [1, 1]} : vector<256x512xf32> to vector<256x128xf32>
      %logistic3A_578 = arith.negf %slice3A_577 : vector<256x128xf32>
      %logistic3A_579 = math.exp %logistic3A_578 : vector<256x128xf32>
      %logistic3A_580 = arith.constant 1.000000e+00 : f32
      %logistic3A_581 = vector.broadcast %logistic3A_580 : f32 to vector<256x128xf32>
      %logistic3A_582 = arith.addf %logistic3A_581, %logistic3A_579 : vector<256x128xf32>
      %logistic3A_583 = arith.divf %logistic3A_581, %logistic3A_582 : vector<256x128xf32>
      %slice3A_584 = vector.extract_strided_slice %add3A_576 {offsets = [0, 128], sizes = [256, 128], strides = [1, 1]} : vector<256x512xf32> to vector<256x128xf32>
      %logistic3A_585 = arith.negf %slice3A_584 : vector<256x128xf32>
      %logistic3A_586 = math.exp %logistic3A_585 : vector<256x128xf32>
      %logistic3A_587 = arith.constant 1.000000e+00 : f32
      %logistic3A_588 = vector.broadcast %logistic3A_587 : f32 to vector<256x128xf32>
      %logistic3A_589 = arith.addf %logistic3A_588, %logistic3A_586 : vector<256x128xf32>
      %logistic3A_590 = arith.divf %logistic3A_588, %logistic3A_589 : vector<256x128xf32>
      %slice3A_591 = vector.extract_strided_slice %add3A_576 {offsets = [0, 256], sizes = [256, 128], strides = [1, 1]} : vector<256x512xf32> to vector<256x128xf32>
      %tanh3A_592 = math.tanh %slice3A_591 : vector<256x128xf32>
      %slice3A_593 = vector.extract_strided_slice %add3A_576 {offsets = [0, 384], sizes = [256, 128], strides = [1, 1]} : vector<256x512xf32> to vector<256x128xf32>
      %logistic3A_594 = arith.negf %slice3A_593 : vector<256x128xf32>
      %logistic3A_595 = math.exp %logistic3A_594 : vector<256x128xf32>
      %logistic3A_596 = arith.constant 1.000000e+00 : f32
      %logistic3A_597 = vector.broadcast %logistic3A_596 : f32 to vector<256x128xf32>
      %logistic3A_598 = arith.addf %logistic3A_597, %logistic3A_595 : vector<256x128xf32>
      %logistic3A_599 = arith.divf %logistic3A_597, %logistic3A_598 : vector<256x128xf32>
      %mul3A_600 = arith.mulf %logistic3A_590, %add3A_561 : vector<256x128xf32>
      %mul3A_601 = arith.mulf %logistic3A_583, %tanh3A_592 : vector<256x128xf32>
      %add3A_602 = arith.addf %mul3A_600, %mul3A_601 : vector<256x128xf32>
      %tanh3A_603 = math.tanh %add3A_602 : vector<256x128xf32>
      %mul3A_604 = arith.mulf %logistic3A_599, %tanh3A_603 : vector<256x128xf32>
      scf.yield %mul3A_604, %add3A_602 : vector<256x128xf32>, vector<256x128xf32>
    }
    %scan3A_67 = arith.constant 48 : i32
    %scan3A_68 = arith.addi %scan3A, %scan3A_67 : i32
    %get3A_69 = arith.constant 0 : index
    %get3A_70 = arith.index_cast %scan3A_68 : i32 to index
    %get3A_71 = arith.constant 0 : index
    %get3A_72 = vector.load %arg0[%get3A_69, %get3A_70, %get3A_71] : memref<256x50x128xf32, #tpu.memory_space<vmem>>, vector<256x1x128xf32>
    %get3A_73 = vector.shape_cast %get3A_72 : vector<256x1x128xf32> to vector<256x128xf32>
    %concatenate3A_74 = tpu.concatenate %get3A_73, %scan3A_66#0 in 1 : vector<256x128xf32>, vector<256x128xf32> -> vector<256x256xf32>
    %convert_element_type3A_75 = arith.truncf %concatenate3A_74 : vector<256x256xf32> to vector<256x256xbf16>
    %dot_general3A = arith.constant dense<0.000000e+00> : vector<256x512xf32>
    %dot_general3A_76 = tpu.matmul %convert_element_type3A_75, %convert_element_type3A, %dot_general3A {dimension_numbers = #tpu.dot_dimension_numbers<[1], [0], [0], [1], [0, 0, 1, 1], [], []>, transpose_lhs_hint = false} : vector<256x256xbf16>, vector<256x512xbf16>, vector<256x512xf32> -> vector<256x512xf32>
    %add3A_77 = vector.broadcast %concatenate3A_60 : vector<1x512xf32> to vector<256x512xf32>
    %add3A_78 = arith.addf %add3A_77, %dot_general3A_76 : vector<256x512xf32>
    %slice3A_79 = vector.extract_strided_slice %add3A_78 {offsets = [0, 0], sizes = [256, 128], strides = [1, 1]} : vector<256x512xf32> to vector<256x128xf32>
    %logistic3A = arith.negf %slice3A_79 : vector<256x128xf32>
    %logistic3A_80 = math.exp %logistic3A : vector<256x128xf32>
    %logistic3A_81 = arith.constant 1.000000e+00 : f32
    %logistic3A_82 = vector.broadcast %logistic3A_81 : f32 to vector<256x128xf32>
    %logistic3A_83 = arith.addf %logistic3A_82, %logistic3A_80 : vector<256x128xf32>
    %logistic3A_84 = arith.divf %logistic3A_82, %logistic3A_83 : vector<256x128xf32>
    %slice3A_85 = vector.extract_strided_slice %add3A_78 {offsets = [0, 128], sizes = [256, 128], strides = [1, 1]} : vector<256x512xf32> to vector<256x128xf32>
    %logistic3A_86 = arith.negf %slice3A_85 : vector<256x128xf32>
    %logistic3A_87 = math.exp %logistic3A_86 : vector<256x128xf32>
    %logistic3A_88 = arith.constant 1.000000e+00 : f32
    %logistic3A_89 = vector.broadcast %logistic3A_88 : f32 to vector<256x128xf32>
    %logistic3A_90 = arith.addf %logistic3A_89, %logistic3A_87 : vector<256x128xf32>
    %logistic3A_91 = arith.divf %logistic3A_89, %logistic3A_90 : vector<256x128xf32>
    %slice3A_92 = vector.extract_strided_slice %add3A_78 {offsets = [0, 256], sizes = [256, 128], strides = [1, 1]} : vector<256x512xf32> to vector<256x128xf32>
    %tanh3A = math.tanh %slice3A_92 : vector<256x128xf32>
    %slice3A_93 = vector.extract_strided_slice %add3A_78 {offsets = [0, 384], sizes = [256, 128], strides = [1, 1]} : vector<256x512xf32> to vector<256x128xf32>
    %logistic3A_94 = arith.negf %slice3A_93 : vector<256x128xf32>
    %logistic3A_95 = math.exp %logistic3A_94 : vector<256x128xf32>
    %logistic3A_96 = arith.constant 1.000000e+00 : f32
    %logistic3A_97 = vector.broadcast %logistic3A_96 : f32 to vector<256x128xf32>
    %logistic3A_98 = arith.addf %logistic3A_97, %logistic3A_95 : vector<256x128xf32>
    %logistic3A_99 = arith.divf %logistic3A_97, %logistic3A_98 : vector<256x128xf32>
    %mul3A = arith.mulf %logistic3A_91, %scan3A_66#1 : vector<256x128xf32>
    %mul3A_100 = arith.mulf %logistic3A_84, %tanh3A : vector<256x128xf32>
    %add3A_101 = arith.addf %mul3A, %mul3A_100 : vector<256x128xf32>
    %tanh3A_102 = math.tanh %add3A_101 : vector<256x128xf32>
    %mul3A_103 = arith.mulf %logistic3A_99, %tanh3A_102 : vector<256x128xf32>
    %scan3A_104 = arith.constant 49 : i32
    %get3A_105 = arith.constant 0 : index
    %get3A_106 = arith.constant 0 : index
    %get3A_107 = vector.load %arg6[%get3A_105, %get3A_106] : memref<64x64xf32, #tpu.memory_space<vmem>>, vector<64x64xf32>
    %transpose3A_108 = tpu.transpose %get3A_107, [1, 0] : vector<64x64xf32> -> vector<64x64xf32>
    %broadcast_in_dim3A_109 = arith.constant 0.000000e+00 : f32
    %broadcast_in_dim3A_110 = vector.broadcast %broadcast_in_dim3A_109 : f32 to vector<64x64xf32>
    %concatenate3A_111 = tpu.concatenate %transpose3A_108, %broadcast_in_dim3A_110 in 1 : vector<64x64xf32>, vector<64x64xf32> -> vector<64x128xf32>
    %concatenate3A_112 = tpu.concatenate %broadcast_in_dim3A_110, %transpose3A_108 in 1 : vector<64x64xf32>, vector<64x64xf32> -> vector<64x128xf32>
    %concatenate3A_113 = tpu.concatenate %concatenate3A_111, %concatenate3A_112 in 0 : vector<64x128xf32>, vector<64x128xf32> -> vector<128x128xf32>
    %convert_element_type3A_114 = arith.truncf %concatenate3A_113 : vector<128x128xf32> to vector<128x128xbf16>
    %convert_element_type3A_115 = arith.truncf %mul3A_103 : vector<256x128xf32> to vector<256x128xbf16>
    %dot_general3A_116 = arith.constant dense<0.000000e+00> : vector<256x128xf32>
    %dot_general3A_117 = tpu.matmul %convert_element_type3A_115, %convert_element_type3A_114, %dot_general3A_116 {dimension_numbers = #tpu.dot_dimension_numbers<[1], [0], [0], [1], [0, 0, 1, 1], [], []>, transpose_lhs_hint = false} : vector<256x128xbf16>, vector<128x128xbf16>, vector<256x128xf32> -> vector<256x128xf32>
    %iota3A = tpu.iota {dimensions = array<i32: 0>} : vector<512x256xi32>
    %iota3A_118 = tpu.iota {dimensions = array<i32: 1>} : vector<512x256xi32>
    %mul3A_119 = arith.constant 2 : i32
    %mul3A_120 = vector.broadcast %mul3A_119 : i32 to vector<512x256xi32>
    %mul3A_121 = arith.muli %mul3A_120, %iota3A_118 : vector<512x256xi32>
    %eq3A = arith.cmpi eq, %iota3A, %mul3A_121 : vector<512x256xi32>
    %convert_element_type3A_122 = arith.extui %eq3A : vector<512x256xi1> to vector<512x256xi32>
    %convert_element_type3A_123 = arith.sitofp %convert_element_type3A_122 : vector<512x256xi32> to vector<512x256xf32>
    %mul3A_124 = arith.constant 2 : i32
    %mul3A_125 = vector.broadcast %mul3A_124 : i32 to vector<512x256xi32>
    %mul3A_126 = arith.muli %mul3A_125, %iota3A_118 : vector<512x256xi32>
    %add3A_127 = arith.constant 1 : i32
    %add3A_128 = vector.broadcast %add3A_127 : i32 to vector<512x256xi32>
    %add3A_129 = arith.addi %mul3A_126, %add3A_128 : vector<512x256xi32>
    %eq3A_130 = arith.cmpi eq, %iota3A, %add3A_129 : vector<512x256xi32>
    %convert_element_type3A_131 = arith.extui %eq3A_130 : vector<512x256xi1> to vector<512x256xi32>
    %convert_element_type3A_132 = arith.sitofp %convert_element_type3A_131 : vector<512x256xi32> to vector<512x256xf32>
    %slice3A_133 = vector.extract_strided_slice %dot_general3A_117 {offsets = [0, 0], sizes = [256, 64], strides = [1, 1]} : vector<256x128xf32> to vector<256x64xf32>
    %dot_general3A_134 = arith.constant dense<0.000000e+00> : vector<512x64xf32>
    %dot_general3A_135 = tpu.matmul %convert_element_type3A_123, %slice3A_133, %dot_general3A_134 {dimension_numbers = #tpu.dot_dimension_numbers<[1], [0], [0], [1], [0, 0, 1, 1], [], []>, transpose_lhs_hint = false} : vector<512x256xf32>, vector<256x64xf32>, vector<512x64xf32> -> vector<512x64xf32>
    %slice3A_136 = vector.extract_strided_slice %dot_general3A_117 {offsets = [0, 64], sizes = [256, 64], strides = [1, 1]} : vector<256x128xf32> to vector<256x64xf32>
    %dot_general3A_137 = arith.constant dense<0.000000e+00> : vector<512x64xf32>
    %dot_general3A_138 = tpu.matmul %convert_element_type3A_132, %slice3A_136, %dot_general3A_137 {dimension_numbers = #tpu.dot_dimension_numbers<[1], [0], [0], [1], [0, 0, 1, 1], [], []>, transpose_lhs_hint = false} : vector<512x256xf32>, vector<256x64xf32>, vector<512x64xf32> -> vector<512x64xf32>
    %add3A_139 = arith.addf %dot_general3A_135, %dot_general3A_138 : vector<512x64xf32>
    %get3A_140 = arith.constant 0 : index
    %get3A_141 = vector.load %arg7[%get3A_140] : memref<64xf32, #tpu.memory_space<vmem>>, vector<64xf32>
    %reshape3A_142 = vector.shape_cast %get3A_141 : vector<64xf32> to vector<1x64xf32>
    %add3A_143 = vector.broadcast %reshape3A_142 : vector<1x64xf32> to vector<512x64xf32>
    %add3A_144 = arith.addf %add3A_139, %add3A_143 : vector<512x64xf32>
    %get3A_145 = arith.constant 0 : index
    %get3A_146 = arith.constant 48 : index
    %get3A_147 = vector.load %arg1[%get3A_145, %get3A_146] : memref<512x50xi32, #tpu.memory_space<vmem>>, vector<512x1xi32>
    %get3A_148 = arith.constant 0 : index
    %get3A_149 = arith.constant 49 : index
    %get3A_150 = vector.load %arg1[%get3A_148, %get3A_149] : memref<512x50xi32, #tpu.memory_space<vmem>>, vector<512x1xi32>
    %iota3A_151 = tpu.iota {dimensions = array<i32: 1>} : vector<512x1024xi32>
    %eq3A_152 = vector.broadcast %get3A_147 : vector<512x1xi32> to vector<512x1024xi32>
    %eq3A_153 = arith.cmpi eq, %iota3A_151, %eq3A_152 : vector<512x1024xi32>
    %convert_element_type3A_154 = arith.extui %eq3A_153 : vector<512x1024xi1> to vector<512x1024xi32>
    %convert_element_type3A_155 = arith.sitofp %convert_element_type3A_154 : vector<512x1024xi32> to vector<512x1024xf32>
    %convert_element_type3A_156 = arith.truncf %convert_element_type3A_155 : vector<512x1024xf32> to vector<512x1024xbf16>
    %iota3A_157 = tpu.iota {dimensions = array<i32: 1>} : vector<512x1024xi32>
    %eq3A_158 = vector.broadcast %get3A_150 : vector<512x1xi32> to vector<512x1024xi32>
    %eq3A_159 = arith.cmpi eq, %iota3A_157, %eq3A_158 : vector<512x1024xi32>
    %convert_element_type3A_160 = arith.extui %eq3A_159 : vector<512x1024xi1> to vector<512x1024xi32>
    %convert_element_type3A_161 = arith.sitofp %convert_element_type3A_160 : vector<512x1024xi32> to vector<512x1024xf32>
    %convert_element_type3A_162 = arith.truncf %convert_element_type3A_161 : vector<512x1024xf32> to vector<512x1024xbf16>
    %sub3A = arith.subf %convert_element_type3A_156, %convert_element_type3A_162 : vector<512x1024xbf16>
    %get3A_163 = arith.constant 0 : index
    %get3A_164 = arith.constant 48 : index
    %get3A_165 = arith.constant 0 : index
    %get3A_166 = vector.load %arg0[%get3A_163, %get3A_164, %get3A_165] : memref<256x50x128xf32, #tpu.memory_space<vmem>>, vector<256x1x128xf32>
    %get3A_167 = vector.shape_cast %get3A_166 : vector<256x1x128xf32> to vector<256x128xf32>
    %get3A_168 = arith.constant 0 : index
    %get3A_169 = arith.constant 49 : index
    %get3A_170 = arith.constant 0 : index
    %get3A_171 = vector.load %arg0[%get3A_168, %get3A_169, %get3A_170] : memref<256x50x128xf32, #tpu.memory_space<vmem>>, vector<256x1x128xf32>
    %get3A_172 = vector.shape_cast %get3A_171 : vector<256x1x128xf32> to vector<256x128xf32>
    %sub3A_173 = arith.subf %get3A_167, %get3A_172 : vector<256x128xf32>
    %iota3A_174 = tpu.iota {dimensions = array<i32: 0>} : vector<512x256xi32>
    %iota3A_175 = tpu.iota {dimensions = array<i32: 1>} : vector<512x256xi32>
    %mul3A_176 = arith.constant 2 : i32
    %mul3A_177 = vector.broadcast %mul3A_176 : i32 to vector<512x256xi32>
    %mul3A_178 = arith.muli %mul3A_177, %iota3A_175 : vector<512x256xi32>
    %eq3A_179 = arith.cmpi eq, %iota3A_174, %mul3A_178 : vector<512x256xi32>
    %convert_element_type3A_180 = arith.extui %eq3A_179 : vector<512x256xi1> to vector<512x256xi32>
    %convert_element_type3A_181 = arith.sitofp %convert_element_type3A_180 : vector<512x256xi32> to vector<512x256xf32>
    %mul3A_182 = arith.constant 2 : i32
    %mul3A_183 = vector.broadcast %mul3A_182 : i32 to vector<512x256xi32>
    %mul3A_184 = arith.muli %mul3A_183, %iota3A_175 : vector<512x256xi32>
    %add3A_185 = arith.constant 1 : i32
    %add3A_186 = vector.broadcast %add3A_185 : i32 to vector<512x256xi32>
    %add3A_187 = arith.addi %mul3A_184, %add3A_186 : vector<512x256xi32>
    %eq3A_188 = arith.cmpi eq, %iota3A_174, %add3A_187 : vector<512x256xi32>
    %convert_element_type3A_189 = arith.extui %eq3A_188 : vector<512x256xi1> to vector<512x256xi32>
    %convert_element_type3A_190 = arith.sitofp %convert_element_type3A_189 : vector<512x256xi32> to vector<512x256xf32>
    %slice3A_191 = vector.extract_strided_slice %sub3A_173 {offsets = [0, 0], sizes = [256, 64], strides = [1, 1]} : vector<256x128xf32> to vector<256x64xf32>
    %dot_general3A_192 = arith.constant dense<0.000000e+00> : vector<512x64xf32>
    %dot_general3A_193 = tpu.matmul %convert_element_type3A_181, %slice3A_191, %dot_general3A_192 {dimension_numbers = #tpu.dot_dimension_numbers<[1], [0], [0], [1], [0, 0, 1, 1], [], []>, transpose_lhs_hint = false} : vector<512x256xf32>, vector<256x64xf32>, vector<512x64xf32> -> vector<512x64xf32>
    %slice3A_194 = vector.extract_strided_slice %sub3A_173 {offsets = [0, 64], sizes = [256, 64], strides = [1, 1]} : vector<256x128xf32> to vector<256x64xf32>
    %dot_general3A_195 = arith.constant dense<0.000000e+00> : vector<512x64xf32>
    %dot_general3A_196 = tpu.matmul %convert_element_type3A_190, %slice3A_194, %dot_general3A_195 {dimension_numbers = #tpu.dot_dimension_numbers<[1], [0], [0], [1], [0, 0, 1, 1], [], []>, transpose_lhs_hint = false} : vector<512x256xf32>, vector<256x64xf32>, vector<512x64xf32> -> vector<512x64xf32>
    %add3A_197 = arith.addf %dot_general3A_193, %dot_general3A_196 : vector<512x64xf32>
    %get3A_198 = arith.constant 0 : index
    %get3A_199 = arith.constant 0 : index
    %get3A_200 = vector.load %arg10[%get3A_198, %get3A_199] : memref<1024x64xf32, #tpu.memory_space<vmem>>, vector<1024x64xf32>
    %add3A_201 = arith.addf %add3A_197, %add3A_144 : vector<512x64xf32>
    %get3A_202 = arith.constant 0 : index
    %get3A_203 = arith.constant 0 : index
    %get3A_204 = vector.load %arg8[%get3A_202, %get3A_203] : memref<1024x1024xbf16, #tpu.memory_space<vmem>>, vector<1024x1024xbf16>
    %convert_element_type3A_205 = arith.truncf %get3A_200 : vector<1024x64xf32> to vector<1024x64xbf16>
    %dot_general3A_206 = arith.constant dense<0.000000e+00> : vector<1024x64xf32>
    %dot_general3A_207 = tpu.matmul %get3A_204, %convert_element_type3A_205, %dot_general3A_206 {dimension_numbers = #tpu.dot_dimension_numbers<[1], [0], [0], [1], [0, 0, 1, 1], [], []>, transpose_lhs_hint = false} : vector<1024x1024xbf16>, vector<1024x64xbf16>, vector<1024x64xf32> -> vector<1024x64xf32>
    %mul3A_208 = arith.mulf %add3A_201, %add3A_201 : vector<512x64xf32>
    %reduce_sum3A = arith.constant dense<0.000000e+00> : vector<512xf32>
    %reduce_sum3A_209 = vector.multi_reduction <add>, %mul3A_208, %reduce_sum3A [1] : vector<512x64xf32> to vector<512xf32>
    %broadcast_in_dim3A_210 = vector.shape_cast %reduce_sum3A_209 : vector<512xf32> to vector<512x1xf32>
    %sqrt3A = math.sqrt %broadcast_in_dim3A_210 : vector<512x1xf32>
    %neg3A = arith.constant 0.000000e+00 : f32
    %neg3A_211 = vector.broadcast %neg3A : f32 to vector<512x1xf32>
    %neg3A_212 = arith.subf %neg3A_211, %sqrt3A : vector<512x1xf32>
    %exp3A = math.exp %neg3A_212 : vector<512x1xf32>
    %convert_element_type3A_213 = arith.truncf %dot_general3A_207 : vector<1024x64xf32> to vector<1024x64xbf16>
    %dot_general3A_214 = arith.constant dense<0.000000e+00> : vector<512x64xf32>
    %dot_general3A_215 = tpu.matmul %convert_element_type3A_156, %convert_element_type3A_213, %dot_general3A_214 {dimension_numbers = #tpu.dot_dimension_numbers<[1], [0], [0], [1], [0, 0, 1, 1], [], []>, transpose_lhs_hint = false} : vector<512x1024xbf16>, vector<1024x64xbf16>, vector<512x64xf32> -> vector<512x64xf32>
    %mul3A_216 = vector.broadcast %exp3A : vector<512x1xf32> to vector<512x64xf32>
    %mul3A_217 = arith.mulf %mul3A_216, %dot_general3A_215 : vector<512x64xf32>
    %broadcast_in_dim3A_218 = vector.shape_cast %exp3A : vector<512x1xf32> to vector<512x1xf32>
    %broadcast_in_dim3A_219 = vector.broadcast %broadcast_in_dim3A_218 : vector<512x1xf32> to vector<512x64xf32>
    %concatenate3A_220 = tpu.concatenate %mul3A_217, %broadcast_in_dim3A_219 in 1 : vector<512x64xf32>, vector<512x64xf32> -> vector<512x128xf32>
    %convert_element_type3A_221 = arith.truncf %concatenate3A_220 : vector<512x128xf32> to vector<512x128xbf16>
    %dot_general3A_222 = arith.constant dense<0.000000e+00> : vector<1024x128xf32>
    %dot_general3A_223 = tpu.matmul %convert_element_type3A_162, %convert_element_type3A_221, %dot_general3A_222 {dimension_numbers = #tpu.dot_dimension_numbers<[0], [0], [1], [1], [0, 1, 1, 1], [], []>, transpose_lhs_hint = false} : vector<512x1024xbf16>, vector<512x128xbf16>, vector<1024x128xf32> -> vector<1024x128xf32>
    %slice3A_224 = vector.extract_strided_slice %dot_general3A_223 {offsets = [0, 0], sizes = [1024, 64], strides = [1, 1]} : vector<1024x128xf32> to vector<1024x64xf32>
    %slice3A_225 = vector.extract_strided_slice %dot_general3A_223 {offsets = [0, 64], sizes = [1024, 1], strides = [1, 1]} : vector<1024x128xf32> to vector<1024x1xf32>
    %add3A_226 = arith.constant 9.99999996E-13 : f32
    %add3A_227 = vector.broadcast %add3A_226 : f32 to vector<1024x1xf32>
    %add3A_228 = arith.addf %slice3A_225, %add3A_227 : vector<1024x1xf32>
    %div3A = vector.broadcast %add3A_228 : vector<1024x1xf32> to vector<1024x64xf32>
    %div3A_229 = arith.divf %slice3A_224, %div3A : vector<1024x64xf32>
    %add3A_230 = arith.addf %dot_general3A_207, %div3A_229 : vector<1024x64xf32>
    %max3A = arith.constant 0.000000e+00 : f32
    %max3A_231 = vector.broadcast %max3A : f32 to vector<1024x64xf32>
    %max3A_232 = arith.maximumf %add3A_230, %max3A_231 : vector<1024x64xf32>
    %convert_element_type3A_233 = arith.truncf %max3A_232 : vector<1024x64xf32> to vector<1024x64xbf16>
    %dot_general3A_234 = arith.constant dense<0.000000e+00> : vector<512x64xf32>
    %dot_general3A_235 = tpu.matmul %sub3A, %convert_element_type3A_233, %dot_general3A_234 {dimension_numbers = #tpu.dot_dimension_numbers<[1], [0], [0], [1], [0, 0, 1, 1], [], []>, transpose_lhs_hint = false} : vector<512x1024xbf16>, vector<1024x64xbf16>, vector<512x64xf32> -> vector<512x64xf32>
    %add3A_236 = arith.addf %dot_general3A_235, %add3A_144 : vector<512x64xf32>
    %get3A_237 = arith.constant 0 : index
    %get3A_238 = arith.constant 0 : index
    %get3A_239 = vector.load %arg9[%get3A_237, %get3A_238] : memref<1024x1024xbf16, #tpu.memory_space<vmem>>, vector<1024x1024xbf16>
    %convert_element_type3A_240 = arith.truncf %max3A_232 : vector<1024x64xf32> to vector<1024x64xbf16>
    %dot_general3A_241 = arith.constant dense<0.000000e+00> : vector<1024x64xf32>
    %dot_general3A_242 = tpu.matmul %get3A_239, %convert_element_type3A_240, %dot_general3A_241 {dimension_numbers = #tpu.dot_dimension_numbers<[1], [0], [0], [1], [0, 0, 1, 1], [], []>, transpose_lhs_hint = false} : vector<1024x1024xbf16>, vector<1024x64xbf16>, vector<1024x64xf32> -> vector<1024x64xf32>
    %mul3A_243 = arith.mulf %add3A_236, %add3A_236 : vector<512x64xf32>
    %reduce_sum3A_244 = arith.constant dense<0.000000e+00> : vector<512xf32>
    %reduce_sum3A_245 = vector.multi_reduction <add>, %mul3A_243, %reduce_sum3A_244 [1] : vector<512x64xf32> to vector<512xf32>
    %broadcast_in_dim3A_246 = vector.shape_cast %reduce_sum3A_245 : vector<512xf32> to vector<512x1xf32>
    %sqrt3A_247 = math.sqrt %broadcast_in_dim3A_246 : vector<512x1xf32>
    %neg3A_248 = arith.constant 0.000000e+00 : f32
    %neg3A_249 = vector.broadcast %neg3A_248 : f32 to vector<512x1xf32>
    %neg3A_250 = arith.subf %neg3A_249, %sqrt3A_247 : vector<512x1xf32>
    %exp3A_251 = math.exp %neg3A_250 : vector<512x1xf32>
    %convert_element_type3A_252 = arith.truncf %dot_general3A_242 : vector<1024x64xf32> to vector<1024x64xbf16>
    %dot_general3A_253 = arith.constant dense<0.000000e+00> : vector<512x64xf32>
    %dot_general3A_254 = tpu.matmul %convert_element_type3A_156, %convert_element_type3A_252, %dot_general3A_253 {dimension_numbers = #tpu.dot_dimension_numbers<[1], [0], [0], [1], [0, 0, 1, 1], [], []>, transpose_lhs_hint = false} : vector<512x1024xbf16>, vector<1024x64xbf16>, vector<512x64xf32> -> vector<512x64xf32>
    %mul3A_255 = vector.broadcast %exp3A_251 : vector<512x1xf32> to vector<512x64xf32>
    %mul3A_256 = arith.mulf %mul3A_255, %dot_general3A_254 : vector<512x64xf32>
    %broadcast_in_dim3A_257 = vector.shape_cast %exp3A_251 : vector<512x1xf32> to vector<512x1xf32>
    %broadcast_in_dim3A_258 = vector.broadcast %broadcast_in_dim3A_257 : vector<512x1xf32> to vector<512x64xf32>
    %concatenate3A_259 = tpu.concatenate %mul3A_256, %broadcast_in_dim3A_258 in 1 : vector<512x64xf32>, vector<512x64xf32> -> vector<512x128xf32>
    %convert_element_type3A_260 = arith.truncf %concatenate3A_259 : vector<512x128xf32> to vector<512x128xbf16>
    %dot_general3A_261 = arith.constant dense<0.000000e+00> : vector<1024x128xf32>
    %dot_general3A_262 = tpu.matmul %convert_element_type3A_162, %convert_element_type3A_260, %dot_general3A_261 {dimension_numbers = #tpu.dot_dimension_numbers<[0], [0], [1], [1], [0, 1, 1, 1], [], []>, transpose_lhs_hint = false} : vector<512x1024xbf16>, vector<512x128xbf16>, vector<1024x128xf32> -> vector<1024x128xf32>
    %slice3A_263 = vector.extract_strided_slice %dot_general3A_262 {offsets = [0, 0], sizes = [1024, 64], strides = [1, 1]} : vector<1024x128xf32> to vector<1024x64xf32>
    %slice3A_264 = vector.extract_strided_slice %dot_general3A_262 {offsets = [0, 64], sizes = [1024, 1], strides = [1, 1]} : vector<1024x128xf32> to vector<1024x1xf32>
    %add3A_265 = arith.constant 9.99999996E-13 : f32
    %add3A_266 = vector.broadcast %add3A_265 : f32 to vector<1024x1xf32>
    %add3A_267 = arith.addf %slice3A_264, %add3A_266 : vector<1024x1xf32>
    %div3A_268 = vector.broadcast %add3A_267 : vector<1024x1xf32> to vector<1024x64xf32>
    %div3A_269 = arith.divf %slice3A_263, %div3A_268 : vector<1024x64xf32>
    %add3A_270 = arith.addf %dot_general3A_242, %div3A_269 : vector<1024x64xf32>
    %max3A_271 = arith.constant 0.000000e+00 : f32
    %max3A_272 = vector.broadcast %max3A_271 : f32 to vector<1024x64xf32>
    %max3A_273 = arith.maximumf %add3A_270, %max3A_272 : vector<1024x64xf32>
    %swap3A = arith.constant 0 : index
    %swap3A_274 = arith.constant 0 : index
    %swap3A_275 = vector.load %arg11[%swap3A, %swap3A_274] : memref<1024x64xf32, #tpu.memory_space<vmem>>, vector<1024x64xf32>
    tpu.vector_store %arg11[%swap3A, %swap3A_274], %max3A_273 {strides = array<i32>} : memref<1024x64xf32, #tpu.memory_space<vmem>>, vector<1024x64xf32>,
    return
  }
}

module attributes {stable_mosaic.version = 14 : i64} {
  func.func @_tc2_body(%arg0: memref<256x50x128xf32, #tpu.memory_space<vmem>>, %arg1: memref<256x64xf32, #tpu.memory_space<vmem>>, %arg2: memref<256x64xf32, #tpu.memory_space<vmem>>, %arg3: memref<256xf32, #tpu.memory_space<vmem>>, %arg4: memref<256xf32, #tpu.memory_space<vmem>>, %arg5: memref<64x64xf32, #tpu.memory_space<vmem>>, %arg6: memref<64xf32, #tpu.memory_space<vmem>>, %arg7: memref<1024x64xf32, #tpu.memory_space<vmem>>, %arg8: memref<512x1024xf32, #tpu.memory_space<vmem>>, %arg9: memref<512x64xf32, #tpu.memory_space<vmem>>, %arg10: memref<512x64xf32, #tpu.memory_space<vmem>>) attributes {dimension_semantics = [], scalar_prefetch = 0 : i64, scratch_operands = 2 : i64, tpu.core_type = #tpu.core_type<tc>} {
    %get3A = arith.constant 0 : index
    %get3A_0 = arith.constant 0 : index
    %get3A_1 = vector.load %arg1[%get3A, %get3A_0] : memref<256x64xf32, #tpu.memory_space<vmem>>, vector<256x64xf32>
    %get3A_2 = arith.constant 0 : index
    %get3A_3 = arith.constant 0 : index
    %get3A_4 = vector.load %arg2[%get3A_2, %get3A_3] : memref<256x64xf32, #tpu.memory_space<vmem>>, vector<256x64xf32>
    %broadcast_in_dim3A = arith.constant 0.000000e+00 : f32
    %broadcast_in_dim3A_5 = vector.broadcast %broadcast_in_dim3A : f32 to vector<64x64xf32>
    %slice3A = vector.extract_strided_slice %get3A_1 {offsets = [0, 0], sizes = [64, 64], strides = [1, 1]} : vector<256x64xf32> to vector<64x64xf32>
    %transpose3A = tpu.transpose %slice3A, [1, 0] : vector<64x64xf32> -> vector<64x64xf32>
    %slice3A_6 = vector.extract_strided_slice %get3A_4 {offsets = [0, 0], sizes = [64, 64], strides = [1, 1]} : vector<256x64xf32> to vector<64x64xf32>
    %transpose3A_7 = tpu.transpose %slice3A_6, [1, 0] : vector<64x64xf32> -> vector<64x64xf32>
    %concatenate3A = tpu.concatenate %transpose3A, %broadcast_in_dim3A_5 in 1 : vector<64x64xf32>, vector<64x64xf32> -> vector<64x128xf32>
    %concatenate3A_8 = tpu.concatenate %broadcast_in_dim3A_5, %transpose3A in 1 : vector<64x64xf32>, vector<64x64xf32> -> vector<64x128xf32>
    %concatenate3A_9 = tpu.concatenate %concatenate3A, %concatenate3A_8 in 0 : vector<64x128xf32>, vector<64x128xf32> -> vector<128x128xf32>
    %concatenate3A_10 = tpu.concatenate %transpose3A_7, %broadcast_in_dim3A_5 in 1 : vector<64x64xf32>, vector<64x64xf32> -> vector<64x128xf32>
    %concatenate3A_11 = tpu.concatenate %broadcast_in_dim3A_5, %transpose3A_7 in 1 : vector<64x64xf32>, vector<64x64xf32> -> vector<64x128xf32>
    %concatenate3A_12 = tpu.concatenate %concatenate3A_10, %concatenate3A_11 in 0 : vector<64x128xf32>, vector<64x128xf32> -> vector<128x128xf32>
    %concatenate3A_13 = tpu.concatenate %concatenate3A_9, %concatenate3A_12 in 0 : vector<128x128xf32>, vector<128x128xf32> -> vector<256x128xf32>
    %slice3A_14 = vector.extract_strided_slice %get3A_1 {offsets = [64, 0], sizes = [64, 64], strides = [1, 1]} : vector<256x64xf32> to vector<64x64xf32>
    %transpose3A_15 = tpu.transpose %slice3A_14, [1, 0] : vector<64x64xf32> -> vector<64x64xf32>
    %slice3A_16 = vector.extract_strided_slice %get3A_4 {offsets = [64, 0], sizes = [64, 64], strides = [1, 1]} : vector<256x64xf32> to vector<64x64xf32>
    %transpose3A_17 = tpu.transpose %slice3A_16, [1, 0] : vector<64x64xf32> -> vector<64x64xf32>
    %concatenate3A_18 = tpu.concatenate %transpose3A_15, %broadcast_in_dim3A_5 in 1 : vector<64x64xf32>, vector<64x64xf32> -> vector<64x128xf32>
    %concatenate3A_19 = tpu.concatenate %broadcast_in_dim3A_5, %transpose3A_15 in 1 : vector<64x64xf32>, vector<64x64xf32> -> vector<64x128xf32>
    %concatenate3A_20 = tpu.concatenate %concatenate3A_18, %concatenate3A_19 in 0 : vector<64x128xf32>, vector<64x128xf32> -> vector<128x128xf32>
    %concatenate3A_21 = tpu.concatenate %transpose3A_17, %broadcast_in_dim3A_5 in 1 : vector<64x64xf32>, vector<64x64xf32> -> vector<64x128xf32>
    %concatenate3A_22 = tpu.concatenate %broadcast_in_dim3A_5, %transpose3A_17 in 1 : vector<64x64xf32>, vector<64x64xf32> -> vector<64x128xf32>
    %concatenate3A_23 = tpu.concatenate %concatenate3A_21, %concatenate3A_22 in 0 : vector<64x128xf32>, vector<64x128xf32> -> vector<128x128xf32>
    %concatenate3A_24 = tpu.concatenate %concatenate3A_20, %concatenate3A_23 in 0 : vector<128x128xf32>, vector<128x128xf32> -> vector<256x128xf32>
    %slice3A_25 = vector.extract_strided_slice %get3A_1 {offsets = [128, 0], sizes = [64, 64], strides = [1, 1]} : vector<256x64xf32> to vector<64x64xf32>
    %transpose3A_26 = tpu.transpose %slice3A_25, [1, 0] : vector<64x64xf32> -> vector<64x64xf32>
    %slice3A_27 = vector.extract_strided_slice %get3A_4 {offsets = [128, 0], sizes = [64, 64], strides = [1, 1]} : vector<256x64xf32> to vector<64x64xf32>
    %transpose3A_28 = tpu.transpose %slice3A_27, [1, 0] : vector<64x64xf32> -> vector<64x64xf32>
    %concatenate3A_29 = tpu.concatenate %transpose3A_26, %broadcast_in_dim3A_5 in 1 : vector<64x64xf32>, vector<64x64xf32> -> vector<64x128xf32>
    %concatenate3A_30 = tpu.concatenate %broadcast_in_dim3A_5, %transpose3A_26 in 1 : vector<64x64xf32>, vector<64x64xf32> -> vector<64x128xf32>
    %concatenate3A_31 = tpu.concatenate %concatenate3A_29, %concatenate3A_30 in 0 : vector<64x128xf32>, vector<64x128xf32> -> vector<128x128xf32>
    %concatenate3A_32 = tpu.concatenate %transpose3A_28, %broadcast_in_dim3A_5 in 1 : vector<64x64xf32>, vector<64x64xf32> -> vector<64x128xf32>
    %concatenate3A_33 = tpu.concatenate %broadcast_in_dim3A_5, %transpose3A_28 in 1 : vector<64x64xf32>, vector<64x64xf32> -> vector<64x128xf32>
    %concatenate3A_34 = tpu.concatenate %concatenate3A_32, %concatenate3A_33 in 0 : vector<64x128xf32>, vector<64x128xf32> -> vector<128x128xf32>
    %concatenate3A_35 = tpu.concatenate %concatenate3A_31, %concatenate3A_34 in 0 : vector<128x128xf32>, vector<128x128xf32> -> vector<256x128xf32>
    %slice3A_36 = vector.extract_strided_slice %get3A_1 {offsets = [192, 0], sizes = [64, 64], strides = [1, 1]} : vector<256x64xf32> to vector<64x64xf32>
    %transpose3A_37 = tpu.transpose %slice3A_36, [1, 0] : vector<64x64xf32> -> vector<64x64xf32>
    %slice3A_38 = vector.extract_strided_slice %get3A_4 {offsets = [192, 0], sizes = [64, 64], strides = [1, 1]} : vector<256x64xf32> to vector<64x64xf32>
    %transpose3A_39 = tpu.transpose %slice3A_38, [1, 0] : vector<64x64xf32> -> vector<64x64xf32>
    %concatenate3A_40 = tpu.concatenate %transpose3A_37, %broadcast_in_dim3A_5 in 1 : vector<64x64xf32>, vector<64x64xf32> -> vector<64x128xf32>
    %concatenate3A_41 = tpu.concatenate %broadcast_in_dim3A_5, %transpose3A_37 in 1 : vector<64x64xf32>, vector<64x64xf32> -> vector<64x128xf32>
    %concatenate3A_42 = tpu.concatenate %concatenate3A_40, %concatenate3A_41 in 0 : vector<64x128xf32>, vector<64x128xf32> -> vector<128x128xf32>
    %concatenate3A_43 = tpu.concatenate %transpose3A_39, %broadcast_in_dim3A_5 in 1 : vector<64x64xf32>, vector<64x64xf32> -> vector<64x128xf32>
    %concatenate3A_44 = tpu.concatenate %broadcast_in_dim3A_5, %transpose3A_39 in 1 : vector<64x64xf32>, vector<64x64xf32> -> vector<64x128xf32>
    %concatenate3A_45 = tpu.concatenate %concatenate3A_43, %concatenate3A_44 in 0 : vector<64x128xf32>, vector<64x128xf32> -> vector<128x128xf32>
    %concatenate3A_46 = tpu.concatenate %concatenate3A_42, %concatenate3A_45 in 0 : vector<128x128xf32>, vector<128x128xf32> -> vector<256x128xf32>
    %concatenate3A_47 = tpu.concatenate %concatenate3A_13, %concatenate3A_24, %concatenate3A_35, %concatenate3A_46 in 1 : vector<256x128xf32>, vector<256x128xf32>, vector<256x128xf32>, vector<256x128xf32> -> vector<256x512xf32>
    %convert_element_type3A = arith.truncf %concatenate3A_47 : vector<256x512xf32> to vector<256x512xbf16>
    %get3A_48 = arith.constant 0 : index
    %get3A_49 = vector.load %arg3[%get3A_48] : memref<256xf32, #tpu.memory_space<vmem>>, vector<256xf32>
    %get3A_50 = arith.constant 0 : index
    %get3A_51 = vector.load %arg4[%get3A_50] : memref<256xf32, #tpu.memory_space<vmem>>, vector<256xf32>
    %add3A = arith.addf %get3A_49, %get3A_51 : vector<256xf32>
    %reshape3A = vector.shape_cast %add3A : vector<256xf32> to vector<1x256xf32>
    %slice3A_52 = vector.extract_strided_slice %reshape3A {offsets = [0, 0], sizes = [1, 64], strides = [1, 1]} : vector<1x256xf32> to vector<1x64xf32>
    %concatenate3A_53 = tpu.concatenate %slice3A_52, %slice3A_52 in 1 : vector<1x64xf32>, vector<1x64xf32> -> vector<1x128xf32>
    %slice3A_54 = vector.extract_strided_slice %reshape3A {offsets = [0, 64], sizes = [1, 64], strides = [1, 1]} : vector<1x256xf32> to vector<1x64xf32>
    %concatenate3A_55 = tpu.concatenate %slice3A_54, %slice3A_54 in 1 : vector<1x64xf32>, vector<1x64xf32> -> vector<1x128xf32>
    %slice3A_56 = vector.extract_strided_slice %reshape3A {offsets = [0, 128], sizes = [1, 64], strides = [1, 1]} : vector<1x256xf32> to vector<1x64xf32>
    %concatenate3A_57 = tpu.concatenate %slice3A_56, %slice3A_56 in 1 : vector<1x64xf32>, vector<1x64xf32> -> vector<1x128xf32>
    %slice3A_58 = vector.extract_strided_slice %reshape3A {offsets = [0, 192], sizes = [1, 64], strides = [1, 1]} : vector<1x256xf32> to vector<1x64xf32>
    %concatenate3A_59 = tpu.concatenate %slice3A_58, %slice3A_58 in 1 : vector<1x64xf32>, vector<1x64xf32> -> vector<1x128xf32>
    %concatenate3A_60 = tpu.concatenate %concatenate3A_53, %concatenate3A_55, %concatenate3A_57, %concatenate3A_59 in 1 : vector<1x128xf32>, vector<1x128xf32>, vector<1x128xf32>, vector<1x128xf32> -> vector<1x512xf32>
    %broadcast_in_dim3A_61 = arith.constant 0.000000e+00 : f32
    %broadcast_in_dim3A_62 = vector.broadcast %broadcast_in_dim3A_61 : f32 to vector<256x128xf32>
    %scan3A = arith.constant 0 : i32
    %scan3A_63 = arith.constant 48 : i32
    %scan3A_64 = arith.addi %scan3A, %scan3A_63 : i32
    %scan3A_65 = arith.constant 8 : i32
    %scan3A_66:2 = scf.for %scan3A_141 = %scan3A to %scan3A_64 step %scan3A_65 iter_args(%scan3A_142 = %broadcast_in_dim3A_62, %scan3A_143 = %broadcast_in_dim3A_62) -> (vector<256x128xf32>, vector<256x128xf32>)  : i32 {
      %get3A_144 = arith.constant 0 : index
      %get3A_145 = arith.index_cast %scan3A_141 : i32 to index
      %get3A_146 = arith.constant 0 : index
      %get3A_147 = vector.load %arg0[%get3A_144, %get3A_145, %get3A_146] : memref<256x50x128xf32, #tpu.memory_space<vmem>>, vector<256x1x128xf32>
      %get3A_148 = vector.shape_cast %get3A_147 : vector<256x1x128xf32> to vector<256x128xf32>
      %concatenate3A_149 = tpu.concatenate %get3A_148, %scan3A_142 in 1 : vector<256x128xf32>, vector<256x128xf32> -> vector<256x256xf32>
      %convert_element_type3A_150 = arith.truncf %concatenate3A_149 : vector<256x256xf32> to vector<256x256xbf16>
      %dot_general3A_151 = arith.constant dense<0.000000e+00> : vector<256x512xf32>
      %dot_general3A_152 = tpu.matmul %convert_element_type3A_150, %convert_element_type3A, %dot_general3A_151 {dimension_numbers = #tpu.dot_dimension_numbers<[1], [0], [0], [1], [0, 0, 1, 1], [], []>, transpose_lhs_hint = false} : vector<256x256xbf16>, vector<256x512xbf16>, vector<256x512xf32> -> vector<256x512xf32>
      %add3A_153 = vector.broadcast %concatenate3A_60 : vector<1x512xf32> to vector<256x512xf32>
      %add3A_154 = arith.addf %add3A_153, %dot_general3A_152 : vector<256x512xf32>
      %slice3A_155 = vector.extract_strided_slice %add3A_154 {offsets = [0, 0], sizes = [256, 128], strides = [1, 1]} : vector<256x512xf32> to vector<256x128xf32>
      %logistic3A = arith.negf %slice3A_155 : vector<256x128xf32>
      %logistic3A_156 = math.exp %logistic3A : vector<256x128xf32>
      %logistic3A_157 = arith.constant 1.000000e+00 : f32
      %logistic3A_158 = vector.broadcast %logistic3A_157 : f32 to vector<256x128xf32>
      %logistic3A_159 = arith.addf %logistic3A_158, %logistic3A_156 : vector<256x128xf32>
      %logistic3A_160 = arith.divf %logistic3A_158, %logistic3A_159 : vector<256x128xf32>
      %slice3A_161 = vector.extract_strided_slice %add3A_154 {offsets = [0, 128], sizes = [256, 128], strides = [1, 1]} : vector<256x512xf32> to vector<256x128xf32>
      %logistic3A_162 = arith.negf %slice3A_161 : vector<256x128xf32>
      %logistic3A_163 = math.exp %logistic3A_162 : vector<256x128xf32>
      %logistic3A_164 = arith.constant 1.000000e+00 : f32
      %logistic3A_165 = vector.broadcast %logistic3A_164 : f32 to vector<256x128xf32>
      %logistic3A_166 = arith.addf %logistic3A_165, %logistic3A_163 : vector<256x128xf32>
      %logistic3A_167 = arith.divf %logistic3A_165, %logistic3A_166 : vector<256x128xf32>
      %slice3A_168 = vector.extract_strided_slice %add3A_154 {offsets = [0, 256], sizes = [256, 128], strides = [1, 1]} : vector<256x512xf32> to vector<256x128xf32>
      %tanh3A = math.tanh %slice3A_168 : vector<256x128xf32>
      %slice3A_169 = vector.extract_strided_slice %add3A_154 {offsets = [0, 384], sizes = [256, 128], strides = [1, 1]} : vector<256x512xf32> to vector<256x128xf32>
      %logistic3A_170 = arith.negf %slice3A_169 : vector<256x128xf32>
      %logistic3A_171 = math.exp %logistic3A_170 : vector<256x128xf32>
      %logistic3A_172 = arith.constant 1.000000e+00 : f32
      %logistic3A_173 = vector.broadcast %logistic3A_172 : f32 to vector<256x128xf32>
      %logistic3A_174 = arith.addf %logistic3A_173, %logistic3A_171 : vector<256x128xf32>
      %logistic3A_175 = arith.divf %logistic3A_173, %logistic3A_174 : vector<256x128xf32>
      %mul3A_176 = arith.mulf %logistic3A_167, %scan3A_143 : vector<256x128xf32>
      %mul3A_177 = arith.mulf %logistic3A_160, %tanh3A : vector<256x128xf32>
      %add3A_178 = arith.addf %mul3A_176, %mul3A_177 : vector<256x128xf32>
      %tanh3A_179 = math.tanh %add3A_178 : vector<256x128xf32>
      %mul3A_180 = arith.mulf %logistic3A_175, %tanh3A_179 : vector<256x128xf32>
      %scan3A_181 = arith.constant 1 : i32
      %scan3A_182 = arith.addi %scan3A_141, %scan3A_181 : i32
      %get3A_183 = arith.constant 0 : index
      %get3A_184 = arith.index_cast %scan3A_182 : i32 to index
      %get3A_185 = arith.constant 0 : index
      %get3A_186 = vector.load %arg0[%get3A_183, %get3A_184, %get3A_185] : memref<256x50x128xf32, #tpu.memory_space<vmem>>, vector<256x1x128xf32>
      %get3A_187 = vector.shape_cast %get3A_186 : vector<256x1x128xf32> to vector<256x128xf32>
      %concatenate3A_188 = tpu.concatenate %get3A_187, %mul3A_180 in 1 : vector<256x128xf32>, vector<256x128xf32> -> vector<256x256xf32>
      %convert_element_type3A_189 = arith.truncf %concatenate3A_188 : vector<256x256xf32> to vector<256x256xbf16>
      %dot_general3A_190 = arith.constant dense<0.000000e+00> : vector<256x512xf32>
      %dot_general3A_191 = tpu.matmul %convert_element_type3A_189, %convert_element_type3A, %dot_general3A_190 {dimension_numbers = #tpu.dot_dimension_numbers<[1], [0], [0], [1], [0, 0, 1, 1], [], []>, transpose_lhs_hint = false} : vector<256x256xbf16>, vector<256x512xbf16>, vector<256x512xf32> -> vector<256x512xf32>
      %add3A_192 = vector.broadcast %concatenate3A_60 : vector<1x512xf32> to vector<256x512xf32>
      %add3A_193 = arith.addf %add3A_192, %dot_general3A_191 : vector<256x512xf32>
      %slice3A_194 = vector.extract_strided_slice %add3A_193 {offsets = [0, 0], sizes = [256, 128], strides = [1, 1]} : vector<256x512xf32> to vector<256x128xf32>
      %logistic3A_195 = arith.negf %slice3A_194 : vector<256x128xf32>
      %logistic3A_196 = math.exp %logistic3A_195 : vector<256x128xf32>
      %logistic3A_197 = arith.constant 1.000000e+00 : f32
      %logistic3A_198 = vector.broadcast %logistic3A_197 : f32 to vector<256x128xf32>
      %logistic3A_199 = arith.addf %logistic3A_198, %logistic3A_196 : vector<256x128xf32>
      %logistic3A_200 = arith.divf %logistic3A_198, %logistic3A_199 : vector<256x128xf32>
      %slice3A_201 = vector.extract_strided_slice %add3A_193 {offsets = [0, 128], sizes = [256, 128], strides = [1, 1]} : vector<256x512xf32> to vector<256x128xf32>
      %logistic3A_202 = arith.negf %slice3A_201 : vector<256x128xf32>
      %logistic3A_203 = math.exp %logistic3A_202 : vector<256x128xf32>
      %logistic3A_204 = arith.constant 1.000000e+00 : f32
      %logistic3A_205 = vector.broadcast %logistic3A_204 : f32 to vector<256x128xf32>
      %logistic3A_206 = arith.addf %logistic3A_205, %logistic3A_203 : vector<256x128xf32>
      %logistic3A_207 = arith.divf %logistic3A_205, %logistic3A_206 : vector<256x128xf32>
      %slice3A_208 = vector.extract_strided_slice %add3A_193 {offsets = [0, 256], sizes = [256, 128], strides = [1, 1]} : vector<256x512xf32> to vector<256x128xf32>
      %tanh3A_209 = math.tanh %slice3A_208 : vector<256x128xf32>
      %slice3A_210 = vector.extract_strided_slice %add3A_193 {offsets = [0, 384], sizes = [256, 128], strides = [1, 1]} : vector<256x512xf32> to vector<256x128xf32>
      %logistic3A_211 = arith.negf %slice3A_210 : vector<256x128xf32>
      %logistic3A_212 = math.exp %logistic3A_211 : vector<256x128xf32>
      %logistic3A_213 = arith.constant 1.000000e+00 : f32
      %logistic3A_214 = vector.broadcast %logistic3A_213 : f32 to vector<256x128xf32>
      %logistic3A_215 = arith.addf %logistic3A_214, %logistic3A_212 : vector<256x128xf32>
      %logistic3A_216 = arith.divf %logistic3A_214, %logistic3A_215 : vector<256x128xf32>
      %mul3A_217 = arith.mulf %logistic3A_207, %add3A_178 : vector<256x128xf32>
      %mul3A_218 = arith.mulf %logistic3A_200, %tanh3A_209 : vector<256x128xf32>
      %add3A_219 = arith.addf %mul3A_217, %mul3A_218 : vector<256x128xf32>
      %tanh3A_220 = math.tanh %add3A_219 : vector<256x128xf32>
      %mul3A_221 = arith.mulf %logistic3A_216, %tanh3A_220 : vector<256x128xf32>
      %scan3A_222 = arith.constant 2 : i32
      %scan3A_223 = arith.addi %scan3A_141, %scan3A_222 : i32
      %get3A_224 = arith.constant 0 : index
      %get3A_225 = arith.index_cast %scan3A_223 : i32 to index
      %get3A_226 = arith.constant 0 : index
      %get3A_227 = vector.load %arg0[%get3A_224, %get3A_225, %get3A_226] : memref<256x50x128xf32, #tpu.memory_space<vmem>>, vector<256x1x128xf32>
      %get3A_228 = vector.shape_cast %get3A_227 : vector<256x1x128xf32> to vector<256x128xf32>
      %concatenate3A_229 = tpu.concatenate %get3A_228, %mul3A_221 in 1 : vector<256x128xf32>, vector<256x128xf32> -> vector<256x256xf32>
      %convert_element_type3A_230 = arith.truncf %concatenate3A_229 : vector<256x256xf32> to vector<256x256xbf16>
      %dot_general3A_231 = arith.constant dense<0.000000e+00> : vector<256x512xf32>
      %dot_general3A_232 = tpu.matmul %convert_element_type3A_230, %convert_element_type3A, %dot_general3A_231 {dimension_numbers = #tpu.dot_dimension_numbers<[1], [0], [0], [1], [0, 0, 1, 1], [], []>, transpose_lhs_hint = false} : vector<256x256xbf16>, vector<256x512xbf16>, vector<256x512xf32> -> vector<256x512xf32>
      %add3A_233 = vector.broadcast %concatenate3A_60 : vector<1x512xf32> to vector<256x512xf32>
      %add3A_234 = arith.addf %add3A_233, %dot_general3A_232 : vector<256x512xf32>
      %slice3A_235 = vector.extract_strided_slice %add3A_234 {offsets = [0, 0], sizes = [256, 128], strides = [1, 1]} : vector<256x512xf32> to vector<256x128xf32>
      %logistic3A_236 = arith.negf %slice3A_235 : vector<256x128xf32>
      %logistic3A_237 = math.exp %logistic3A_236 : vector<256x128xf32>
      %logistic3A_238 = arith.constant 1.000000e+00 : f32
      %logistic3A_239 = vector.broadcast %logistic3A_238 : f32 to vector<256x128xf32>
      %logistic3A_240 = arith.addf %logistic3A_239, %logistic3A_237 : vector<256x128xf32>
      %logistic3A_241 = arith.divf %logistic3A_239, %logistic3A_240 : vector<256x128xf32>
      %slice3A_242 = vector.extract_strided_slice %add3A_234 {offsets = [0, 128], sizes = [256, 128], strides = [1, 1]} : vector<256x512xf32> to vector<256x128xf32>
      %logistic3A_243 = arith.negf %slice3A_242 : vector<256x128xf32>
      %logistic3A_244 = math.exp %logistic3A_243 : vector<256x128xf32>
      %logistic3A_245 = arith.constant 1.000000e+00 : f32
      %logistic3A_246 = vector.broadcast %logistic3A_245 : f32 to vector<256x128xf32>
      %logistic3A_247 = arith.addf %logistic3A_246, %logistic3A_244 : vector<256x128xf32>
      %logistic3A_248 = arith.divf %logistic3A_246, %logistic3A_247 : vector<256x128xf32>
      %slice3A_249 = vector.extract_strided_slice %add3A_234 {offsets = [0, 256], sizes = [256, 128], strides = [1, 1]} : vector<256x512xf32> to vector<256x128xf32>
      %tanh3A_250 = math.tanh %slice3A_249 : vector<256x128xf32>
      %slice3A_251 = vector.extract_strided_slice %add3A_234 {offsets = [0, 384], sizes = [256, 128], strides = [1, 1]} : vector<256x512xf32> to vector<256x128xf32>
      %logistic3A_252 = arith.negf %slice3A_251 : vector<256x128xf32>
      %logistic3A_253 = math.exp %logistic3A_252 : vector<256x128xf32>
      %logistic3A_254 = arith.constant 1.000000e+00 : f32
      %logistic3A_255 = vector.broadcast %logistic3A_254 : f32 to vector<256x128xf32>
      %logistic3A_256 = arith.addf %logistic3A_255, %logistic3A_253 : vector<256x128xf32>
      %logistic3A_257 = arith.divf %logistic3A_255, %logistic3A_256 : vector<256x128xf32>
      %mul3A_258 = arith.mulf %logistic3A_248, %add3A_219 : vector<256x128xf32>
      %mul3A_259 = arith.mulf %logistic3A_241, %tanh3A_250 : vector<256x128xf32>
      %add3A_260 = arith.addf %mul3A_258, %mul3A_259 : vector<256x128xf32>
      %tanh3A_261 = math.tanh %add3A_260 : vector<256x128xf32>
      %mul3A_262 = arith.mulf %logistic3A_257, %tanh3A_261 : vector<256x128xf32>
      %scan3A_263 = arith.constant 3 : i32
      %scan3A_264 = arith.addi %scan3A_141, %scan3A_263 : i32
      %get3A_265 = arith.constant 0 : index
      %get3A_266 = arith.index_cast %scan3A_264 : i32 to index
      %get3A_267 = arith.constant 0 : index
      %get3A_268 = vector.load %arg0[%get3A_265, %get3A_266, %get3A_267] : memref<256x50x128xf32, #tpu.memory_space<vmem>>, vector<256x1x128xf32>
      %get3A_269 = vector.shape_cast %get3A_268 : vector<256x1x128xf32> to vector<256x128xf32>
      %concatenate3A_270 = tpu.concatenate %get3A_269, %mul3A_262 in 1 : vector<256x128xf32>, vector<256x128xf32> -> vector<256x256xf32>
      %convert_element_type3A_271 = arith.truncf %concatenate3A_270 : vector<256x256xf32> to vector<256x256xbf16>
      %dot_general3A_272 = arith.constant dense<0.000000e+00> : vector<256x512xf32>
      %dot_general3A_273 = tpu.matmul %convert_element_type3A_271, %convert_element_type3A, %dot_general3A_272 {dimension_numbers = #tpu.dot_dimension_numbers<[1], [0], [0], [1], [0, 0, 1, 1], [], []>, transpose_lhs_hint = false} : vector<256x256xbf16>, vector<256x512xbf16>, vector<256x512xf32> -> vector<256x512xf32>
      %add3A_274 = vector.broadcast %concatenate3A_60 : vector<1x512xf32> to vector<256x512xf32>
      %add3A_275 = arith.addf %add3A_274, %dot_general3A_273 : vector<256x512xf32>
      %slice3A_276 = vector.extract_strided_slice %add3A_275 {offsets = [0, 0], sizes = [256, 128], strides = [1, 1]} : vector<256x512xf32> to vector<256x128xf32>
      %logistic3A_277 = arith.negf %slice3A_276 : vector<256x128xf32>
      %logistic3A_278 = math.exp %logistic3A_277 : vector<256x128xf32>
      %logistic3A_279 = arith.constant 1.000000e+00 : f32
      %logistic3A_280 = vector.broadcast %logistic3A_279 : f32 to vector<256x128xf32>
      %logistic3A_281 = arith.addf %logistic3A_280, %logistic3A_278 : vector<256x128xf32>
      %logistic3A_282 = arith.divf %logistic3A_280, %logistic3A_281 : vector<256x128xf32>
      %slice3A_283 = vector.extract_strided_slice %add3A_275 {offsets = [0, 128], sizes = [256, 128], strides = [1, 1]} : vector<256x512xf32> to vector<256x128xf32>
      %logistic3A_284 = arith.negf %slice3A_283 : vector<256x128xf32>
      %logistic3A_285 = math.exp %logistic3A_284 : vector<256x128xf32>
      %logistic3A_286 = arith.constant 1.000000e+00 : f32
      %logistic3A_287 = vector.broadcast %logistic3A_286 : f32 to vector<256x128xf32>
      %logistic3A_288 = arith.addf %logistic3A_287, %logistic3A_285 : vector<256x128xf32>
      %logistic3A_289 = arith.divf %logistic3A_287, %logistic3A_288 : vector<256x128xf32>
      %slice3A_290 = vector.extract_strided_slice %add3A_275 {offsets = [0, 256], sizes = [256, 128], strides = [1, 1]} : vector<256x512xf32> to vector<256x128xf32>
      %tanh3A_291 = math.tanh %slice3A_290 : vector<256x128xf32>
      %slice3A_292 = vector.extract_strided_slice %add3A_275 {offsets = [0, 384], sizes = [256, 128], strides = [1, 1]} : vector<256x512xf32> to vector<256x128xf32>
      %logistic3A_293 = arith.negf %slice3A_292 : vector<256x128xf32>
      %logistic3A_294 = math.exp %logistic3A_293 : vector<256x128xf32>
      %logistic3A_295 = arith.constant 1.000000e+00 : f32
      %logistic3A_296 = vector.broadcast %logistic3A_295 : f32 to vector<256x128xf32>
      %logistic3A_297 = arith.addf %logistic3A_296, %logistic3A_294 : vector<256x128xf32>
      %logistic3A_298 = arith.divf %logistic3A_296, %logistic3A_297 : vector<256x128xf32>
      %mul3A_299 = arith.mulf %logistic3A_289, %add3A_260 : vector<256x128xf32>
      %mul3A_300 = arith.mulf %logistic3A_282, %tanh3A_291 : vector<256x128xf32>
      %add3A_301 = arith.addf %mul3A_299, %mul3A_300 : vector<256x128xf32>
      %tanh3A_302 = math.tanh %add3A_301 : vector<256x128xf32>
      %mul3A_303 = arith.mulf %logistic3A_298, %tanh3A_302 : vector<256x128xf32>
      %scan3A_304 = arith.constant 4 : i32
      %scan3A_305 = arith.addi %scan3A_141, %scan3A_304 : i32
      %get3A_306 = arith.constant 0 : index
      %get3A_307 = arith.index_cast %scan3A_305 : i32 to index
      %get3A_308 = arith.constant 0 : index
      %get3A_309 = vector.load %arg0[%get3A_306, %get3A_307, %get3A_308] : memref<256x50x128xf32, #tpu.memory_space<vmem>>, vector<256x1x128xf32>
      %get3A_310 = vector.shape_cast %get3A_309 : vector<256x1x128xf32> to vector<256x128xf32>
      %concatenate3A_311 = tpu.concatenate %get3A_310, %mul3A_303 in 1 : vector<256x128xf32>, vector<256x128xf32> -> vector<256x256xf32>
      %convert_element_type3A_312 = arith.truncf %concatenate3A_311 : vector<256x256xf32> to vector<256x256xbf16>
      %dot_general3A_313 = arith.constant dense<0.000000e+00> : vector<256x512xf32>
      %dot_general3A_314 = tpu.matmul %convert_element_type3A_312, %convert_element_type3A, %dot_general3A_313 {dimension_numbers = #tpu.dot_dimension_numbers<[1], [0], [0], [1], [0, 0, 1, 1], [], []>, transpose_lhs_hint = false} : vector<256x256xbf16>, vector<256x512xbf16>, vector<256x512xf32> -> vector<256x512xf32>
      %add3A_315 = vector.broadcast %concatenate3A_60 : vector<1x512xf32> to vector<256x512xf32>
      %add3A_316 = arith.addf %add3A_315, %dot_general3A_314 : vector<256x512xf32>
      %slice3A_317 = vector.extract_strided_slice %add3A_316 {offsets = [0, 0], sizes = [256, 128], strides = [1, 1]} : vector<256x512xf32> to vector<256x128xf32>
      %logistic3A_318 = arith.negf %slice3A_317 : vector<256x128xf32>
      %logistic3A_319 = math.exp %logistic3A_318 : vector<256x128xf32>
      %logistic3A_320 = arith.constant 1.000000e+00 : f32
      %logistic3A_321 = vector.broadcast %logistic3A_320 : f32 to vector<256x128xf32>
      %logistic3A_322 = arith.addf %logistic3A_321, %logistic3A_319 : vector<256x128xf32>
      %logistic3A_323 = arith.divf %logistic3A_321, %logistic3A_322 : vector<256x128xf32>
      %slice3A_324 = vector.extract_strided_slice %add3A_316 {offsets = [0, 128], sizes = [256, 128], strides = [1, 1]} : vector<256x512xf32> to vector<256x128xf32>
      %logistic3A_325 = arith.negf %slice3A_324 : vector<256x128xf32>
      %logistic3A_326 = math.exp %logistic3A_325 : vector<256x128xf32>
      %logistic3A_327 = arith.constant 1.000000e+00 : f32
      %logistic3A_328 = vector.broadcast %logistic3A_327 : f32 to vector<256x128xf32>
      %logistic3A_329 = arith.addf %logistic3A_328, %logistic3A_326 : vector<256x128xf32>
      %logistic3A_330 = arith.divf %logistic3A_328, %logistic3A_329 : vector<256x128xf32>
      %slice3A_331 = vector.extract_strided_slice %add3A_316 {offsets = [0, 256], sizes = [256, 128], strides = [1, 1]} : vector<256x512xf32> to vector<256x128xf32>
      %tanh3A_332 = math.tanh %slice3A_331 : vector<256x128xf32>
      %slice3A_333 = vector.extract_strided_slice %add3A_316 {offsets = [0, 384], sizes = [256, 128], strides = [1, 1]} : vector<256x512xf32> to vector<256x128xf32>
      %logistic3A_334 = arith.negf %slice3A_333 : vector<256x128xf32>
      %logistic3A_335 = math.exp %logistic3A_334 : vector<256x128xf32>
      %logistic3A_336 = arith.constant 1.000000e+00 : f32
      %logistic3A_337 = vector.broadcast %logistic3A_336 : f32 to vector<256x128xf32>
      %logistic3A_338 = arith.addf %logistic3A_337, %logistic3A_335 : vector<256x128xf32>
      %logistic3A_339 = arith.divf %logistic3A_337, %logistic3A_338 : vector<256x128xf32>
      %mul3A_340 = arith.mulf %logistic3A_330, %add3A_301 : vector<256x128xf32>
      %mul3A_341 = arith.mulf %logistic3A_323, %tanh3A_332 : vector<256x128xf32>
      %add3A_342 = arith.addf %mul3A_340, %mul3A_341 : vector<256x128xf32>
      %tanh3A_343 = math.tanh %add3A_342 : vector<256x128xf32>
      %mul3A_344 = arith.mulf %logistic3A_339, %tanh3A_343 : vector<256x128xf32>
      %scan3A_345 = arith.constant 5 : i32
      %scan3A_346 = arith.addi %scan3A_141, %scan3A_345 : i32
      %get3A_347 = arith.constant 0 : index
      %get3A_348 = arith.index_cast %scan3A_346 : i32 to index
      %get3A_349 = arith.constant 0 : index
      %get3A_350 = vector.load %arg0[%get3A_347, %get3A_348, %get3A_349] : memref<256x50x128xf32, #tpu.memory_space<vmem>>, vector<256x1x128xf32>
      %get3A_351 = vector.shape_cast %get3A_350 : vector<256x1x128xf32> to vector<256x128xf32>
      %concatenate3A_352 = tpu.concatenate %get3A_351, %mul3A_344 in 1 : vector<256x128xf32>, vector<256x128xf32> -> vector<256x256xf32>
      %convert_element_type3A_353 = arith.truncf %concatenate3A_352 : vector<256x256xf32> to vector<256x256xbf16>
      %dot_general3A_354 = arith.constant dense<0.000000e+00> : vector<256x512xf32>
      %dot_general3A_355 = tpu.matmul %convert_element_type3A_353, %convert_element_type3A, %dot_general3A_354 {dimension_numbers = #tpu.dot_dimension_numbers<[1], [0], [0], [1], [0, 0, 1, 1], [], []>, transpose_lhs_hint = false} : vector<256x256xbf16>, vector<256x512xbf16>, vector<256x512xf32> -> vector<256x512xf32>
      %add3A_356 = vector.broadcast %concatenate3A_60 : vector<1x512xf32> to vector<256x512xf32>
      %add3A_357 = arith.addf %add3A_356, %dot_general3A_355 : vector<256x512xf32>
      %slice3A_358 = vector.extract_strided_slice %add3A_357 {offsets = [0, 0], sizes = [256, 128], strides = [1, 1]} : vector<256x512xf32> to vector<256x128xf32>
      %logistic3A_359 = arith.negf %slice3A_358 : vector<256x128xf32>
      %logistic3A_360 = math.exp %logistic3A_359 : vector<256x128xf32>
      %logistic3A_361 = arith.constant 1.000000e+00 : f32
      %logistic3A_362 = vector.broadcast %logistic3A_361 : f32 to vector<256x128xf32>
      %logistic3A_363 = arith.addf %logistic3A_362, %logistic3A_360 : vector<256x128xf32>
      %logistic3A_364 = arith.divf %logistic3A_362, %logistic3A_363 : vector<256x128xf32>
      %slice3A_365 = vector.extract_strided_slice %add3A_357 {offsets = [0, 128], sizes = [256, 128], strides = [1, 1]} : vector<256x512xf32> to vector<256x128xf32>
      %logistic3A_366 = arith.negf %slice3A_365 : vector<256x128xf32>
      %logistic3A_367 = math.exp %logistic3A_366 : vector<256x128xf32>
      %logistic3A_368 = arith.constant 1.000000e+00 : f32
      %logistic3A_369 = vector.broadcast %logistic3A_368 : f32 to vector<256x128xf32>
      %logistic3A_370 = arith.addf %logistic3A_369, %logistic3A_367 : vector<256x128xf32>
      %logistic3A_371 = arith.divf %logistic3A_369, %logistic3A_370 : vector<256x128xf32>
      %slice3A_372 = vector.extract_strided_slice %add3A_357 {offsets = [0, 256], sizes = [256, 128], strides = [1, 1]} : vector<256x512xf32> to vector<256x128xf32>
      %tanh3A_373 = math.tanh %slice3A_372 : vector<256x128xf32>
      %slice3A_374 = vector.extract_strided_slice %add3A_357 {offsets = [0, 384], sizes = [256, 128], strides = [1, 1]} : vector<256x512xf32> to vector<256x128xf32>
      %logistic3A_375 = arith.negf %slice3A_374 : vector<256x128xf32>
      %logistic3A_376 = math.exp %logistic3A_375 : vector<256x128xf32>
      %logistic3A_377 = arith.constant 1.000000e+00 : f32
      %logistic3A_378 = vector.broadcast %logistic3A_377 : f32 to vector<256x128xf32>
      %logistic3A_379 = arith.addf %logistic3A_378, %logistic3A_376 : vector<256x128xf32>
      %logistic3A_380 = arith.divf %logistic3A_378, %logistic3A_379 : vector<256x128xf32>
      %mul3A_381 = arith.mulf %logistic3A_371, %add3A_342 : vector<256x128xf32>
      %mul3A_382 = arith.mulf %logistic3A_364, %tanh3A_373 : vector<256x128xf32>
      %add3A_383 = arith.addf %mul3A_381, %mul3A_382 : vector<256x128xf32>
      %tanh3A_384 = math.tanh %add3A_383 : vector<256x128xf32>
      %mul3A_385 = arith.mulf %logistic3A_380, %tanh3A_384 : vector<256x128xf32>
      %scan3A_386 = arith.constant 6 : i32
      %scan3A_387 = arith.addi %scan3A_141, %scan3A_386 : i32
      %get3A_388 = arith.constant 0 : index
      %get3A_389 = arith.index_cast %scan3A_387 : i32 to index
      %get3A_390 = arith.constant 0 : index
      %get3A_391 = vector.load %arg0[%get3A_388, %get3A_389, %get3A_390] : memref<256x50x128xf32, #tpu.memory_space<vmem>>, vector<256x1x128xf32>
      %get3A_392 = vector.shape_cast %get3A_391 : vector<256x1x128xf32> to vector<256x128xf32>
      %concatenate3A_393 = tpu.concatenate %get3A_392, %mul3A_385 in 1 : vector<256x128xf32>, vector<256x128xf32> -> vector<256x256xf32>
      %convert_element_type3A_394 = arith.truncf %concatenate3A_393 : vector<256x256xf32> to vector<256x256xbf16>
      %dot_general3A_395 = arith.constant dense<0.000000e+00> : vector<256x512xf32>
      %dot_general3A_396 = tpu.matmul %convert_element_type3A_394, %convert_element_type3A, %dot_general3A_395 {dimension_numbers = #tpu.dot_dimension_numbers<[1], [0], [0], [1], [0, 0, 1, 1], [], []>, transpose_lhs_hint = false} : vector<256x256xbf16>, vector<256x512xbf16>, vector<256x512xf32> -> vector<256x512xf32>
      %add3A_397 = vector.broadcast %concatenate3A_60 : vector<1x512xf32> to vector<256x512xf32>
      %add3A_398 = arith.addf %add3A_397, %dot_general3A_396 : vector<256x512xf32>
      %slice3A_399 = vector.extract_strided_slice %add3A_398 {offsets = [0, 0], sizes = [256, 128], strides = [1, 1]} : vector<256x512xf32> to vector<256x128xf32>
      %logistic3A_400 = arith.negf %slice3A_399 : vector<256x128xf32>
      %logistic3A_401 = math.exp %logistic3A_400 : vector<256x128xf32>
      %logistic3A_402 = arith.constant 1.000000e+00 : f32
      %logistic3A_403 = vector.broadcast %logistic3A_402 : f32 to vector<256x128xf32>
      %logistic3A_404 = arith.addf %logistic3A_403, %logistic3A_401 : vector<256x128xf32>
      %logistic3A_405 = arith.divf %logistic3A_403, %logistic3A_404 : vector<256x128xf32>
      %slice3A_406 = vector.extract_strided_slice %add3A_398 {offsets = [0, 128], sizes = [256, 128], strides = [1, 1]} : vector<256x512xf32> to vector<256x128xf32>
      %logistic3A_407 = arith.negf %slice3A_406 : vector<256x128xf32>
      %logistic3A_408 = math.exp %logistic3A_407 : vector<256x128xf32>
      %logistic3A_409 = arith.constant 1.000000e+00 : f32
      %logistic3A_410 = vector.broadcast %logistic3A_409 : f32 to vector<256x128xf32>
      %logistic3A_411 = arith.addf %logistic3A_410, %logistic3A_408 : vector<256x128xf32>
      %logistic3A_412 = arith.divf %logistic3A_410, %logistic3A_411 : vector<256x128xf32>
      %slice3A_413 = vector.extract_strided_slice %add3A_398 {offsets = [0, 256], sizes = [256, 128], strides = [1, 1]} : vector<256x512xf32> to vector<256x128xf32>
      %tanh3A_414 = math.tanh %slice3A_413 : vector<256x128xf32>
      %slice3A_415 = vector.extract_strided_slice %add3A_398 {offsets = [0, 384], sizes = [256, 128], strides = [1, 1]} : vector<256x512xf32> to vector<256x128xf32>
      %logistic3A_416 = arith.negf %slice3A_415 : vector<256x128xf32>
      %logistic3A_417 = math.exp %logistic3A_416 : vector<256x128xf32>
      %logistic3A_418 = arith.constant 1.000000e+00 : f32
      %logistic3A_419 = vector.broadcast %logistic3A_418 : f32 to vector<256x128xf32>
      %logistic3A_420 = arith.addf %logistic3A_419, %logistic3A_417 : vector<256x128xf32>
      %logistic3A_421 = arith.divf %logistic3A_419, %logistic3A_420 : vector<256x128xf32>
      %mul3A_422 = arith.mulf %logistic3A_412, %add3A_383 : vector<256x128xf32>
      %mul3A_423 = arith.mulf %logistic3A_405, %tanh3A_414 : vector<256x128xf32>
      %add3A_424 = arith.addf %mul3A_422, %mul3A_423 : vector<256x128xf32>
      %tanh3A_425 = math.tanh %add3A_424 : vector<256x128xf32>
      %mul3A_426 = arith.mulf %logistic3A_421, %tanh3A_425 : vector<256x128xf32>
      %scan3A_427 = arith.constant 7 : i32
      %scan3A_428 = arith.addi %scan3A_141, %scan3A_427 : i32
      %get3A_429 = arith.constant 0 : index
      %get3A_430 = arith.index_cast %scan3A_428 : i32 to index
      %get3A_431 = arith.constant 0 : index
      %get3A_432 = vector.load %arg0[%get3A_429, %get3A_430, %get3A_431] : memref<256x50x128xf32, #tpu.memory_space<vmem>>, vector<256x1x128xf32>
      %get3A_433 = vector.shape_cast %get3A_432 : vector<256x1x128xf32> to vector<256x128xf32>
      %concatenate3A_434 = tpu.concatenate %get3A_433, %mul3A_426 in 1 : vector<256x128xf32>, vector<256x128xf32> -> vector<256x256xf32>
      %convert_element_type3A_435 = arith.truncf %concatenate3A_434 : vector<256x256xf32> to vector<256x256xbf16>
      %dot_general3A_436 = arith.constant dense<0.000000e+00> : vector<256x512xf32>
      %dot_general3A_437 = tpu.matmul %convert_element_type3A_435, %convert_element_type3A, %dot_general3A_436 {dimension_numbers = #tpu.dot_dimension_numbers<[1], [0], [0], [1], [0, 0, 1, 1], [], []>, transpose_lhs_hint = false} : vector<256x256xbf16>, vector<256x512xbf16>, vector<256x512xf32> -> vector<256x512xf32>
      %add3A_438 = vector.broadcast %concatenate3A_60 : vector<1x512xf32> to vector<256x512xf32>
      %add3A_439 = arith.addf %add3A_438, %dot_general3A_437 : vector<256x512xf32>
      %slice3A_440 = vector.extract_strided_slice %add3A_439 {offsets = [0, 0], sizes = [256, 128], strides = [1, 1]} : vector<256x512xf32> to vector<256x128xf32>
      %logistic3A_441 = arith.negf %slice3A_440 : vector<256x128xf32>
      %logistic3A_442 = math.exp %logistic3A_441 : vector<256x128xf32>
      %logistic3A_443 = arith.constant 1.000000e+00 : f32
      %logistic3A_444 = vector.broadcast %logistic3A_443 : f32 to vector<256x128xf32>
      %logistic3A_445 = arith.addf %logistic3A_444, %logistic3A_442 : vector<256x128xf32>
      %logistic3A_446 = arith.divf %logistic3A_444, %logistic3A_445 : vector<256x128xf32>
      %slice3A_447 = vector.extract_strided_slice %add3A_439 {offsets = [0, 128], sizes = [256, 128], strides = [1, 1]} : vector<256x512xf32> to vector<256x128xf32>
      %logistic3A_448 = arith.negf %slice3A_447 : vector<256x128xf32>
      %logistic3A_449 = math.exp %logistic3A_448 : vector<256x128xf32>
      %logistic3A_450 = arith.constant 1.000000e+00 : f32
      %logistic3A_451 = vector.broadcast %logistic3A_450 : f32 to vector<256x128xf32>
      %logistic3A_452 = arith.addf %logistic3A_451, %logistic3A_449 : vector<256x128xf32>
      %logistic3A_453 = arith.divf %logistic3A_451, %logistic3A_452 : vector<256x128xf32>
      %slice3A_454 = vector.extract_strided_slice %add3A_439 {offsets = [0, 256], sizes = [256, 128], strides = [1, 1]} : vector<256x512xf32> to vector<256x128xf32>
      %tanh3A_455 = math.tanh %slice3A_454 : vector<256x128xf32>
      %slice3A_456 = vector.extract_strided_slice %add3A_439 {offsets = [0, 384], sizes = [256, 128], strides = [1, 1]} : vector<256x512xf32> to vector<256x128xf32>
      %logistic3A_457 = arith.negf %slice3A_456 : vector<256x128xf32>
      %logistic3A_458 = math.exp %logistic3A_457 : vector<256x128xf32>
      %logistic3A_459 = arith.constant 1.000000e+00 : f32
      %logistic3A_460 = vector.broadcast %logistic3A_459 : f32 to vector<256x128xf32>
      %logistic3A_461 = arith.addf %logistic3A_460, %logistic3A_458 : vector<256x128xf32>
      %logistic3A_462 = arith.divf %logistic3A_460, %logistic3A_461 : vector<256x128xf32>
      %mul3A_463 = arith.mulf %logistic3A_453, %add3A_424 : vector<256x128xf32>
      %mul3A_464 = arith.mulf %logistic3A_446, %tanh3A_455 : vector<256x128xf32>
      %add3A_465 = arith.addf %mul3A_463, %mul3A_464 : vector<256x128xf32>
      %tanh3A_466 = math.tanh %add3A_465 : vector<256x128xf32>
      %mul3A_467 = arith.mulf %logistic3A_462, %tanh3A_466 : vector<256x128xf32>
      scf.yield %mul3A_467, %add3A_465 : vector<256x128xf32>, vector<256x128xf32>
    }
    %scan3A_67 = arith.constant 48 : i32
    %get3A_68 = arith.constant 0 : index
    %get3A_69 = arith.constant 0 : index
    %get3A_70 = vector.load %arg5[%get3A_68, %get3A_69] : memref<64x64xf32, #tpu.memory_space<vmem>>, vector<64x64xf32>
    %transpose3A_71 = tpu.transpose %get3A_70, [1, 0] : vector<64x64xf32> -> vector<64x64xf32>
    %broadcast_in_dim3A_72 = arith.constant 0.000000e+00 : f32
    %broadcast_in_dim3A_73 = vector.broadcast %broadcast_in_dim3A_72 : f32 to vector<64x64xf32>
    %concatenate3A_74 = tpu.concatenate %transpose3A_71, %broadcast_in_dim3A_73 in 1 : vector<64x64xf32>, vector<64x64xf32> -> vector<64x128xf32>
    %concatenate3A_75 = tpu.concatenate %broadcast_in_dim3A_73, %transpose3A_71 in 1 : vector<64x64xf32>, vector<64x64xf32> -> vector<64x128xf32>
    %concatenate3A_76 = tpu.concatenate %concatenate3A_74, %concatenate3A_75 in 0 : vector<64x128xf32>, vector<64x128xf32> -> vector<128x128xf32>
    %convert_element_type3A_77 = arith.truncf %concatenate3A_76 : vector<128x128xf32> to vector<128x128xbf16>
    %convert_element_type3A_78 = arith.truncf %scan3A_66#0 : vector<256x128xf32> to vector<256x128xbf16>
    %dot_general3A = arith.constant dense<0.000000e+00> : vector<256x128xf32>
    %dot_general3A_79 = tpu.matmul %convert_element_type3A_78, %convert_element_type3A_77, %dot_general3A {dimension_numbers = #tpu.dot_dimension_numbers<[1], [0], [0], [1], [0, 0, 1, 1], [], []>, transpose_lhs_hint = false} : vector<256x128xbf16>, vector<128x128xbf16>, vector<256x128xf32> -> vector<256x128xf32>
    %get3A_80 = arith.constant 0 : index
    %get3A_81 = arith.constant 49 : index
    %get3A_82 = arith.constant 0 : index
    %get3A_83 = vector.load %arg0[%get3A_80, %get3A_81, %get3A_82] : memref<256x50x128xf32, #tpu.memory_space<vmem>>, vector<256x1x128xf32>
    %get3A_84 = vector.shape_cast %get3A_83 : vector<256x1x128xf32> to vector<256x128xf32>
    %add3A_85 = arith.addf %get3A_84, %dot_general3A_79 : vector<256x128xf32>
    %iota3A = tpu.iota {dimensions = array<i32: 0>} : vector<512x256xi32>
    %iota3A_86 = tpu.iota {dimensions = array<i32: 1>} : vector<512x256xi32>
    %mul3A = arith.constant 2 : i32
    %mul3A_87 = vector.broadcast %mul3A : i32 to vector<512x256xi32>
    %mul3A_88 = arith.muli %mul3A_87, %iota3A_86 : vector<512x256xi32>
    %eq3A = arith.cmpi eq, %iota3A, %mul3A_88 : vector<512x256xi32>
    %convert_element_type3A_89 = arith.extui %eq3A : vector<512x256xi1> to vector<512x256xi32>
    %convert_element_type3A_90 = arith.sitofp %convert_element_type3A_89 : vector<512x256xi32> to vector<512x256xf32>
    %mul3A_91 = arith.constant 2 : i32
    %mul3A_92 = vector.broadcast %mul3A_91 : i32 to vector<512x256xi32>
    %mul3A_93 = arith.muli %mul3A_92, %iota3A_86 : vector<512x256xi32>
    %add3A_94 = arith.constant 1 : i32
    %add3A_95 = vector.broadcast %add3A_94 : i32 to vector<512x256xi32>
    %add3A_96 = arith.addi %mul3A_93, %add3A_95 : vector<512x256xi32>
    %eq3A_97 = arith.cmpi eq, %iota3A, %add3A_96 : vector<512x256xi32>
    %convert_element_type3A_98 = arith.extui %eq3A_97 : vector<512x256xi1> to vector<512x256xi32>
    %convert_element_type3A_99 = arith.sitofp %convert_element_type3A_98 : vector<512x256xi32> to vector<512x256xf32>
    %slice3A_100 = vector.extract_strided_slice %add3A_85 {offsets = [0, 0], sizes = [256, 64], strides = [1, 1]} : vector<256x128xf32> to vector<256x64xf32>
    %dot_general3A_101 = arith.constant dense<0.000000e+00> : vector<512x64xf32>
    %dot_general3A_102 = tpu.matmul %convert_element_type3A_90, %slice3A_100, %dot_general3A_101 {dimension_numbers = #tpu.dot_dimension_numbers<[1], [0], [0], [1], [0, 0, 1, 1], [], []>, transpose_lhs_hint = false} : vector<512x256xf32>, vector<256x64xf32>, vector<512x64xf32> -> vector<512x64xf32>
    %slice3A_103 = vector.extract_strided_slice %add3A_85 {offsets = [0, 64], sizes = [256, 64], strides = [1, 1]} : vector<256x128xf32> to vector<256x64xf32>
    %dot_general3A_104 = arith.constant dense<0.000000e+00> : vector<512x64xf32>
    %dot_general3A_105 = tpu.matmul %convert_element_type3A_99, %slice3A_103, %dot_general3A_104 {dimension_numbers = #tpu.dot_dimension_numbers<[1], [0], [0], [1], [0, 0, 1, 1], [], []>, transpose_lhs_hint = false} : vector<512x256xf32>, vector<256x64xf32>, vector<512x64xf32> -> vector<512x64xf32>
    %add3A_106 = arith.addf %dot_general3A_102, %dot_general3A_105 : vector<512x64xf32>
    %get3A_107 = arith.constant 0 : index
    %get3A_108 = vector.load %arg6[%get3A_107] : memref<64xf32, #tpu.memory_space<vmem>>, vector<64xf32>
    %reshape3A_109 = vector.shape_cast %get3A_108 : vector<64xf32> to vector<1x64xf32>
    %add3A_110 = vector.broadcast %reshape3A_109 : vector<1x64xf32> to vector<512x64xf32>
    %add3A_111 = arith.addf %add3A_106, %add3A_110 : vector<512x64xf32>
    %get3A_112 = arith.constant 0 : index
    %get3A_113 = arith.constant 0 : index
    %get3A_114 = vector.load %arg7[%get3A_112, %get3A_113] : memref<1024x64xf32, #tpu.memory_space<vmem>>, vector<1024x64xf32>
    %mul3A_115 = arith.mulf %add3A_111, %add3A_111 : vector<512x64xf32>
    %reduce_sum3A = arith.constant dense<0.000000e+00> : vector<512xf32>
    %reduce_sum3A_116 = vector.multi_reduction <add>, %mul3A_115, %reduce_sum3A [1] : vector<512x64xf32> to vector<512xf32>
    %broadcast_in_dim3A_117 = vector.shape_cast %reduce_sum3A_116 : vector<512xf32> to vector<512x1xf32>
    %mul3A_118 = arith.mulf %get3A_114, %get3A_114 : vector<1024x64xf32>
    %reduce_sum3A_119 = arith.constant dense<0.000000e+00> : vector<1024xf32>
    %reduce_sum3A_120 = vector.multi_reduction <add>, %mul3A_118, %reduce_sum3A_119 [1] : vector<1024x64xf32> to vector<1024xf32>
    %broadcast_in_dim3A_121 = vector.shape_cast %reduce_sum3A_120 : vector<1024xf32> to vector<1024x1xf32>
    %mul3A_122 = arith.constant -2.000000e+00 : f32
    %mul3A_123 = vector.broadcast %mul3A_122 : f32 to vector<512x64xf32>
    %mul3A_124 = arith.mulf %mul3A_123, %add3A_111 : vector<512x64xf32>
    %broadcast_in_dim3A_125 = arith.constant 1.000000e+00 : f32
    %broadcast_in_dim3A_126 = vector.broadcast %broadcast_in_dim3A_125 : f32 to vector<512x1xf32>
    %concatenate3A_127 = tpu.concatenate %mul3A_124, %broadcast_in_dim3A_126 in 1 : vector<512x64xf32>, vector<512x1xf32> -> vector<512x65xf32>
    %convert_element_type3A_128 = arith.truncf %concatenate3A_127 : vector<512x65xf32> to vector<512x65xbf16>
    %concatenate3A_129 = tpu.concatenate %get3A_114, %broadcast_in_dim3A_121 in 1 : vector<1024x64xf32>, vector<1024x1xf32> -> vector<1024x65xf32>
    %convert_element_type3A_130 = arith.truncf %concatenate3A_129 : vector<1024x65xf32> to vector<1024x65xbf16>
    %dot_general3A_131 = arith.constant dense<0.000000e+00> : vector<512x1024xf32>
    %dot_general3A_132 = tpu.matmul %convert_element_type3A_128, %convert_element_type3A_130, %dot_general3A_131 {dimension_numbers = #tpu.dot_dimension_numbers<[1], [1], [0], [0], [0, 0, 1, 0], [], []>, transpose_lhs_hint = false} : vector<512x65xbf16>, vector<1024x65xbf16>, vector<512x1024xf32> -> vector<512x1024xf32>
    %add3A_133 = vector.broadcast %broadcast_in_dim3A_117 : vector<512x1xf32> to vector<512x1024xf32>
    %add3A_134 = arith.addf %add3A_133, %dot_general3A_132 : vector<512x1024xf32>
    %max3A = arith.constant 0.000000e+00 : f32
    %max3A_135 = vector.broadcast %max3A : f32 to vector<512x1024xf32>
    %max3A_136 = arith.maximumf %add3A_134, %max3A_135 : vector<512x1024xf32>
    %sqrt3A = math.sqrt %max3A_136 : vector<512x1024xf32>
    %neg3A = arith.constant 0.000000e+00 : f32
    %neg3A_137 = vector.broadcast %neg3A : f32 to vector<512x1024xf32>
    %neg3A_138 = arith.subf %neg3A_137, %sqrt3A : vector<512x1024xf32>
    %swap3A = arith.constant 0 : index
    %swap3A_139 = arith.constant 0 : index
    %swap3A_140 = vector.load %arg8[%swap3A, %swap3A_139] : memref<512x1024xf32, #tpu.memory_space<vmem>>, vector<512x1024xf32>
    tpu.vector_store %arg8[%swap3A, %swap3A_139], %neg3A_138 {strides = array<i32>} : memref<512x1024xf32, #tpu.memory_space<vmem>>, vector<512x1024xf32>,
    return
  }
}

</mosaic_0001>

<sc_bundles>
// kernel: kernel.6.cloned.1.call-start
scs
__scs_entry_jumppad:
0x0: {  	(pc) =	sbr.rel $0x88, $3  }
0x1: {  	(tag) =	ssettag $0x0;
	lr =	simm.s32 $0x1  }
0x2: {  	[smem:$0x3F97] =	sst lr;
	_ =	strace $0xD0000000  }
0x3: {  	_ = 	snop  }
0x4: {  	_ = 	snop  }
0x5: {  	_ = 	snop  }
0x6: {  	_ = 	snop  }
0x7: {  	_ = 	snop  }
__scs_overlays_trampoline_lowered:
0x8: {  	[smem:$0x3FA6] =	sst s0  }
0x9: {  	[smem:$0x3FA7] =	sst s1  }
0xa: {  	[smem:$0x3FA8] =	sst s2  }
0xb: {  	[smem:$0x3FA9] =	sst s3  }
0xc: {  	[smem:$0x3FAA] =	sst s4  }
0xd: {  	[smem:$0x3FAB] =	sst s5  }
0xe: {  	[smem:$0x3FAC] =	sst s6  }
0xf: {  	[smem:$0x3FAD] =	sst s7  }
0x10: {  	[smem:$0x3FAE] =	sst s8  }
0x11: {  	[smem:$0x3FAF] =	sst s9;
	s0 =	simm.s32 @!p0 $0x0  }
0x12: {  	s1 =	sld [smem:$0x3F95];
	s0 =	simm.s32 @p0 $0x1  }
0x13: {  	[smem:$0x3FB0] =	sst s0;
	s0 =	simm.s32 @!p1 $0x0  }
0x14: {  	s2 =	sld [smem:$0x3F94];
	s0 =	simm.s32 @p1 $0x1  }
0x15: {  	[smem:$0x3FB1] =	sst s0;
	s0 =	simm.s32 @!p2 $0x0  }
0x16: {  	s3 =	sld [smem:$0x3FDB];
	s0 =	simm.s32 @p2 $0x1  }
0x17: {  	s4 =	simm.s32 $0x1BF5;
	[smem:$0x3FB3] =	sst s0  }
0x18: {  	s0 =	sld [smem:$0x3F96];
	_ =	swait.ge [sflag:s4], $0x0  }
0x19: {  	s7 =	sld [smem:$0x3F97]  }
0x1a: {  	s8 =	sadd.s32 $0xFFFFE003, lr  }
0x1b: {  	s9 =	sadd.s32 $0xFFFFFEF7, lr;
	s5 =	simm.s32 $0xFFFFFFFF;
	p2 =	slt.u32 s8, $0xFFFFF086  }
0x1c: {  	p1 =	slt.u32 s9, $0xF7A;
	s5 =	simm.s32 @!p2 $0x0  }
0x1d: {  	s5 =	simm.s32 @p1 $0x1;
	p0 =	seq.s32 s7, s2  }
0x1e: {  	s7 =	smul.u32 @!p0 $0xF7A, s2;
	p2 =	seq.s32 @!p0 s5, $0x0  }
0x1f: {  	s9 =	smul.u32 $0xF7A, s1;
	s8 =	simm.s32 @!p0 $0x1BF5;
	p2 =	por !p2, p0  }
0x20: {  	[sflag:s8] =	ssyncset.s32 @!p0 $0xFFFFF086;
	s6 =	sadd.s32 @!p0 s3, s7;
	s7 =	simm.s32 @!p0 $0x108  }
0x21: {  	s3 =	sadd.s32 s3, s9;
	s6 =	sadd.s32 @!p0 $0x88, s6;
	s7 =	simm.s32 @p2 $0x1082  }
0x22: {  	[simem:s7], [sflag:s8] =	dma.local @!p0 [hbm:s6], $0xF7A  }
0x23: {  	s9 =	sor.u32 $0xD0000000, s2;
	s6 =	simm.s32 $0x108;
	_ =	swait.ge @!p0 [sflag:s8], $0x0  }
0x24: {  	s3 =	sadd.s32 $0x88, s3;
	s6 =	simm.s32 @!p1 $0x1082;
	[sflag:s4] =	ssyncset.s32 $0xFFFFF086  }
0x25: {  	[simem:s6], [sflag:s4] =	dma.local [hbm:s3], $0xF7A  }
0x26: {  	[smem:$0x3F97] =	sst s1;
	(tag) =	ssettag s2;
	_ =	strace s9  }
0x27: {  	s1 =	sld [smem:$0x3FA7]  }
0x28: {  	s2 =	sld [smem:$0x3FA8]  }
0x29: {  	s4 =	sld [smem:$0x3FAA]  }
0x2a: {  	p0 =	seq.s32 s5, $0x0;
	s5 =	sld [smem:$0x3FAB]  }
0x2b: {  	s6 =	sld [smem:$0x3FAC]  }
0x2c: {  	s7 =	sld [smem:$0x3FAD]  }
0x2d: {  	s3 =	simm.s32 $0x108;
	s8 =	sld [smem:$0x3FAE]  }
0x2e: {  	s3 =	simm.s32 @!p0 $0x1082;
	s9 =	sld [smem:$0x3FAF]  }
0x2f: {  	lr =	sadd.s32 s0, s3;
	s0 =	sld [smem:$0x3FA6]  }
0x30: {  	s3 =	sld [smem:$0x3FA9]  }
0x31: {  	[smem:$0x3FB2] =	sst s10  }
0x32: {  	s10 =	sld [smem:$0x3FB0];
	_ =	sdelay $0x3  }
0x33: {  	p0 =	seq.s32 s10, $0x1;
	s10 =	sld [smem:$0x3FB2];
	_ =	sdelay $0x3  }
0x34: {  	[smem:$0x3FB2] =	sst s10  }
0x35: {  	s10 =	sld [smem:$0x3FB1];
	_ =	sdelay $0x3  }
0x36: {  	p1 =	seq.s32 s10, $0x1;
	s10 =	sld [smem:$0x3FB2];
	_ =	sdelay $0x3  }
0x37: {  	[smem:$0x3FB2] =	sst s10  }
0x38: {  	s10 =	sld [smem:$0x3FB3]  }
0x39: {  	_ = 	snop;
	(pc) =	sbr.ind lr, $3  }
0x3a: {  	_ = 	snop  }
0x3b: {  	_ = 	snop  }
0x3c: {  	p2 =	seq.s32 s10, $0x1;
	s10 =	sld [smem:$0x3FB2]  }
0x3d: {  	_ =	shalt  }
0x3e: {  	_ =	shalt  }
0x3f: {  	_ =	shalt  }
0x40: {  	_ =	shalt  }
0x41: {  	_ =	shalt  }
0x42: {  	_ =	shalt  }
0x43: {  	_ =	shalt  }
0x44: {  	_ =	shalt  }
0x45: {  	_ =	shalt  }
0x46: {  	_ =	shalt  }
0x47: {  	_ =	shalt  }
0x48: {  	_ =	shalt  }
0x49: {  	_ =	shalt  }
0x4a: {  	_ =	shalt  }
0x4b: {  	_ =	shalt  }
0x4c: {  	_ =	shalt  }
0x4d: {  	_ =	shalt  }
0x4e: {  	_ =	shalt  }
0x4f: {  	_ =	shalt  }
0x50: {  	_ =	shalt  }
0x51: {  	_ =	shalt  }
0x52: {  	_ =	shalt  }
0x53: {  	_ =	shalt  }
0x54: {  	_ =	shalt  }
0x55: {  	_ =	shalt  }
0x56: {  	_ =	shalt  }
0x57: {  	_ =	shalt  }
0x58: {  	_ =	shalt  }
0x59: {  	_ =	shalt  }
0x5a: {  	_ =	shalt  }
0x5b: {  	_ =	shalt  }
0x5c: {  	_ =	shalt  }
0x5d: {  	_ =	shalt  }
0x5e: {  	_ =	shalt  }
0x5f: {  	_ =	shalt  }
0x60: {  	_ =	shalt  }
0x61: {  	_ =	shalt  }
0x62: {  	_ =	shalt  }
0x63: {  	_ =	shalt  }
0x64: {  	_ =	shalt  }
0x65: {  	_ =	shalt  }
0x66: {  	_ =	shalt  }
0x67: {  	_ =	shalt  }
0x68: {  	_ =	shalt  }
0x69: {  	_ =	shalt  }
0x6a: {  	_ =	shalt  }
0x6b: {  	_ =	shalt  }
0x6c: {  	_ =	shalt  }
0x6d: {  	_ =	shalt  }
0x6e: {  	_ =	shalt  }
0x6f: {  	_ =	shalt  }
0x70: {  	_ =	shalt  }
0x71: {  	_ =	shalt  }
0x72: {  	_ =	shalt  }
0x73: {  	_ =	shalt  }
0x74: {  	_ =	shalt  }
0x75: {  	_ =	shalt  }
0x76: {  	_ =	shalt  }
0x77: {  	_ =	shalt  }
0x78: {  	_ =	shalt  }
0x79: {  	_ =	shalt  }
0x7a: {  	_ =	shalt  }
0x7b: {  	_ =	shalt  }
0x7c: {  	_ =	shalt  }
0x7d: {  	_ =	shalt  }
0x7e: {  	_ =	shalt  }
0x7f: {  	_ =	shalt  }
0x80: {  	_ =	shalt  }
0x81: {  	_ =	shalt  }
0x82: {  	_ =	shalt  }
0x83: {  	_ =	shalt  }
0x84: {  	_ =	shalt  }
0x85: {  	_ =	shalt  }
0x86: {  	_ =	shalt  }
0x87: {  	_ =	shalt  }
.Lfunc_end0:
.L_simem_size_0:
called_computation_lowered:
.L_overlay_start_0:
0x88: {  	s2 =	sld [smem:$0x3FD9]  }
0x89: {  	s3 =	sld [smem:$0x3FFE];
	_ =	sdelay $0x1  }
0x8a: {  	s1 =	srdreg.scid  }
0x8b: {  	s0 =	sand.u32 $0x1, s1  }
0x8c: {  	s17 =	sshll.u32 s0, $0xA;
	s2 =	sadd.s32 s3, s2  }
0x8d: {  	s2 =	sadd.s32 s2, s17  }
0x8e: {  	[smem:$0x3FBE] =	sst s2  }
0x8f: {  	_ = 	snop  }
0x90: {  	s2 =	sld [smem:$0x3FD0];
	(tm) =	ssettm $0x1  }
0x91: {  	s18 =	sld [smem:$0x3FFB];
	_ =	sdelay $0x3  }
0x92: {  	_ =	strace s18  }
0x93: {  	s3 =	sld [smem:$0x3FFC];
	_ =	sdelay $0x3  }
0x94: {  	_ =	strace s3  }
0x95: {  	s3 =	sld [smem:$0x3FFD];
	_ =	sdelay $0x3  }
0x96: {  	_ =	strace s3  }
0x97: {  	_ =	strace $0x8FFFFFFF  }
0x98: {  	s19 =	sld [smem:$0x3FDB];
	_ =	sdelay $0x1  }
0x99: {  	s4 =	simm.s32 $_scs_section_size  }
0x9a: {  	s5 =	simm.s32 $_size__tile_overlayer_lowered;
	s6 =	simm.s32 $_tile_overlayer_lowered  }
0x9b: {  	s22 =	simm.s32 $0x1BFF;
	s21 =	sshll.u32 s6, $0x1;
	s3 =	sadd.s32 s4, s19  }
0x9c: {  	s7 =	simm.s32 $0x0;
	s20 =	sshll.u32 s5, $0x1;
	s5 =	sadd.s32 s21, s3  }
0x9d: {  	[timem:s7], [sflag:s22] =	dma.local [hbm:s5], s20  }
0x9e: {  	_ =	swait.ge [sflag:s22], s20  }
0x9f: {  	s4 =	ssub.s32 $0x0, s20;
	[sflag:s22] =	ssyncset.done $0x0  }
0xa0: {  	[sflag:s22] =	ssyncadd.s32 s4;
	_ =	sdelay $0x1  }
0xa1: {  	s23 =	simm.s32 $0x1B8B  }
0xa2: {  	_ =	swait.ge [sflag:s23], $0x1  }
0xa3: {  	[sflag:s23] =	ssyncset.done $0x0  }
0xa4: {  	s25 =	simm.s32 $0x1B8E;
	s24 =	sld [smem:$0x3FFE];
	[sflag:s23] =	ssyncadd.s32 $0xFFFFFFFF  }
0xa5: {  	s26 =	simm.s32 $execute0_lowered;
	[smem:$0x3FD2] =	sst s25  }
0xa6: {  	s5 =	sshll.u32 s26, $0x1;
	_ =	strace $0x80000046;
	[dreg:$0x1] =	wrdreg $0xFFFFFFFF  }
0xa7: {  	s28 =	simm.s32 $_size_execute0_lowered;
	s3 =	sadd.s32 s3, s5;
	[dreg:$0x0] =	wrdreg $0x0  }
0xa8: {  	s5 =	sshll.u32 s28, $0x1;
	[dreg:$0x2] =	wrdreg s3  }
0xa9: {  	[dreg:$0x3] =	wrdreg s5  }
0xaa: {  	[dreg:$0x4] =	wrdreg $0xC0  }
0xab: {  	_ =	task [dreg:s7], $0x5FFFF  }
0xac: {  	[dreg:$0x1] =	wrdreg $0xFFFFFFFF  }
0xad: {  	[dreg:$0x0] =	wrdreg $0x60  }
0xae: {  	[dreg:$0x2] =	wrdreg s2  }
0xaf: {  	[dreg:$0x3] =	wrdreg s24  }
0xb0: {  	[dreg:$0x4] =	wrdreg $0x9  }
0xb1: {  	_ =	task.clear_ibuf [dreg:s7], $0x5FFFF;
	_ =	strace $0x90000046  }
0xb2: {  	s29 =	simm.s32 $0x9;
	_ =	strace $0x80000048  }
0xb3: {  	_ =	swait.ge [sflag:s29], $0x1  }
0xb4: {  	[sflag:s29] =	ssyncadd.s32 $0xFFFFFFFF  }
0xb5: {  	_ =	strace $0x90000048  }
0xb6: {  	_ =	sfence  }
0xb7: {  	s30 =	sld [smem:$0x0];
	_ =	sdelay $0x2  }
0xb8: {  	s31 =	sshll.u32 s1, $0xD;
	s1 =	sshrl.u32 s1, $0x2  }
0xb9: {  	s3 =	sand.u32 $0x4000, s31;
	s1 =	sadd.s32 s1, s30  }
0xba: {  	s0 =	sor.u32 s3, s0;
	s1 =	sshll.u32 s1, $0x11  }
0xbb: {  	s0 =	sor.u32 s1, s0  }
0xbc: {  	s0 =	sadd.s32 $0x8F2B, s0  }
0xbd: {  	[sflag:s0] =	ssyncadd.remote.s32 $0x1  }
0xbe: {  	_ =	sfence.sel $0xFFFF  }
0xbf: {  	[dreg:$0x0] =	wrdreg $0xFFFFFFFF;
	(pc) =	sbr.abs _section_cstart, $3  }
0xc0: {  	[dreg:$0x1] =	wrdreg $0xFFFFFFFF  }
0xc1: {  	_ =	task.clear_ibuf [dreg:s7], $0x2FFFF;
	_ =	strace $0x9FFFFFFF  }
0xc2: {  	(tm) =	ssettm $0x7FFFFFFF  }
0xc3: {  	_ =	shalt  }
tec
execute0_lowered:
.L_overlay_start_1:
0x0: {  	(tag) =	ssettag $0x1  }
0x1: {  	s0 =	srdreg.scid;
	s8 =	rddreg [dreg:$0x0]  }
0x2: {  	s1 =	stileid.u32;
	s3 =	rddreg [dreg:$0x1];
	s2 =	simm.s32 $0x0  }
0x3: {  	s21 =	simm.s32 $0x50;
	s20 =	simm.s32 $0x320;
	s19 =	simm.s32 $0x1720  }
0x4: {  	s18 =	simm.s32 $0x2B20;
	s17 =	simm.s32 $0x3F20;
	s16 =	simm.s32 $0x5320  }
0x5: {  	s15 =	simm.s32 $0x6720;
	s28 =	simm.s32 $0x1E0;
	s14 =	simm.s32 $0x7B20  }
0x6: {  	s29 =	simm.s32 $0x230;
	s11 =	simm.s32 $0x8F20;
	p0 =	por $0x0, $0x0  }
0x7: {  	s30 =	simm.s32 $0x280;
	s0 =	sand.u32 $0x1, s0;
	s1 =	sshll.u32 s1, $0x1  }
0x8: {  	s12 =	simm.s32 $0xA320;
	s31 =	simm.s32 $0x2D0;
	s1 =	sor.u32 s0, s1  }
0x9: {  	s10 =	simm.s32 $0xB720;
	s13 =	simm.s32 $0x1;
	s4 =	smul.u32 $0x64, s1  }
0xa: {  	[smem:$0x7FF] =	sst s2;
	s0 =	ssub.s32 $0x2, s0;
	s5 =	smul.u32 $0xC800, s1  }
0xb: {  	_ =	strace $0x80000047;
	s1 =	smul.u32 $0x1900, s1;
	s24 =	sshrl.u32 s0, $0x1  }
0xc: {  	s0 =	ssub.s32 s0, s24;
	s24 =	simm.s32 $0xF0;
	s4 =	sadd.s32 s4, s3  }
0xd: {  	s3 =	sadd.s32 $0x2800, s3;
	s5 =	sshrl.u32 s5, $0x3;
	s4 =	sadd.s32 $0x1A00, s4  }
0xe: {  	s0 =	smax.u32 s0, $0x1;
	s1 =	sadd.s32 s3, s1;
	[dreg:$0x3] =	wrdreg s4  }
0xf: {  	s3 =	sadd.s32 s3, s5;
	p1 =	sne.s32 s0, $0x1;
	[dreg:$0x4] =	wrdreg s1  }
0x10: {  	s22 =	sadd.s32 $0x280, s3;
	s23 =	sadd.s32 $0x500, s3;
	s25 =	sadd.s32 $0x780, s3  }
0x11: {  	s26 =	sadd.s32 $0xA00, s3;
	s9 =	sadd.s32 $0xC80, s3;
	s7 =	sadd.s32 $0xF00, s3  }
.Ltmp0:
0x12: {  	s6 =	sadd.s32 $0x1180, s3;
	[dreg:$0x5] =	wrdreg s22;
	(pc) =	sbr.rel @!p1 .LBB2_3-.Ltmp0, $4  }
0x13: {  	s5 =	sadd.s32 $0x1400, s3;
	s4 =	sadd.s32 $0x1680, s3;
	[dreg:$0x6] =	wrdreg s23  }
0x14: {  	s1 =	sadd.s32 $0xFFFFFFFF, s0;
	s3 =	simm.s32 $0x2;
	[dreg:$0x7] =	wrdreg s25  }
0x15: {  	[dreg:$0x8] =	wrdreg s26;
	s22 =	simm.s32 $0x3;
	s23 =	simm.s32 $0xA0  }
0x16: {  	s25 =	simm.s32 $0x140;
	s26 =	simm.s32 $0x190;
	s0 =	rddreg [dreg:$0x3]  }
0x17: {  	[tilespmem:s2], [sflag:$0x3] =	stream.linear.gather [hbm4b:s0+s2], $0x320, $0x38;
	[tilespmem:$0xCB20] =	vst v63  }
0x18: {  	_ =	swait.ge [sflag:s22], $0x320  }
0x19: {  	[sflag:s22] =	ssyncset.done $0x0  }
0x1a: {  	[sflag:s22] =	ssyncadd.s32 $0xFFFFFCE0  }
0x1b: {  	[tilespmem:s20], [sflag:$0x1] =	stream.indirect.gather [hbm4b:s8+s21], $0x40, s2, s21, $0xb8;
	[tilespmem:$0xCB20] =	vst v63  }
0x1c: {  	_ = 	snop  }
0x1d: {  	[tilespmem:s19], [sflag:$0x1] =	stream.indirect.gather [hbm4b:s8+s21], $0x40, s21, s21, $0xb8;
	[tilespmem:$0xCB20] =	vst v63  }
0x1e: {  	_ = 	snop  }
0x1f: {  	[tilespmem:s18], [sflag:$0x1] =	stream.indirect.gather [hbm4b:s8+s21], $0x40, s23, s21, $0xb8;
	[tilespmem:$0xCB20] =	vst v63  }
0x20: {  	_ = 	snop  }
0x21: {  	[tilespmem:s17], [sflag:$0x1] =	stream.indirect.gather [hbm4b:s8+s21], $0x40, s24, s21, $0xb8;
	[tilespmem:$0xCB20] =	vst v63  }
0x22: {  	_ = 	snop  }
0x23: {  	[tilespmem:s16], [sflag:$0x1] =	stream.indirect.gather [hbm4b:s8+s21], $0x40, s25, s21, $0xb8;
	[tilespmem:$0xCB20] =	vst v63  }
0x24: {  	_ = 	snop  }
0x25: {  	[tilespmem:s15], [sflag:$0x1] =	stream.indirect.gather [hbm4b:s8+s21], $0x40, s26, s21, $0xb8;
	[tilespmem:$0xCB20] =	vst v63  }
0x26: {  	_ = 	snop  }
0x27: {  	[tilespmem:s14], [sflag:$0x1] =	stream.indirect.gather [hbm4b:s8+s21], $0x40, s28, s21, $0xb8;
	[tilespmem:$0xCB20] =	vst v63  }
0x28: {  	_ = 	snop  }
0x29: {  	[tilespmem:s11], [sflag:$0x1] =	stream.indirect.gather [hbm4b:s8+s21], $0x40, s29, s21, $0xb8;
	[tilespmem:$0xCB20] =	vst v63  }
0x2a: {  	_ = 	snop  }
0x2b: {  	[tilespmem:s12], [sflag:$0x1] =	stream.indirect.gather [hbm4b:s8+s21], $0x40, s30, s21, $0xb8;
	[tilespmem:$0xCB20] =	vst v63  }
0x2c: {  	_ = 	snop  }
0x2d: {  	[tilespmem:s10], [sflag:$0x1] =	stream.indirect.gather [hbm4b:s8+s21], $0x40, s31, s21, $0xb8;
	[tilespmem:$0xCB20] =	vst v63  }
0x2e: {  	_ =	swait.ge [sflag:s13], $0x1400  }
0x2f: {  	[sflag:s13] =	ssyncset.done $0x0  }
0x30: {  	s0 =	rddreg [dreg:$0x4];
	[sflag:s13] =	ssyncadd.s32 $0xFFFFEC00  }
0x31: {  	[hbm4b:s0+s2] =	stream.linear.scatter [tilespmem:s20], [sflag:$0x2], $0x1400, $0x38;
	[tilespmem:$0xCB20] =	vst v63  }
0x32: {  	_ =	swait.ge [sflag:s13], $0x1400  }
0x33: {  	[sflag:s13] =	ssyncset.done $0x0  }
0x34: {  	s0 =	rddreg [dreg:$0x5];
	[sflag:s13] =	ssyncadd.s32 $0xFFFFEC00  }
0x35: {  	[hbm4b:s0+s2] =	stream.linear.scatter [tilespmem:s19], [sflag:$0x2], $0x1400, $0x38;
	[tilespmem:$0xCB20] =	vst v63  }
0x36: {  	_ =	swait.ge [sflag:s13], $0x1400  }
0x37: {  	[sflag:s13] =	ssyncset.done $0x0  }
0x38: {  	s0 =	rddreg [dreg:$0x6];
	[sflag:s13] =	ssyncadd.s32 $0xFFFFEC00  }
0x39: {  	[hbm4b:s0+s2] =	stream.linear.scatter [tilespmem:s18], [sflag:$0x2], $0x1400, $0x38;
	[tilespmem:$0xCB20] =	vst v63  }
0x3a: {  	_ =	swait.ge [sflag:s13], $0x1400  }
0x3b: {  	[sflag:s13] =	ssyncset.done $0x0  }
0x3c: {  	s0 =	rddreg [dreg:$0x7];
	[sflag:s13] =	ssyncadd.s32 $0xFFFFEC00  }
0x3d: {  	[hbm4b:s0+s2] =	stream.linear.scatter [tilespmem:s17], [sflag:$0x2], $0x1400, $0x38;
	[tilespmem:$0xCB20] =	vst v63  }
0x3e: {  	_ =	swait.ge [sflag:s13], $0x1400  }
0x3f: {  	[sflag:s13] =	ssyncset.done $0x0  }
0x40: {  	s0 =	rddreg [dreg:$0x8];
	[sflag:s13] =	ssyncadd.s32 $0xFFFFEC00  }
0x41: {  	[hbm4b:s0+s2] =	stream.linear.scatter [tilespmem:s16], [sflag:$0x2], $0x1400, $0x38;
	[tilespmem:$0xCB20] =	vst v63  }
0x42: {  	_ =	swait.ge [sflag:s13], $0x1400  }
0x43: {  	[sflag:s13] =	ssyncset.done $0x0  }
0x44: {  	[sflag:s13] =	ssyncadd.s32 $0xFFFFEC00  }
0x45: {  	[hbm4b:s9+s2] =	stream.linear.scatter [tilespmem:s15], [sflag:$0x2], $0x1400, $0x38;
	[tilespmem:$0xCB20] =	vst v63  }
0x46: {  	_ =	swait.ge [sflag:s13], $0x1400  }
0x47: {  	[sflag:s13] =	ssyncset.done $0x0  }
0x48: {  	[sflag:s13] =	ssyncadd.s32 $0xFFFFEC00  }
0x49: {  	[hbm4b:s7+s2] =	stream.linear.scatter [tilespmem:s14], [sflag:$0x2], $0x1400, $0x38;
	[tilespmem:$0xCB20] =	vst v63  }
0x4a: {  	_ =	swait.ge [sflag:s13], $0x1400  }
0x4b: {  	[sflag:s13] =	ssyncset.done $0x0  }
0x4c: {  	[sflag:s13] =	ssyncadd.s32 $0xFFFFEC00  }
0x4d: {  	[hbm4b:s6+s2] =	stream.linear.scatter [tilespmem:s11], [sflag:$0x2], $0x1400, $0x38;
	[tilespmem:$0xCB20] =	vst v63  }
0x4e: {  	_ =	swait.ge [sflag:s13], $0x1400  }
0x4f: {  	[sflag:s13] =	ssyncset.done $0x0  }
0x50: {  	[sflag:s13] =	ssyncadd.s32 $0xFFFFEC00  }
0x51: {  	[hbm4b:s5+s2] =	stream.linear.scatter [tilespmem:s12], [sflag:$0x2], $0x1400, $0x38;
	[tilespmem:$0xCB20] =	vst v63  }
0x52: {  	_ =	swait.ge [sflag:s13], $0x1400  }
0x53: {  	[sflag:s13] =	ssyncset.done $0x0  }
0x54: {  	[sflag:s13] =	ssyncadd.s32 $0xFFFFEC00  }
0x55: {  	[hbm4b:s4+s2] =	stream.linear.scatter [tilespmem:s10], [sflag:$0x2], $0x1400, $0x38;
	[tilespmem:$0xCB20] =	vst v63  }
0x56: {  	_ =	swait.ge [sflag:s3], $0x1400  }
0x57: {  	[sflag:s3] =	ssyncset.done $0x0  }
0x58: {  	[sflag:s3] =	ssyncadd.s32 $0xFFFFEC00  }
0x59: {  	_ =	swait.ge [sflag:s3], $0x1400  }
0x5a: {  	[sflag:s3] =	ssyncset.done $0x0  }
0x5b: {  	[sflag:s3] =	ssyncadd.s32 $0xFFFFEC00  }
0x5c: {  	_ =	swait.ge [sflag:s3], $0x1400  }
0x5d: {  	[sflag:s3] =	ssyncset.done $0x0  }
0x5e: {  	[sflag:s3] =	ssyncadd.s32 $0xFFFFEC00  }
0x5f: {  	_ =	swait.ge [sflag:s3], $0x1400  }
0x60: {  	[sflag:s3] =	ssyncset.done $0x0  }
0x61: {  	[sflag:s3] =	ssyncadd.s32 $0xFFFFEC00  }
0x62: {  	_ =	swait.ge [sflag:s3], $0x1400  }
0x63: {  	[sflag:s3] =	ssyncset.done $0x0  }
0x64: {  	[sflag:s3] =	ssyncadd.s32 $0xFFFFEC00  }
0x65: {  	_ =	swait.ge [sflag:s3], $0x1400  }
0x66: {  	[sflag:s3] =	ssyncset.done $0x0  }
0x67: {  	[sflag:s3] =	ssyncadd.s32 $0xFFFFEC00  }
0x68: {  	_ =	swait.ge [sflag:s3], $0x1400  }
0x69: {  	[sflag:s3] =	ssyncset.done $0x0  }
0x6a: {  	[sflag:s3] =	ssyncadd.s32 $0xFFFFEC00  }
0x6b: {  	_ =	swait.ge [sflag:s3], $0x1400  }
0x6c: {  	[sflag:s3] =	ssyncset.done $0x0  }
0x6d: {  	p1 =	sne.s32 s1, $0x1;
	[sflag:s3] =	ssyncadd.s32 $0xFFFFEC00  }
.Ltmp1:
0x6e: {  	_ =	swait.ge [sflag:s3], $0x1400;
	(pc) =	sbr.rel @!p1 .LBB2_3-.Ltmp1, $4  }
0x6f: {  	[sflag:s3] =	ssyncset.done $0x0  }
0x70: {  	[sflag:s3] =	ssyncadd.s32 $0xFFFFEC00  }
0x71: {  	s1 =	sadd.s32 $0xFFFFFFFF, s1;
	_ =	swait.ge [sflag:s3], $0x1400  }
0x72: {  	p0 =	por $0x1, $0x1;
	s0 =	rddreg [dreg:$0x3];
	[sflag:s3] =	ssyncset.done $0x0  }
.LBB2_2:
0x73: {  	[sflag:s3] =	ssyncadd.s32 $0xFFFFEC00  }
0x74: {  	[tilespmem:s2], [sflag:$0x3] =	stream.linear.gather [hbm4b:s0+s2], $0x320, $0x38;
	[tilespmem:$0xCB20] =	vst v63  }
0x75: {  	_ =	swait.ge [sflag:s22], $0x320  }
0x76: {  	[sflag:s22] =	ssyncset.done $0x0  }
0x77: {  	[sflag:s22] =	ssyncadd.s32 $0xFFFFFCE0  }
0x78: {  	[tilespmem:s20], [sflag:$0x1] =	stream.indirect.gather [hbm4b:s8+s21], $0x40, s2, s21, $0xb8;
	[tilespmem:$0xCB20] =	vst v63  }
0x79: {  	_ = 	snop  }
0x7a: {  	[tilespmem:s19], [sflag:$0x1] =	stream.indirect.gather [hbm4b:s8+s21], $0x40, s21, s21, $0xb8;
	[tilespmem:$0xCB20] =	vst v63  }
0x7b: {  	_ = 	snop  }
0x7c: {  	[tilespmem:s18], [sflag:$0x1] =	stream.indirect.gather [hbm4b:s8+s21], $0x40, s23, s21, $0xb8;
	[tilespmem:$0xCB20] =	vst v63  }
0x7d: {  	_ = 	snop  }
0x7e: {  	[tilespmem:s17], [sflag:$0x1] =	stream.indirect.gather [hbm4b:s8+s21], $0x40, s24, s21, $0xb8;
	[tilespmem:$0xCB20] =	vst v63  }
0x7f: {  	_ = 	snop  }
0x80: {  	[tilespmem:s16], [sflag:$0x1] =	stream.indirect.gather [hbm4b:s8+s21], $0x40, s25, s21, $0xb8;
	[tilespmem:$0xCB20] =	vst v63  }
0x81: {  	_ = 	snop  }
0x82: {  	[tilespmem:s15], [sflag:$0x1] =	stream.indirect.gather [hbm4b:s8+s21], $0x40, s26, s21, $0xb8;
	[tilespmem:$0xCB20] =	vst v63  }
0x83: {  	_ = 	snop  }
0x84: {  	[tilespmem:s14], [sflag:$0x1] =	stream.indirect.gather [hbm4b:s8+s21], $0x40, s28, s21, $0xb8;
	[tilespmem:$0xCB20] =	vst v63  }
0x85: {  	_ = 	snop  }
0x86: {  	[tilespmem:s11], [sflag:$0x1] =	stream.indirect.gather [hbm4b:s8+s21], $0x40, s29, s21, $0xb8;
	[tilespmem:$0xCB20] =	vst v63  }
0x87: {  	_ = 	snop  }
0x88: {  	[tilespmem:s12], [sflag:$0x1] =	stream.indirect.gather [hbm4b:s8+s21], $0x40, s30, s21, $0xb8;
	[tilespmem:$0xCB20] =	vst v63  }
0x89: {  	_ = 	snop  }
0x8a: {  	[tilespmem:s10], [sflag:$0x1] =	stream.indirect.gather [hbm4b:s8+s21], $0x40, s31, s21, $0xb8;
	[tilespmem:$0xCB20] =	vst v63  }
0x8b: {  	_ =	swait.ge [sflag:s13], $0x1400  }
0x8c: {  	[sflag:s13] =	ssyncset.done $0x0  }
0x8d: {  	s0 =	rddreg [dreg:$0x4];
	[sflag:s13] =	ssyncadd.s32 $0xFFFFEC00  }
0x8e: {  	[hbm4b:s0+s2] =	stream.linear.scatter [tilespmem:s20], [sflag:$0x2], $0x1400, $0x38;
	[tilespmem:$0xCB20] =	vst v63  }
0x8f: {  	_ =	swait.ge [sflag:s13], $0x1400  }
0x90: {  	[sflag:s13] =	ssyncset.done $0x0  }
0x91: {  	s0 =	rddreg [dreg:$0x5];
	[sflag:s13] =	ssyncadd.s32 $0xFFFFEC00  }
0x92: {  	[hbm4b:s0+s2] =	stream.linear.scatter [tilespmem:s19], [sflag:$0x2], $0x1400, $0x38;
	[tilespmem:$0xCB20] =	vst v63  }
0x93: {  	_ =	swait.ge [sflag:s13], $0x1400  }
0x94: {  	[sflag:s13] =	ssyncset.done $0x0  }
0x95: {  	s0 =	rddreg [dreg:$0x6];
	[sflag:s13] =	ssyncadd.s32 $0xFFFFEC00  }
0x96: {  	[hbm4b:s0+s2] =	stream.linear.scatter [tilespmem:s18], [sflag:$0x2], $0x1400, $0x38;
	[tilespmem:$0xCB20] =	vst v63  }
0x97: {  	_ =	swait.ge [sflag:s13], $0x1400  }
0x98: {  	[sflag:s13] =	ssyncset.done $0x0  }
0x99: {  	s0 =	rddreg [dreg:$0x7];
	[sflag:s13] =	ssyncadd.s32 $0xFFFFEC00  }
0x9a: {  	[hbm4b:s0+s2] =	stream.linear.scatter [tilespmem:s17], [sflag:$0x2], $0x1400, $0x38;
	[tilespmem:$0xCB20] =	vst v63  }
0x9b: {  	_ =	swait.ge [sflag:s13], $0x1400  }
0x9c: {  	[sflag:s13] =	ssyncset.done $0x0  }
0x9d: {  	s0 =	rddreg [dreg:$0x8];
	[sflag:s13] =	ssyncadd.s32 $0xFFFFEC00  }
0x9e: {  	[hbm4b:s0+s2] =	stream.linear.scatter [tilespmem:s16], [sflag:$0x2], $0x1400, $0x38;
	[tilespmem:$0xCB20] =	vst v63  }
0x9f: {  	_ =	swait.ge [sflag:s13], $0x1400  }
0xa0: {  	[sflag:s13] =	ssyncset.done $0x0  }
0xa1: {  	[sflag:s13] =	ssyncadd.s32 $0xFFFFEC00  }
0xa2: {  	[hbm4b:s9+s2] =	stream.linear.scatter [tilespmem:s15], [sflag:$0x2], $0x1400, $0x38;
	[tilespmem:$0xCB20] =	vst v63  }
0xa3: {  	_ =	swait.ge [sflag:s13], $0x1400  }
0xa4: {  	[sflag:s13] =	ssyncset.done $0x0  }
0xa5: {  	[sflag:s13] =	ssyncadd.s32 $0xFFFFEC00  }
0xa6: {  	[hbm4b:s7+s2] =	stream.linear.scatter [tilespmem:s14], [sflag:$0x2], $0x1400, $0x38;
	[tilespmem:$0xCB20] =	vst v63  }
0xa7: {  	_ =	swait.ge [sflag:s13], $0x1400  }
0xa8: {  	[sflag:s13] =	ssyncset.done $0x0  }
0xa9: {  	[sflag:s13] =	ssyncadd.s32 $0xFFFFEC00  }
0xaa: {  	[hbm4b:s6+s2] =	stream.linear.scatter [tilespmem:s11], [sflag:$0x2], $0x1400, $0x38;
	[tilespmem:$0xCB20] =	vst v63  }
0xab: {  	_ =	swait.ge [sflag:s13], $0x1400  }
0xac: {  	[sflag:s13] =	ssyncset.done $0x0  }
0xad: {  	[sflag:s13] =	ssyncadd.s32 $0xFFFFEC00  }
0xae: {  	[hbm4b:s5+s2] =	stream.linear.scatter [tilespmem:s12], [sflag:$0x2], $0x1400, $0x38;
	[tilespmem:$0xCB20] =	vst v63  }
0xaf: {  	_ =	swait.ge [sflag:s13], $0x1400  }
0xb0: {  	[sflag:s13] =	ssyncset.done $0x0  }
0xb1: {  	[sflag:s13] =	ssyncadd.s32 $0xFFFFEC00  }
0xb2: {  	[hbm4b:s4+s2] =	stream.linear.scatter [tilespmem:s10], [sflag:$0x2], $0x1400, $0x38;
	[tilespmem:$0xCB20] =	vst v63  }
0xb3: {  	_ =	swait.ge [sflag:s3], $0x1400  }
0xb4: {  	[sflag:s3] =	ssyncset.done $0x0  }
0xb5: {  	[sflag:s3] =	ssyncadd.s32 $0xFFFFEC00  }
0xb6: {  	_ =	swait.ge [sflag:s3], $0x1400  }
0xb7: {  	[sflag:s3] =	ssyncset.done $0x0  }
0xb8: {  	[sflag:s3] =	ssyncadd.s32 $0xFFFFEC00  }
0xb9: {  	_ =	swait.ge [sflag:s3], $0x1400  }
0xba: {  	[sflag:s3] =	ssyncset.done $0x0  }
0xbb: {  	[sflag:s3] =	ssyncadd.s32 $0xFFFFEC00  }
0xbc: {  	_ =	swait.ge [sflag:s3], $0x1400  }
0xbd: {  	[sflag:s3] =	ssyncset.done $0x0  }
0xbe: {  	[sflag:s3] =	ssyncadd.s32 $0xFFFFEC00  }
0xbf: {  	_ =	swait.ge [sflag:s3], $0x1400  }
0xc0: {  	[sflag:s3] =	ssyncset.done $0x0  }
0xc1: {  	[sflag:s3] =	ssyncadd.s32 $0xFFFFEC00  }
0xc2: {  	_ =	swait.ge [sflag:s3], $0x1400  }
0xc3: {  	[sflag:s3] =	ssyncset.done $0x0  }
0xc4: {  	[sflag:s3] =	ssyncadd.s32 $0xFFFFEC00  }
0xc5: {  	_ =	swait.ge [sflag:s3], $0x1400  }
0xc6: {  	[sflag:s3] =	ssyncset.done $0x0  }
0xc7: {  	[sflag:s3] =	ssyncadd.s32 $0xFFFFEC00  }
0xc8: {  	_ =	swait.ge [sflag:s3], $0x1400  }
0xc9: {  	[sflag:s3] =	ssyncset.done $0x0  }
0xca: {  	p1 =	sne.s32 s1, $0x1;
	[sflag:s3] =	ssyncadd.s32 $0xFFFFEC00  }
.Ltmp2:
0xcb: {  	_ =	swait.ge [sflag:s3], $0x1400;
	(pc) =	sbr.rel @p1 .LBB2_2-.Ltmp2, $4  }
0xcc: {  	[sflag:s3] =	ssyncset.done $0x0  }
0xcd: {  	[sflag:s3] =	ssyncadd.s32 $0xFFFFEC00  }
0xce: {  	_ =	swait.ge [sflag:s3], $0x1400  }
0xcf: {  	s1 =	sadd.s32 $0xFFFFFFFF, s1;
	s0 =	rddreg [dreg:$0x3];
	[sflag:s3] =	ssyncset.done $0x0  }
.LBB2_3:
0xd0: {  	[sflag:s3] =	ssyncadd.s32 @p0 $0xFFFFEC00  }
0xd1: {  	[tilespmem:s2], [sflag:$0x3] =	stream.linear.gather [hbm4b:s0+s2], $0x320, $0x38;
	[tilespmem:$0xCB20] =	vst v63  }
0xd2: {  	_ =	swait.ge [sflag:s22], $0x320  }
0xd3: {  	[sflag:s22] =	ssyncset.done $0x0  }
0xd4: {  	[sflag:s22] =	ssyncadd.s32 $0xFFFFFCE0  }
0xd5: {  	[tilespmem:s20], [sflag:$0x1] =	stream.indirect.gather [hbm4b:s8+s21], $0x40, s2, s21, $0xb8;
	[tilespmem:$0xCB20] =	vst v63  }
0xd6: {  	_ = 	snop  }
0xd7: {  	[tilespmem:s19], [sflag:$0x1] =	stream.indirect.gather [hbm4b:s8+s21], $0x40, s21, s21, $0xb8;
	[tilespmem:$0xCB20] =	vst v63  }
0xd8: {  	_ = 	snop  }
0xd9: {  	[tilespmem:s18], [sflag:$0x1] =	stream.indirect.gather [hbm4b:s8+s21], $0x40, s23, s21, $0xb8;
	[tilespmem:$0xCB20] =	vst v63  }
0xda: {  	_ = 	snop  }
0xdb: {  	[tilespmem:s17], [sflag:$0x1] =	stream.indirect.gather [hbm4b:s8+s21], $0x40, s24, s21, $0xb8;
	[tilespmem:$0xCB20] =	vst v63  }
0xdc: {  	_ = 	snop  }
0xdd: {  	[tilespmem:s16], [sflag:$0x1] =	stream.indirect.gather [hbm4b:s8+s21], $0x40, s25, s21, $0xb8;
	[tilespmem:$0xCB20] =	vst v63  }
0xde: {  	_ = 	snop  }
0xdf: {  	[tilespmem:s15], [sflag:$0x1] =	stream.indirect.gather [hbm4b:s8+s21], $0x40, s26, s21, $0xb8;
	[tilespmem:$0xCB20] =	vst v63  }
0xe0: {  	_ = 	snop  }
0xe1: {  	[tilespmem:s14], [sflag:$0x1] =	stream.indirect.gather [hbm4b:s8+s21], $0x40, s28, s21, $0xb8;
	[tilespmem:$0xCB20] =	vst v63  }
0xe2: {  	_ = 	snop  }
0xe3: {  	[tilespmem:s11], [sflag:$0x1] =	stream.indirect.gather [hbm4b:s8+s21], $0x40, s29, s21, $0xb8;
	[tilespmem:$0xCB20] =	vst v63  }
0xe4: {  	_ = 	snop  }
0xe5: {  	[tilespmem:s12], [sflag:$0x1] =	stream.indirect.gather [hbm4b:s8+s21], $0x40, s30, s21, $0xb8;
	[tilespmem:$0xCB20] =	vst v63  }
0xe6: {  	_ = 	snop  }
0xe7: {  	[tilespmem:s10], [sflag:$0x1] =	stream.indirect.gather [hbm4b:s8+s21], $0x40, s31, s21, $0xb8;
	[tilespmem:$0xCB20] =	vst v63  }
0xe8: {  	_ =	swait.ge [sflag:s13], $0x1400  }
0xe9: {  	[sflag:s13] =	ssyncset.done $0x0  }
0xea: {  	s25 =	rddreg [dreg:$0x4];
	[sflag:s13] =	ssyncadd.s32 $0xFFFFEC00  }
0xeb: {  	[hbm4b:s25+s2] =	stream.linear.scatter [tilespmem:s20], [sflag:$0x2], $0x1400, $0x38;
	[tilespmem:$0xCB20] =	vst v63  }
0xec: {  	_ =	swait.ge [sflag:s13], $0x1400  }
0xed: {  	[sflag:s13] =	ssyncset.done $0x0  }
0xee: {  	s26 =	rddreg [dreg:$0x5];
	[sflag:s13] =	ssyncadd.s32 $0xFFFFEC00  }
0xef: {  	[hbm4b:s26+s2] =	stream.linear.scatter [tilespmem:s19], [sflag:$0x2], $0x1400, $0x38;
	[tilespmem:$0xCB20] =	vst v63  }
0xf0: {  	_ =	swait.ge [sflag:s13], $0x1400  }
0xf1: {  	[sflag:s13] =	ssyncset.done $0x0  }
0xf2: {  	s28 =	rddreg [dreg:$0x6];
	[sflag:s13] =	ssyncadd.s32 $0xFFFFEC00  }
0xf3: {  	[hbm4b:s28+s2] =	stream.linear.scatter [tilespmem:s18], [sflag:$0x2], $0x1400, $0x38;
	[tilespmem:$0xCB20] =	vst v63  }
0xf4: {  	_ =	swait.ge [sflag:s13], $0x1400  }
0xf5: {  	[sflag:s13] =	ssyncset.done $0x0  }
0xf6: {  	s29 =	rddreg [dreg:$0x7];
	[sflag:s13] =	ssyncadd.s32 $0xFFFFEC00  }
0xf7: {  	[hbm4b:s29+s2] =	stream.linear.scatter [tilespmem:s17], [sflag:$0x2], $0x1400, $0x38;
	[tilespmem:$0xCB20] =	vst v63  }
0xf8: {  	_ =	swait.ge [sflag:s13], $0x1400  }
0xf9: {  	[sflag:s13] =	ssyncset.done $0x0  }
0xfa: {  	s30 =	rddreg [dreg:$0x8];
	[sflag:s13] =	ssyncadd.s32 $0xFFFFEC00  }
0xfb: {  	[hbm4b:s30+s2] =	stream.linear.scatter [tilespmem:s16], [sflag:$0x2], $0x1400, $0x38;
	[tilespmem:$0xCB20] =	vst v63  }
0xfc: {  	_ =	swait.ge [sflag:s13], $0x1400  }
0xfd: {  	[sflag:s13] =	ssyncset.done $0x0  }
0xfe: {  	[sflag:s13] =	ssyncadd.s32 $0xFFFFEC00  }
0xff: {  	[hbm4b:s9+s2] =	stream.linear.scatter [tilespmem:s15], [sflag:$0x2], $0x1400, $0x38;
	[tilespmem:$0xCB20] =	vst v63  }
0x100: {  	_ =	swait.ge [sflag:s13], $0x1400  }
0x101: {  	[sflag:s13] =	ssyncset.done $0x0  }
0x102: {  	[sflag:s13] =	ssyncadd.s32 $0xFFFFEC00  }
0x103: {  	[hbm4b:s7+s2] =	stream.linear.scatter [tilespmem:s14], [sflag:$0x2], $0x1400, $0x38;
	[tilespmem:$0xCB20] =	vst v63  }
0x104: {  	_ =	swait.ge [sflag:s13], $0x1400  }
0x105: {  	[sflag:s13] =	ssyncset.done $0x0  }
0x106: {  	[sflag:s13] =	ssyncadd.s32 $0xFFFFEC00  }
0x107: {  	[hbm4b:s6+s2] =	stream.linear.scatter [tilespmem:s11], [sflag:$0x2], $0x1400, $0x38;
	[tilespmem:$0xCB20] =	vst v63  }
0x108: {  	_ =	swait.ge [sflag:s13], $0x1400  }
0x109: {  	[sflag:s13] =	ssyncset.done $0x0  }
0x10a: {  	[sflag:s13] =	ssyncadd.s32 $0xFFFFEC00  }
0x10b: {  	[hbm4b:s5+s2] =	stream.linear.scatter [tilespmem:s12], [sflag:$0x2], $0x1400, $0x38;
	[tilespmem:$0xCB20] =	vst v63  }
0x10c: {  	_ =	swait.ge [sflag:s13], $0x1400  }
0x10d: {  	[sflag:s13] =	ssyncset.done $0x0  }
0x10e: {  	[sflag:s13] =	ssyncadd.s32 $0xFFFFEC00  }
0x10f: {  	[hbm4b:s4+s2] =	stream.linear.scatter [tilespmem:s10], [sflag:$0x2], $0x1400, $0x38;
	[tilespmem:$0xCB20] =	vst v63  }
0x110: {  	_ =	swait.ge [sflag:s3], $0x1400  }
0x111: {  	[sflag:s3] =	ssyncset.done $0x0  }
0x112: {  	[sflag:s3] =	ssyncadd.s32 $0xFFFFEC00  }
0x113: {  	_ =	swait.ge [sflag:s3], $0x1400  }
0x114: {  	[sflag:s3] =	ssyncset.done $0x0  }
0x115: {  	[sflag:s3] =	ssyncadd.s32 $0xFFFFEC00  }
0x116: {  	_ =	swait.ge [sflag:s3], $0x1400  }
0x117: {  	[sflag:s3] =	ssyncset.done $0x0  }
0x118: {  	[sflag:s3] =	ssyncadd.s32 $0xFFFFEC00  }
0x119: {  	_ =	swait.ge [sflag:s3], $0x1400  }
0x11a: {  	[sflag:s3] =	ssyncset.done $0x0  }
0x11b: {  	[sflag:s3] =	ssyncadd.s32 $0xFFFFEC00  }
0x11c: {  	_ =	swait.ge [sflag:s3], $0x1400  }
0x11d: {  	[sflag:s3] =	ssyncset.done $0x0  }
0x11e: {  	[sflag:s3] =	ssyncadd.s32 $0xFFFFEC00  }
0x11f: {  	_ =	swait.ge [sflag:s3], $0x1400  }
0x120: {  	[sflag:s3] =	ssyncset.done $0x0  }
0x121: {  	[sflag:s3] =	ssyncadd.s32 $0xFFFFEC00  }
0x122: {  	_ =	swait.ge [sflag:s3], $0x1400  }
0x123: {  	[sflag:s3] =	ssyncset.done $0x0  }
0x124: {  	[sflag:s3] =	ssyncadd.s32 $0xFFFFEC00  }
0x125: {  	_ =	swait.ge [sflag:s3], $0x1400  }
0x126: {  	[sflag:s3] =	ssyncset.done $0x0  }
0x127: {  	[sflag:s3] =	ssyncadd.s32 $0xFFFFEC00  }
0x128: {  	_ =	swait.ge [sflag:s3], $0x1400  }
0x129: {  	[sflag:s3] =	ssyncset.done $0x0  }
0x12a: {  	[sflag:s3] =	ssyncadd.s32 $0xFFFFEC00  }
0x12b: {  	_ =	swait.ge [sflag:s3], $0x1400  }
0x12c: {  	[sflag:s3] =	ssyncset.done $0x0  }
0x12d: {  	[sflag:s3] =	ssyncadd.s32 $0xFFFFEC00  }
0x12e: {  	_ =	sfence.sel $0x180000  }
0x12f: {  	[bflag:$0x0] =	sbarrier.arrive $0xFFFF  }
0x130: {  	_ =	strace $0x90000047  }
0x131: {  	s31 =	stileid.u32;
	[bflag:$0x2] =	sbarrier.arrive $0xFFFF  }
0x132: {  	p0 =	sne.s32 s31, $0x0;
	s0 =	rddreg [dreg:$0x2]  }
0x133: {  	s0 =	sadd.s32 @!p0 $0x100000, s0  }
0x134: {  	[sflag:s0] =	ssyncadd.tile.s32 @!p0 $0x1;
	_ =	shalt  }
.Lfunc_end2:
_tile_overlayer_lowered:
.L_overlay_start_2:
0x135: {  	(tag) =	ssettag $0x2  }
0x136: {  	s0 =	rddreg [dreg:$0x0];
	s2 =	stileid.u32  }
0x137: {  	s1 =	rddreg [dreg:$0x1];
	p0 =	sne.s32 s2, $0x0  }
0x138: {  	s3 =	rddreg [dreg:$0x2];
	[bflag:$0x3] =	sbarrier.arrive $0xFFFF;
	s2 =	simm.s32 @!p0 $0x1C03  }
0x139: {  	[timem:s3], [sflag:s2] =	dma.local @!p0 [hbm:s0], s1  }
0x13a: {  	s0 =	simm.s32 @!p0 $0x3  }
0x13b: {  	_ =	swait.ge @!p0 [sflag:s0], s1  }
0x13c: {  	s1 =	ssub.s32 @!p0 $0x0, s1;
	[sflag:s0] =	ssyncset.done @!p0 $0x0  }
0x13d: {  	[sflag:s0] =	ssyncadd.s32 @!p0 s1  }
0x13e: {  	[bflag:$0x3] =	sbarrier.arrive $0xFFFF  }
0x13f: {  	_ =	shalt  }

// kernel: kernel.9.cloned.1.call-start
scs
__scs_entry_jumppad:
0x0: {  	(pc) =	sbr.rel $0x88, $3  }
0x1: {  	(tag) =	ssettag $0x0;
	lr =	simm.s32 $0x1  }
0x2: {  	[smem:$0x3F97] =	sst lr;
	_ =	strace $0xD0000000  }
0x3: {  	_ = 	snop  }
0x4: {  	_ = 	snop  }
0x5: {  	_ = 	snop  }
0x6: {  	_ = 	snop  }
0x7: {  	_ = 	snop  }
__scs_overlays_trampoline_lowered:
0x8: {  	[smem:$0x3FA6] =	sst s0  }
0x9: {  	[smem:$0x3FA7] =	sst s1  }
0xa: {  	[smem:$0x3FA8] =	sst s2  }
0xb: {  	[smem:$0x3FA9] =	sst s3  }
0xc: {  	[smem:$0x3FAA] =	sst s4  }
0xd: {  	[smem:$0x3FAB] =	sst s5  }
0xe: {  	[smem:$0x3FAC] =	sst s6  }
0xf: {  	[smem:$0x3FAD] =	sst s7  }
0x10: {  	[smem:$0x3FAE] =	sst s8  }
0x11: {  	[smem:$0x3FAF] =	sst s9;
	s0 =	simm.s32 @!p0 $0x0  }
0x12: {  	s1 =	sld [smem:$0x3F95];
	s0 =	simm.s32 @p0 $0x1  }
0x13: {  	[smem:$0x3FB0] =	sst s0;
	s0 =	simm.s32 @!p1 $0x0  }
0x14: {  	s2 =	sld [smem:$0x3F94];
	s0 =	simm.s32 @p1 $0x1  }
0x15: {  	[smem:$0x3FB1] =	sst s0;
	s0 =	simm.s32 @!p2 $0x0  }
0x16: {  	s3 =	sld [smem:$0x3FDB];
	s0 =	simm.s32 @p2 $0x1  }
0x17: {  	s4 =	simm.s32 $0x1BF5;
	[smem:$0x3FB3] =	sst s0  }
0x18: {  	s0 =	sld [smem:$0x3F96];
	_ =	swait.ge [sflag:s4], $0x0  }
0x19: {  	s7 =	sld [smem:$0x3F97]  }
0x1a: {  	s8 =	sadd.s32 $0xFFFFE003, lr  }
0x1b: {  	s9 =	sadd.s32 $0xFFFFFEF7, lr;
	s5 =	simm.s32 $0xFFFFFFFF;
	p2 =	slt.u32 s8, $0xFFFFF086  }
0x1c: {  	p1 =	slt.u32 s9, $0xF7A;
	s5 =	simm.s32 @!p2 $0x0  }
0x1d: {  	s5 =	simm.s32 @p1 $0x1;
	p0 =	seq.s32 s7, s2  }
0x1e: {  	s7 =	smul.u32 @!p0 $0xF7A, s2;
	p2 =	seq.s32 @!p0 s5, $0x0  }
0x1f: {  	s9 =	smul.u32 $0xF7A, s1;
	s8 =	simm.s32 @!p0 $0x1BF5;
	p2 =	por !p2, p0  }
0x20: {  	[sflag:s8] =	ssyncset.s32 @!p0 $0xFFFFF086;
	s6 =	sadd.s32 @!p0 s3, s7;
	s7 =	simm.s32 @!p0 $0x108  }
0x21: {  	s3 =	sadd.s32 s3, s9;
	s6 =	sadd.s32 @!p0 $0x88, s6;
	s7 =	simm.s32 @p2 $0x1082  }
0x22: {  	[simem:s7], [sflag:s8] =	dma.local @!p0 [hbm:s6], $0xF7A  }
0x23: {  	s9 =	sor.u32 $0xD0000000, s2;
	s6 =	simm.s32 $0x108;
	_ =	swait.ge @!p0 [sflag:s8], $0x0  }
0x24: {  	s3 =	sadd.s32 $0x88, s3;
	s6 =	simm.s32 @!p1 $0x1082;
	[sflag:s4] =	ssyncset.s32 $0xFFFFF086  }
0x25: {  	[simem:s6], [sflag:s4] =	dma.local [hbm:s3], $0xF7A  }
0x26: {  	[smem:$0x3F97] =	sst s1;
	(tag) =	ssettag s2;
	_ =	strace s9  }
0x27: {  	s1 =	sld [smem:$0x3FA7]  }
0x28: {  	s2 =	sld [smem:$0x3FA8]  }
0x29: {  	s4 =	sld [smem:$0x3FAA]  }
0x2a: {  	p0 =	seq.s32 s5, $0x0;
	s5 =	sld [smem:$0x3FAB]  }
0x2b: {  	s6 =	sld [smem:$0x3FAC]  }
0x2c: {  	s7 =	sld [smem:$0x3FAD]  }
0x2d: {  	s3 =	simm.s32 $0x108;
	s8 =	sld [smem:$0x3FAE]  }
0x2e: {  	s3 =	simm.s32 @!p0 $0x1082;
	s9 =	sld [smem:$0x3FAF]  }
0x2f: {  	lr =	sadd.s32 s0, s3;
	s0 =	sld [smem:$0x3FA6]  }
0x30: {  	s3 =	sld [smem:$0x3FA9]  }
0x31: {  	[smem:$0x3FB2] =	sst s10  }
0x32: {  	s10 =	sld [smem:$0x3FB0];
	_ =	sdelay $0x3  }
0x33: {  	p0 =	seq.s32 s10, $0x1;
	s10 =	sld [smem:$0x3FB2];
	_ =	sdelay $0x3  }
0x34: {  	[smem:$0x3FB2] =	sst s10  }
0x35: {  	s10 =	sld [smem:$0x3FB1];
	_ =	sdelay $0x3  }
0x36: {  	p1 =	seq.s32 s10, $0x1;
	s10 =	sld [smem:$0x3FB2];
	_ =	sdelay $0x3  }
0x37: {  	[smem:$0x3FB2] =	sst s10  }
0x38: {  	s10 =	sld [smem:$0x3FB3]  }
0x39: {  	_ = 	snop;
	(pc) =	sbr.ind lr, $3  }
0x3a: {  	_ = 	snop  }
0x3b: {  	_ = 	snop  }
0x3c: {  	p2 =	seq.s32 s10, $0x1;
	s10 =	sld [smem:$0x3FB2]  }
0x3d: {  	_ =	shalt  }
0x3e: {  	_ =	shalt  }
0x3f: {  	_ =	shalt  }
0x40: {  	_ =	shalt  }
0x41: {  	_ =	shalt  }
0x42: {  	_ =	shalt  }
0x43: {  	_ =	shalt  }
0x44: {  	_ =	shalt  }
0x45: {  	_ =	shalt  }
0x46: {  	_ =	shalt  }
0x47: {  	_ =	shalt  }
0x48: {  	_ =	shalt  }
0x49: {  	_ =	shalt  }
0x4a: {  	_ =	shalt  }
0x4b: {  	_ =	shalt  }
0x4c: {  	_ =	shalt  }
0x4d: {  	_ =	shalt  }
0x4e: {  	_ =	shalt  }
0x4f: {  	_ =	shalt  }
0x50: {  	_ =	shalt  }
0x51: {  	_ =	shalt  }
0x52: {  	_ =	shalt  }
0x53: {  	_ =	shalt  }
0x54: {  	_ =	shalt  }
0x55: {  	_ =	shalt  }
0x56: {  	_ =	shalt  }
0x57: {  	_ =	shalt  }
0x58: {  	_ =	shalt  }
0x59: {  	_ =	shalt  }
0x5a: {  	_ =	shalt  }
0x5b: {  	_ =	shalt  }
0x5c: {  	_ =	shalt  }
0x5d: {  	_ =	shalt  }
0x5e: {  	_ =	shalt  }
0x5f: {  	_ =	shalt  }
0x60: {  	_ =	shalt  }
0x61: {  	_ =	shalt  }
0x62: {  	_ =	shalt  }
0x63: {  	_ =	shalt  }
0x64: {  	_ =	shalt  }
0x65: {  	_ =	shalt  }
0x66: {  	_ =	shalt  }
0x67: {  	_ =	shalt  }
0x68: {  	_ =	shalt  }
0x69: {  	_ =	shalt  }
0x6a: {  	_ =	shalt  }
0x6b: {  	_ =	shalt  }
0x6c: {  	_ =	shalt  }
0x6d: {  	_ =	shalt  }
0x6e: {  	_ =	shalt  }
0x6f: {  	_ =	shalt  }
0x70: {  	_ =	shalt  }
0x71: {  	_ =	shalt  }
0x72: {  	_ =	shalt  }
0x73: {  	_ =	shalt  }
0x74: {  	_ =	shalt  }
0x75: {  	_ =	shalt  }
0x76: {  	_ =	shalt  }
0x77: {  	_ =	shalt  }
0x78: {  	_ =	shalt  }
0x79: {  	_ =	shalt  }
0x7a: {  	_ =	shalt  }
0x7b: {  	_ =	shalt  }
0x7c: {  	_ =	shalt  }
0x7d: {  	_ =	shalt  }
0x7e: {  	_ =	shalt  }
0x7f: {  	_ =	shalt  }
0x80: {  	_ =	shalt  }
0x81: {  	_ =	shalt  }
0x82: {  	_ =	shalt  }
0x83: {  	_ =	shalt  }
0x84: {  	_ =	shalt  }
0x85: {  	_ =	shalt  }
0x86: {  	_ =	shalt  }
0x87: {  	_ =	shalt  }
.Lfunc_end0:
.L_simem_size_0:
called_computation.1_lowered:
.L_overlay_start_0:
0x88: {  	s2 =	sld [smem:$0x3FD9]  }
0x89: {  	s3 =	sld [smem:$0x3FFE];
	_ =	sdelay $0x1  }
0x8a: {  	s1 =	srdreg.scid  }
0x8b: {  	s0 =	sand.u32 $0x1, s1  }
0x8c: {  	s17 =	sshll.u32 s0, $0xA;
	s2 =	sadd.s32 s3, s2  }
0x8d: {  	s2 =	sadd.s32 s2, s17  }
0x8e: {  	[smem:$0x3FBE] =	sst s2  }
0x8f: {  	_ = 	snop  }
0x90: {  	s2 =	sld [smem:$0x3FD0];
	(tm) =	ssettm $0x1  }
0x91: {  	s18 =	sld [smem:$0x3FFB];
	_ =	sdelay $0x3  }
0x92: {  	_ =	strace s18  }
0x93: {  	s3 =	sld [smem:$0x3FFC];
	_ =	sdelay $0x3  }
0x94: {  	_ =	strace s3  }
0x95: {  	s3 =	sld [smem:$0x3FFD];
	_ =	sdelay $0x3  }
0x96: {  	_ =	strace s3  }
0x97: {  	_ =	strace $0x8FFFFFFF  }
0x98: {  	s19 =	sld [smem:$0x3FDB];
	_ =	sdelay $0x1  }
0x99: {  	s4 =	simm.s32 $_scs_section_size  }
0x9a: {  	s5 =	simm.s32 $_size__tile_overlayer_lowered;
	s6 =	simm.s32 $_tile_overlayer_lowered  }
0x9b: {  	s22 =	simm.s32 $0x1BFF;
	s21 =	sshll.u32 s6, $0x1;
	s3 =	sadd.s32 s4, s19  }
0x9c: {  	s7 =	simm.s32 $0x0;
	s20 =	sshll.u32 s5, $0x1;
	s5 =	sadd.s32 s21, s3  }
0x9d: {  	[timem:s7], [sflag:s22] =	dma.local [hbm:s5], s20  }
0x9e: {  	_ =	swait.ge [sflag:s22], s20  }
0x9f: {  	s4 =	ssub.s32 $0x0, s20;
	[sflag:s22] =	ssyncset.done $0x0  }
0xa0: {  	[sflag:s22] =	ssyncadd.s32 s4;
	_ =	sdelay $0x1  }
0xa1: {  	s23 =	simm.s32 $0x1B8B  }
0xa2: {  	_ =	swait.ge [sflag:s23], $0x1  }
0xa3: {  	[sflag:s23] =	ssyncset.done $0x0  }
0xa4: {  	s25 =	simm.s32 $0x1B8E;
	s24 =	sld [smem:$0x3FFE];
	[sflag:s23] =	ssyncadd.s32 $0xFFFFFFFF  }
0xa5: {  	s26 =	simm.s32 $execute0_lowered;
	[smem:$0x3FD2] =	sst s25  }
0xa6: {  	s5 =	sshll.u32 s26, $0x1;
	_ =	strace $0x80000049;
	[dreg:$0x1] =	wrdreg $0xFFFFFFFF  }
0xa7: {  	s28 =	simm.s32 $_size_execute0_lowered;
	s3 =	sadd.s32 s3, s5;
	[dreg:$0x0] =	wrdreg $0x0  }
0xa8: {  	s5 =	sshll.u32 s28, $0x1;
	[dreg:$0x2] =	wrdreg s3  }
0xa9: {  	[dreg:$0x3] =	wrdreg s5  }
0xaa: {  	[dreg:$0x4] =	wrdreg $0xC0  }
0xab: {  	_ =	task [dreg:s7], $0x5FFFF  }
0xac: {  	[dreg:$0x1] =	wrdreg $0xFFFFFFFF  }
0xad: {  	[dreg:$0x0] =	wrdreg $0x60  }
0xae: {  	[dreg:$0x2] =	wrdreg s2  }
0xaf: {  	[dreg:$0x3] =	wrdreg s24  }
0xb0: {  	[dreg:$0x4] =	wrdreg $0x9  }
0xb1: {  	_ =	task.clear_ibuf [dreg:s7], $0x5FFFF;
	_ =	strace $0x90000049  }
0xb2: {  	s29 =	simm.s32 $0x9;
	_ =	strace $0x8000004B  }
0xb3: {  	_ =	swait.ge [sflag:s29], $0x1  }
0xb4: {  	[sflag:s29] =	ssyncadd.s32 $0xFFFFFFFF  }
0xb5: {  	_ =	strace $0x9000004B  }
0xb6: {  	_ =	sfence  }
0xb7: {  	s30 =	sld [smem:$0x0];
	_ =	sdelay $0x2  }
0xb8: {  	s31 =	sshll.u32 s1, $0xD;
	s1 =	sshrl.u32 s1, $0x2  }
0xb9: {  	s3 =	sand.u32 $0x4000, s31;
	s1 =	sadd.s32 s1, s30  }
0xba: {  	s0 =	sor.u32 s3, s0;
	s1 =	sshll.u32 s1, $0x11  }
0xbb: {  	s0 =	sor.u32 s1, s0  }
0xbc: {  	s0 =	sadd.s32 $0x8F2B, s0  }
0xbd: {  	[sflag:s0] =	ssyncadd.remote.s32 $0x1  }
0xbe: {  	_ =	sfence.sel $0xFFFF  }
0xbf: {  	[dreg:$0x0] =	wrdreg $0xFFFFFFFF;
	(pc) =	sbr.abs _section_cstart, $3  }
0xc0: {  	[dreg:$0x1] =	wrdreg $0xFFFFFFFF  }
0xc1: {  	_ =	task.clear_ibuf [dreg:s7], $0x2FFFF;
	_ =	strace $0x9FFFFFFF  }
0xc2: {  	(tm) =	ssettm $0x7FFFFFFF  }
0xc3: {  	_ =	shalt  }
tec
execute0_lowered:
.L_overlay_start_1:
0x0: {  	(tag) =	ssettag $0x1  }
0x1: {  	s0 =	srdreg.scid;
	s8 =	rddreg [dreg:$0x0]  }
0x2: {  	s1 =	stileid.u32;
	s3 =	rddreg [dreg:$0x1];
	s2 =	simm.s32 $0x0  }
0x3: {  	s21 =	simm.s32 $0x50;
	s20 =	simm.s32 $0x320;
	s19 =	simm.s32 $0x1720  }
0x4: {  	s18 =	simm.s32 $0x2B20;
	s17 =	simm.s32 $0x3F20;
	s16 =	simm.s32 $0x5320  }
0x5: {  	s15 =	simm.s32 $0x6720;
	s28 =	simm.s32 $0x1E0;
	s14 =	simm.s32 $0x7B20  }
0x6: {  	s29 =	simm.s32 $0x230;
	s11 =	simm.s32 $0x8F20;
	p0 =	por $0x0, $0x0  }
0x7: {  	s30 =	simm.s32 $0x280;
	s0 =	sand.u32 $0x1, s0;
	s1 =	sshll.u32 s1, $0x1  }
0x8: {  	s12 =	simm.s32 $0xA320;
	s31 =	simm.s32 $0x2D0;
	s1 =	sor.u32 s0, s1  }
0x9: {  	s10 =	simm.s32 $0xB720;
	s13 =	simm.s32 $0x1;
	s4 =	smul.u32 $0x64, s1  }
0xa: {  	[smem:$0x7FF] =	sst s2;
	s0 =	ssub.s32 $0x2, s0;
	s5 =	smul.u32 $0xC800, s1  }
0xb: {  	_ =	strace $0x8000004A;
	s1 =	smul.u32 $0x1900, s1;
	s24 =	sshrl.u32 s0, $0x1  }
0xc: {  	s0 =	ssub.s32 s0, s24;
	s24 =	simm.s32 $0xF0;
	s4 =	sadd.s32 s4, s3  }
0xd: {  	s3 =	sadd.s32 $0x2800, s3;
	s5 =	sshrl.u32 s5, $0x3;
	s4 =	sadd.s32 $0x1A00, s4  }
0xe: {  	s0 =	smax.u32 s0, $0x1;
	s1 =	sadd.s32 s3, s1;
	[dreg:$0x3] =	wrdreg s4  }
0xf: {  	s3 =	sadd.s32 s3, s5;
	p1 =	sne.s32 s0, $0x1;
	[dreg:$0x4] =	wrdreg s1  }
0x10: {  	s22 =	sadd.s32 $0x280, s3;
	s23 =	sadd.s32 $0x500, s3;
	s25 =	sadd.s32 $0x780, s3  }
0x11: {  	s26 =	sadd.s32 $0xA00, s3;
	s9 =	sadd.s32 $0xC80, s3;
	s7 =	sadd.s32 $0xF00, s3  }
.Ltmp0:
0x12: {  	s6 =	sadd.s32 $0x1180, s3;
	[dreg:$0x5] =	wrdreg s22;
	(pc) =	sbr.rel @!p1 .LBB2_3-.Ltmp0, $4  }
0x13: {  	s5 =	sadd.s32 $0x1400, s3;
	s4 =	sadd.s32 $0x1680, s3;
	[dreg:$0x6] =	wrdreg s23  }
0x14: {  	s1 =	sadd.s32 $0xFFFFFFFF, s0;
	s3 =	simm.s32 $0x2;
	[dreg:$0x7] =	wrdreg s25  }
0x15: {  	[dreg:$0x8] =	wrdreg s26;
	s22 =	simm.s32 $0x3;
	s23 =	simm.s32 $0xA0  }
0x16: {  	s25 =	simm.s32 $0x140;
	s26 =	simm.s32 $0x190;
	s0 =	rddreg [dreg:$0x3]  }
0x17: {  	[tilespmem:s2], [sflag:$0x3] =	stream.linear.gather [hbm4b:s0+s2], $0x320, $0x38;
	[tilespmem:$0xCB20] =	vst v63  }
0x18: {  	_ =	swait.ge [sflag:s22], $0x320  }
0x19: {  	[sflag:s22] =	ssyncset.done $0x0  }
0x1a: {  	[sflag:s22] =	ssyncadd.s32 $0xFFFFFCE0  }
0x1b: {  	[tilespmem:s20], [sflag:$0x1] =	stream.indirect.gather [hbm4b:s8+s21], $0x40, s2, s21, $0xb8;
	[tilespmem:$0xCB20] =	vst v63  }
0x1c: {  	_ = 	snop  }
0x1d: {  	[tilespmem:s19], [sflag:$0x1] =	stream.indirect.gather [hbm4b:s8+s21], $0x40, s21, s21, $0xb8;
	[tilespmem:$0xCB20] =	vst v63  }
0x1e: {  	_ = 	snop  }
0x1f: {  	[tilespmem:s18], [sflag:$0x1] =	stream.indirect.gather [hbm4b:s8+s21], $0x40, s23, s21, $0xb8;
	[tilespmem:$0xCB20] =	vst v63  }
0x20: {  	_ = 	snop  }
0x21: {  	[tilespmem:s17], [sflag:$0x1] =	stream.indirect.gather [hbm4b:s8+s21], $0x40, s24, s21, $0xb8;
	[tilespmem:$0xCB20] =	vst v63  }
0x22: {  	_ = 	snop  }
0x23: {  	[tilespmem:s16], [sflag:$0x1] =	stream.indirect.gather [hbm4b:s8+s21], $0x40, s25, s21, $0xb8;
	[tilespmem:$0xCB20] =	vst v63  }
0x24: {  	_ = 	snop  }
0x25: {  	[tilespmem:s15], [sflag:$0x1] =	stream.indirect.gather [hbm4b:s8+s21], $0x40, s26, s21, $0xb8;
	[tilespmem:$0xCB20] =	vst v63  }
0x26: {  	_ = 	snop  }
0x27: {  	[tilespmem:s14], [sflag:$0x1] =	stream.indirect.gather [hbm4b:s8+s21], $0x40, s28, s21, $0xb8;
	[tilespmem:$0xCB20] =	vst v63  }
0x28: {  	_ = 	snop  }
0x29: {  	[tilespmem:s11], [sflag:$0x1] =	stream.indirect.gather [hbm4b:s8+s21], $0x40, s29, s21, $0xb8;
	[tilespmem:$0xCB20] =	vst v63  }
0x2a: {  	_ = 	snop  }
0x2b: {  	[tilespmem:s12], [sflag:$0x1] =	stream.indirect.gather [hbm4b:s8+s21], $0x40, s30, s21, $0xb8;
	[tilespmem:$0xCB20] =	vst v63  }
0x2c: {  	_ = 	snop  }
0x2d: {  	[tilespmem:s10], [sflag:$0x1] =	stream.indirect.gather [hbm4b:s8+s21], $0x40, s31, s21, $0xb8;
	[tilespmem:$0xCB20] =	vst v63  }
0x2e: {  	_ =	swait.ge [sflag:s13], $0x1400  }
0x2f: {  	[sflag:s13] =	ssyncset.done $0x0  }
0x30: {  	s0 =	rddreg [dreg:$0x4];
	[sflag:s13] =	ssyncadd.s32 $0xFFFFEC00  }
0x31: {  	[hbm4b:s0+s2] =	stream.linear.scatter [tilespmem:s20], [sflag:$0x2], $0x1400, $0x38;
	[tilespmem:$0xCB20] =	vst v63  }
0x32: {  	_ =	swait.ge [sflag:s13], $0x1400  }
0x33: {  	[sflag:s13] =	ssyncset.done $0x0  }
0x34: {  	s0 =	rddreg [dreg:$0x5];
	[sflag:s13] =	ssyncadd.s32 $0xFFFFEC00  }
0x35: {  	[hbm4b:s0+s2] =	stream.linear.scatter [tilespmem:s19], [sflag:$0x2], $0x1400, $0x38;
	[tilespmem:$0xCB20] =	vst v63  }
0x36: {  	_ =	swait.ge [sflag:s13], $0x1400  }
0x37: {  	[sflag:s13] =	ssyncset.done $0x0  }
0x38: {  	s0 =	rddreg [dreg:$0x6];
	[sflag:s13] =	ssyncadd.s32 $0xFFFFEC00  }
0x39: {  	[hbm4b:s0+s2] =	stream.linear.scatter [tilespmem:s18], [sflag:$0x2], $0x1400, $0x38;
	[tilespmem:$0xCB20] =	vst v63  }
0x3a: {  	_ =	swait.ge [sflag:s13], $0x1400  }
0x3b: {  	[sflag:s13] =	ssyncset.done $0x0  }
0x3c: {  	s0 =	rddreg [dreg:$0x7];
	[sflag:s13] =	ssyncadd.s32 $0xFFFFEC00  }
0x3d: {  	[hbm4b:s0+s2] =	stream.linear.scatter [tilespmem:s17], [sflag:$0x2], $0x1400, $0x38;
	[tilespmem:$0xCB20] =	vst v63  }
0x3e: {  	_ =	swait.ge [sflag:s13], $0x1400  }
0x3f: {  	[sflag:s13] =	ssyncset.done $0x0  }
0x40: {  	s0 =	rddreg [dreg:$0x8];
	[sflag:s13] =	ssyncadd.s32 $0xFFFFEC00  }
0x41: {  	[hbm4b:s0+s2] =	stream.linear.scatter [tilespmem:s16], [sflag:$0x2], $0x1400, $0x38;
	[tilespmem:$0xCB20] =	vst v63  }
0x42: {  	_ =	swait.ge [sflag:s13], $0x1400  }
0x43: {  	[sflag:s13] =	ssyncset.done $0x0  }
0x44: {  	[sflag:s13] =	ssyncadd.s32 $0xFFFFEC00  }
0x45: {  	[hbm4b:s9+s2] =	stream.linear.scatter [tilespmem:s15], [sflag:$0x2], $0x1400, $0x38;
	[tilespmem:$0xCB20] =	vst v63  }
0x46: {  	_ =	swait.ge [sflag:s13], $0x1400  }
0x47: {  	[sflag:s13] =	ssyncset.done $0x0  }
0x48: {  	[sflag:s13] =	ssyncadd.s32 $0xFFFFEC00  }
0x49: {  	[hbm4b:s7+s2] =	stream.linear.scatter [tilespmem:s14], [sflag:$0x2], $0x1400, $0x38;
	[tilespmem:$0xCB20] =	vst v63  }
0x4a: {  	_ =	swait.ge [sflag:s13], $0x1400  }
0x4b: {  	[sflag:s13] =	ssyncset.done $0x0  }
0x4c: {  	[sflag:s13] =	ssyncadd.s32 $0xFFFFEC00  }
0x4d: {  	[hbm4b:s6+s2] =	stream.linear.scatter [tilespmem:s11], [sflag:$0x2], $0x1400, $0x38;
	[tilespmem:$0xCB20] =	vst v63  }
0x4e: {  	_ =	swait.ge [sflag:s13], $0x1400  }
0x4f: {  	[sflag:s13] =	ssyncset.done $0x0  }
0x50: {  	[sflag:s13] =	ssyncadd.s32 $0xFFFFEC00  }
0x51: {  	[hbm4b:s5+s2] =	stream.linear.scatter [tilespmem:s12], [sflag:$0x2], $0x1400, $0x38;
	[tilespmem:$0xCB20] =	vst v63  }
0x52: {  	_ =	swait.ge [sflag:s13], $0x1400  }
0x53: {  	[sflag:s13] =	ssyncset.done $0x0  }
0x54: {  	[sflag:s13] =	ssyncadd.s32 $0xFFFFEC00  }
0x55: {  	[hbm4b:s4+s2] =	stream.linear.scatter [tilespmem:s10], [sflag:$0x2], $0x1400, $0x38;
	[tilespmem:$0xCB20] =	vst v63  }
0x56: {  	_ =	swait.ge [sflag:s3], $0x1400  }
0x57: {  	[sflag:s3] =	ssyncset.done $0x0  }
0x58: {  	[sflag:s3] =	ssyncadd.s32 $0xFFFFEC00  }
0x59: {  	_ =	swait.ge [sflag:s3], $0x1400  }
0x5a: {  	[sflag:s3] =	ssyncset.done $0x0  }
0x5b: {  	[sflag:s3] =	ssyncadd.s32 $0xFFFFEC00  }
0x5c: {  	_ =	swait.ge [sflag:s3], $0x1400  }
0x5d: {  	[sflag:s3] =	ssyncset.done $0x0  }
0x5e: {  	[sflag:s3] =	ssyncadd.s32 $0xFFFFEC00  }
0x5f: {  	_ =	swait.ge [sflag:s3], $0x1400  }
0x60: {  	[sflag:s3] =	ssyncset.done $0x0  }
0x61: {  	[sflag:s3] =	ssyncadd.s32 $0xFFFFEC00  }
0x62: {  	_ =	swait.ge [sflag:s3], $0x1400  }
0x63: {  	[sflag:s3] =	ssyncset.done $0x0  }
0x64: {  	[sflag:s3] =	ssyncadd.s32 $0xFFFFEC00  }
0x65: {  	_ =	swait.ge [sflag:s3], $0x1400  }
0x66: {  	[sflag:s3] =	ssyncset.done $0x0  }
0x67: {  	[sflag:s3] =	ssyncadd.s32 $0xFFFFEC00  }
0x68: {  	_ =	swait.ge [sflag:s3], $0x1400  }
0x69: {  	[sflag:s3] =	ssyncset.done $0x0  }
0x6a: {  	[sflag:s3] =	ssyncadd.s32 $0xFFFFEC00  }
0x6b: {  	_ =	swait.ge [sflag:s3], $0x1400  }
0x6c: {  	[sflag:s3] =	ssyncset.done $0x0  }
0x6d: {  	p1 =	sne.s32 s1, $0x1;
	[sflag:s3] =	ssyncadd.s32 $0xFFFFEC00  }
.Ltmp1:
0x6e: {  	_ =	swait.ge [sflag:s3], $0x1400;
	(pc) =	sbr.rel @!p1 .LBB2_3-.Ltmp1, $4  }
0x6f: {  	[sflag:s3] =	ssyncset.done $0x0  }
0x70: {  	[sflag:s3] =	ssyncadd.s32 $0xFFFFEC00  }
0x71: {  	s1 =	sadd.s32 $0xFFFFFFFF, s1;
	_ =	swait.ge [sflag:s3], $0x1400  }
0x72: {  	p0 =	por $0x1, $0x1;
	s0 =	rddreg [dreg:$0x3];
	[sflag:s3] =	ssyncset.done $0x0  }
.LBB2_2:
0x73: {  	[sflag:s3] =	ssyncadd.s32 $0xFFFFEC00  }
0x74: {  	[tilespmem:s2], [sflag:$0x3] =	stream.linear.gather [hbm4b:s0+s2], $0x320, $0x38;
	[tilespmem:$0xCB20] =	vst v63  }
0x75: {  	_ =	swait.ge [sflag:s22], $0x320  }
0x76: {  	[sflag:s22] =	ssyncset.done $0x0  }
0x77: {  	[sflag:s22] =	ssyncadd.s32 $0xFFFFFCE0  }
0x78: {  	[tilespmem:s20], [sflag:$0x1] =	stream.indirect.gather [hbm4b:s8+s21], $0x40, s2, s21, $0xb8;
	[tilespmem:$0xCB20] =	vst v63  }
0x79: {  	_ = 	snop  }
0x7a: {  	[tilespmem:s19], [sflag:$0x1] =	stream.indirect.gather [hbm4b:s8+s21], $0x40, s21, s21, $0xb8;
	[tilespmem:$0xCB20] =	vst v63  }
0x7b: {  	_ = 	snop  }
0x7c: {  	[tilespmem:s18], [sflag:$0x1] =	stream.indirect.gather [hbm4b:s8+s21], $0x40, s23, s21, $0xb8;
	[tilespmem:$0xCB20] =	vst v63  }
0x7d: {  	_ = 	snop  }
0x7e: {  	[tilespmem:s17], [sflag:$0x1] =	stream.indirect.gather [hbm4b:s8+s21], $0x40, s24, s21, $0xb8;
	[tilespmem:$0xCB20] =	vst v63  }
0x7f: {  	_ = 	snop  }
0x80: {  	[tilespmem:s16], [sflag:$0x1] =	stream.indirect.gather [hbm4b:s8+s21], $0x40, s25, s21, $0xb8;
	[tilespmem:$0xCB20] =	vst v63  }
0x81: {  	_ = 	snop  }
0x82: {  	[tilespmem:s15], [sflag:$0x1] =	stream.indirect.gather [hbm4b:s8+s21], $0x40, s26, s21, $0xb8;
	[tilespmem:$0xCB20] =	vst v63  }
0x83: {  	_ = 	snop  }
0x84: {  	[tilespmem:s14], [sflag:$0x1] =	stream.indirect.gather [hbm4b:s8+s21], $0x40, s28, s21, $0xb8;
	[tilespmem:$0xCB20] =	vst v63  }
0x85: {  	_ = 	snop  }
0x86: {  	[tilespmem:s11], [sflag:$0x1] =	stream.indirect.gather [hbm4b:s8+s21], $0x40, s29, s21, $0xb8;
	[tilespmem:$0xCB20] =	vst v63  }
0x87: {  	_ = 	snop  }
0x88: {  	[tilespmem:s12], [sflag:$0x1] =	stream.indirect.gather [hbm4b:s8+s21], $0x40, s30, s21, $0xb8;
	[tilespmem:$0xCB20] =	vst v63  }
0x89: {  	_ = 	snop  }
0x8a: {  	[tilespmem:s10], [sflag:$0x1] =	stream.indirect.gather [hbm4b:s8+s21], $0x40, s31, s21, $0xb8;
	[tilespmem:$0xCB20] =	vst v63  }
0x8b: {  	_ =	swait.ge [sflag:s13], $0x1400  }
0x8c: {  	[sflag:s13] =	ssyncset.done $0x0  }
0x8d: {  	s0 =	rddreg [dreg:$0x4];
	[sflag:s13] =	ssyncadd.s32 $0xFFFFEC00  }
0x8e: {  	[hbm4b:s0+s2] =	stream.linear.scatter [tilespmem:s20], [sflag:$0x2], $0x1400, $0x38;
	[tilespmem:$0xCB20] =	vst v63  }
0x8f: {  	_ =	swait.ge [sflag:s13], $0x1400  }
0x90: {  	[sflag:s13] =	ssyncset.done $0x0  }
0x91: {  	s0 =	rddreg [dreg:$0x5];
	[sflag:s13] =	ssyncadd.s32 $0xFFFFEC00  }
0x92: {  	[hbm4b:s0+s2] =	stream.linear.scatter [tilespmem:s19], [sflag:$0x2], $0x1400, $0x38;
	[tilespmem:$0xCB20] =	vst v63  }
0x93: {  	_ =	swait.ge [sflag:s13], $0x1400  }
0x94: {  	[sflag:s13] =	ssyncset.done $0x0  }
0x95: {  	s0 =	rddreg [dreg:$0x6];
	[sflag:s13] =	ssyncadd.s32 $0xFFFFEC00  }
0x96: {  	[hbm4b:s0+s2] =	stream.linear.scatter [tilespmem:s18], [sflag:$0x2], $0x1400, $0x38;
	[tilespmem:$0xCB20] =	vst v63  }
0x97: {  	_ =	swait.ge [sflag:s13], $0x1400  }
0x98: {  	[sflag:s13] =	ssyncset.done $0x0  }
0x99: {  	s0 =	rddreg [dreg:$0x7];
	[sflag:s13] =	ssyncadd.s32 $0xFFFFEC00  }
0x9a: {  	[hbm4b:s0+s2] =	stream.linear.scatter [tilespmem:s17], [sflag:$0x2], $0x1400, $0x38;
	[tilespmem:$0xCB20] =	vst v63  }
0x9b: {  	_ =	swait.ge [sflag:s13], $0x1400  }
0x9c: {  	[sflag:s13] =	ssyncset.done $0x0  }
0x9d: {  	s0 =	rddreg [dreg:$0x8];
	[sflag:s13] =	ssyncadd.s32 $0xFFFFEC00  }
0x9e: {  	[hbm4b:s0+s2] =	stream.linear.scatter [tilespmem:s16], [sflag:$0x2], $0x1400, $0x38;
	[tilespmem:$0xCB20] =	vst v63  }
0x9f: {  	_ =	swait.ge [sflag:s13], $0x1400  }
0xa0: {  	[sflag:s13] =	ssyncset.done $0x0  }
0xa1: {  	[sflag:s13] =	ssyncadd.s32 $0xFFFFEC00  }
0xa2: {  	[hbm4b:s9+s2] =	stream.linear.scatter [tilespmem:s15], [sflag:$0x2], $0x1400, $0x38;
	[tilespmem:$0xCB20] =	vst v63  }
0xa3: {  	_ =	swait.ge [sflag:s13], $0x1400  }
0xa4: {  	[sflag:s13] =	ssyncset.done $0x0  }
0xa5: {  	[sflag:s13] =	ssyncadd.s32 $0xFFFFEC00  }
0xa6: {  	[hbm4b:s7+s2] =	stream.linear.scatter [tilespmem:s14], [sflag:$0x2], $0x1400, $0x38;
	[tilespmem:$0xCB20] =	vst v63  }
0xa7: {  	_ =	swait.ge [sflag:s13], $0x1400  }
0xa8: {  	[sflag:s13] =	ssyncset.done $0x0  }
0xa9: {  	[sflag:s13] =	ssyncadd.s32 $0xFFFFEC00  }
0xaa: {  	[hbm4b:s6+s2] =	stream.linear.scatter [tilespmem:s11], [sflag:$0x2], $0x1400, $0x38;
	[tilespmem:$0xCB20] =	vst v63  }
0xab: {  	_ =	swait.ge [sflag:s13], $0x1400  }
0xac: {  	[sflag:s13] =	ssyncset.done $0x0  }
0xad: {  	[sflag:s13] =	ssyncadd.s32 $0xFFFFEC00  }
0xae: {  	[hbm4b:s5+s2] =	stream.linear.scatter [tilespmem:s12], [sflag:$0x2], $0x1400, $0x38;
	[tilespmem:$0xCB20] =	vst v63  }
0xaf: {  	_ =	swait.ge [sflag:s13], $0x1400  }
0xb0: {  	[sflag:s13] =	ssyncset.done $0x0  }
0xb1: {  	[sflag:s13] =	ssyncadd.s32 $0xFFFFEC00  }
0xb2: {  	[hbm4b:s4+s2] =	stream.linear.scatter [tilespmem:s10], [sflag:$0x2], $0x1400, $0x38;
	[tilespmem:$0xCB20] =	vst v63  }
0xb3: {  	_ =	swait.ge [sflag:s3], $0x1400  }
0xb4: {  	[sflag:s3] =	ssyncset.done $0x0  }
0xb5: {  	[sflag:s3] =	ssyncadd.s32 $0xFFFFEC00  }
0xb6: {  	_ =	swait.ge [sflag:s3], $0x1400  }
0xb7: {  	[sflag:s3] =	ssyncset.done $0x0  }
0xb8: {  	[sflag:s3] =	ssyncadd.s32 $0xFFFFEC00  }
0xb9: {  	_ =	swait.ge [sflag:s3], $0x1400  }
0xba: {  	[sflag:s3] =	ssyncset.done $0x0  }
0xbb: {  	[sflag:s3] =	ssyncadd.s32 $0xFFFFEC00  }
0xbc: {  	_ =	swait.ge [sflag:s3], $0x1400  }
0xbd: {  	[sflag:s3] =	ssyncset.done $0x0  }
0xbe: {  	[sflag:s3] =	ssyncadd.s32 $0xFFFFEC00  }
0xbf: {  	_ =	swait.ge [sflag:s3], $0x1400  }
0xc0: {  	[sflag:s3] =	ssyncset.done $0x0  }
0xc1: {  	[sflag:s3] =	ssyncadd.s32 $0xFFFFEC00  }
0xc2: {  	_ =	swait.ge [sflag:s3], $0x1400  }
0xc3: {  	[sflag:s3] =	ssyncset.done $0x0  }
0xc4: {  	[sflag:s3] =	ssyncadd.s32 $0xFFFFEC00  }
0xc5: {  	_ =	swait.ge [sflag:s3], $0x1400  }
0xc6: {  	[sflag:s3] =	ssyncset.done $0x0  }
0xc7: {  	[sflag:s3] =	ssyncadd.s32 $0xFFFFEC00  }
0xc8: {  	_ =	swait.ge [sflag:s3], $0x1400  }
0xc9: {  	[sflag:s3] =	ssyncset.done $0x0  }
0xca: {  	p1 =	sne.s32 s1, $0x1;
	[sflag:s3] =	ssyncadd.s32 $0xFFFFEC00  }
.Ltmp2:
0xcb: {  	_ =	swait.ge [sflag:s3], $0x1400;
	(pc) =	sbr.rel @p1 .LBB2_2-.Ltmp2, $4  }
0xcc: {  	[sflag:s3] =	ssyncset.done $0x0  }
0xcd: {  	[sflag:s3] =	ssyncadd.s32 $0xFFFFEC00  }
0xce: {  	_ =	swait.ge [sflag:s3], $0x1400  }
0xcf: {  	s1 =	sadd.s32 $0xFFFFFFFF, s1;
	s0 =	rddreg [dreg:$0x3];
	[sflag:s3] =	ssyncset.done $0x0  }
.LBB2_3:
0xd0: {  	[sflag:s3] =	ssyncadd.s32 @p0 $0xFFFFEC00  }
0xd1: {  	[tilespmem:s2], [sflag:$0x3] =	stream.linear.gather [hbm4b:s0+s2], $0x320, $0x38;
	[tilespmem:$0xCB20] =	vst v63  }
0xd2: {  	_ =	swait.ge [sflag:s22], $0x320  }
0xd3: {  	[sflag:s22] =	ssyncset.done $0x0  }
0xd4: {  	[sflag:s22] =	ssyncadd.s32 $0xFFFFFCE0  }
0xd5: {  	[tilespmem:s20], [sflag:$0x1] =	stream.indirect.gather [hbm4b:s8+s21], $0x40, s2, s21, $0xb8;
	[tilespmem:$0xCB20] =	vst v63  }
0xd6: {  	_ = 	snop  }
0xd7: {  	[tilespmem:s19], [sflag:$0x1] =	stream.indirect.gather [hbm4b:s8+s21], $0x40, s21, s21, $0xb8;
	[tilespmem:$0xCB20] =	vst v63  }
0xd8: {  	_ = 	snop  }
0xd9: {  	[tilespmem:s18], [sflag:$0x1] =	stream.indirect.gather [hbm4b:s8+s21], $0x40, s23, s21, $0xb8;
	[tilespmem:$0xCB20] =	vst v63  }
0xda: {  	_ = 	snop  }
0xdb: {  	[tilespmem:s17], [sflag:$0x1] =	stream.indirect.gather [hbm4b:s8+s21], $0x40, s24, s21, $0xb8;
	[tilespmem:$0xCB20] =	vst v63  }
0xdc: {  	_ = 	snop  }
0xdd: {  	[tilespmem:s16], [sflag:$0x1] =	stream.indirect.gather [hbm4b:s8+s21], $0x40, s25, s21, $0xb8;
	[tilespmem:$0xCB20] =	vst v63  }
0xde: {  	_ = 	snop  }
0xdf: {  	[tilespmem:s15], [sflag:$0x1] =	stream.indirect.gather [hbm4b:s8+s21], $0x40, s26, s21, $0xb8;
	[tilespmem:$0xCB20] =	vst v63  }
0xe0: {  	_ = 	snop  }
0xe1: {  	[tilespmem:s14], [sflag:$0x1] =	stream.indirect.gather [hbm4b:s8+s21], $0x40, s28, s21, $0xb8;
	[tilespmem:$0xCB20] =	vst v63  }
0xe2: {  	_ = 	snop  }
0xe3: {  	[tilespmem:s11], [sflag:$0x1] =	stream.indirect.gather [hbm4b:s8+s21], $0x40, s29, s21, $0xb8;
	[tilespmem:$0xCB20] =	vst v63  }
0xe4: {  	_ = 	snop  }
0xe5: {  	[tilespmem:s12], [sflag:$0x1] =	stream.indirect.gather [hbm4b:s8+s21], $0x40, s30, s21, $0xb8;
	[tilespmem:$0xCB20] =	vst v63  }
0xe6: {  	_ = 	snop  }
0xe7: {  	[tilespmem:s10], [sflag:$0x1] =	stream.indirect.gather [hbm4b:s8+s21], $0x40, s31, s21, $0xb8;
	[tilespmem:$0xCB20] =	vst v63  }
0xe8: {  	_ =	swait.ge [sflag:s13], $0x1400  }
0xe9: {  	[sflag:s13] =	ssyncset.done $0x0  }
0xea: {  	s25 =	rddreg [dreg:$0x4];
	[sflag:s13] =	ssyncadd.s32 $0xFFFFEC00  }
0xeb: {  	[hbm4b:s25+s2] =	stream.linear.scatter [tilespmem:s20], [sflag:$0x2], $0x1400, $0x38;
	[tilespmem:$0xCB20] =	vst v63  }
0xec: {  	_ =	swait.ge [sflag:s13], $0x1400  }
0xed: {  	[sflag:s13] =	ssyncset.done $0x0  }
0xee: {  	s26 =	rddreg [dreg:$0x5];
	[sflag:s13] =	ssyncadd.s32 $0xFFFFEC00  }
0xef: {  	[hbm4b:s26+s2] =	stream.linear.scatter [tilespmem:s19], [sflag:$0x2], $0x1400, $0x38;
	[tilespmem:$0xCB20] =	vst v63  }
0xf0: {  	_ =	swait.ge [sflag:s13], $0x1400  }
0xf1: {  	[sflag:s13] =	ssyncset.done $0x0  }
0xf2: {  	s28 =	rddreg [dreg:$0x6];
	[sflag:s13] =	ssyncadd.s32 $0xFFFFEC00  }
0xf3: {  	[hbm4b:s28+s2] =	stream.linear.scatter [tilespmem:s18], [sflag:$0x2], $0x1400, $0x38;
	[tilespmem:$0xCB20] =	vst v63  }
0xf4: {  	_ =	swait.ge [sflag:s13], $0x1400  }
0xf5: {  	[sflag:s13] =	ssyncset.done $0x0  }
0xf6: {  	s29 =	rddreg [dreg:$0x7];
	[sflag:s13] =	ssyncadd.s32 $0xFFFFEC00  }
0xf7: {  	[hbm4b:s29+s2] =	stream.linear.scatter [tilespmem:s17], [sflag:$0x2], $0x1400, $0x38;
	[tilespmem:$0xCB20] =	vst v63  }
0xf8: {  	_ =	swait.ge [sflag:s13], $0x1400  }
0xf9: {  	[sflag:s13] =	ssyncset.done $0x0  }
0xfa: {  	s30 =	rddreg [dreg:$0x8];
	[sflag:s13] =	ssyncadd.s32 $0xFFFFEC00  }
0xfb: {  	[hbm4b:s30+s2] =	stream.linear.scatter [tilespmem:s16], [sflag:$0x2], $0x1400, $0x38;
	[tilespmem:$0xCB20] =	vst v63  }
0xfc: {  	_ =	swait.ge [sflag:s13], $0x1400  }
0xfd: {  	[sflag:s13] =	ssyncset.done $0x0  }
0xfe: {  	[sflag:s13] =	ssyncadd.s32 $0xFFFFEC00  }
0xff: {  	[hbm4b:s9+s2] =	stream.linear.scatter [tilespmem:s15], [sflag:$0x2], $0x1400, $0x38;
	[tilespmem:$0xCB20] =	vst v63  }
0x100: {  	_ =	swait.ge [sflag:s13], $0x1400  }
0x101: {  	[sflag:s13] =	ssyncset.done $0x0  }
0x102: {  	[sflag:s13] =	ssyncadd.s32 $0xFFFFEC00  }
0x103: {  	[hbm4b:s7+s2] =	stream.linear.scatter [tilespmem:s14], [sflag:$0x2], $0x1400, $0x38;
	[tilespmem:$0xCB20] =	vst v63  }
0x104: {  	_ =	swait.ge [sflag:s13], $0x1400  }
0x105: {  	[sflag:s13] =	ssyncset.done $0x0  }
0x106: {  	[sflag:s13] =	ssyncadd.s32 $0xFFFFEC00  }
0x107: {  	[hbm4b:s6+s2] =	stream.linear.scatter [tilespmem:s11], [sflag:$0x2], $0x1400, $0x38;
	[tilespmem:$0xCB20] =	vst v63  }
0x108: {  	_ =	swait.ge [sflag:s13], $0x1400  }
0x109: {  	[sflag:s13] =	ssyncset.done $0x0  }
0x10a: {  	[sflag:s13] =	ssyncadd.s32 $0xFFFFEC00  }
0x10b: {  	[hbm4b:s5+s2] =	stream.linear.scatter [tilespmem:s12], [sflag:$0x2], $0x1400, $0x38;
	[tilespmem:$0xCB20] =	vst v63  }
0x10c: {  	_ =	swait.ge [sflag:s13], $0x1400  }
0x10d: {  	[sflag:s13] =	ssyncset.done $0x0  }
0x10e: {  	[sflag:s13] =	ssyncadd.s32 $0xFFFFEC00  }
0x10f: {  	[hbm4b:s4+s2] =	stream.linear.scatter [tilespmem:s10], [sflag:$0x2], $0x1400, $0x38;
	[tilespmem:$0xCB20] =	vst v63  }
0x110: {  	_ =	swait.ge [sflag:s3], $0x1400  }
0x111: {  	[sflag:s3] =	ssyncset.done $0x0  }
0x112: {  	[sflag:s3] =	ssyncadd.s32 $0xFFFFEC00  }
0x113: {  	_ =	swait.ge [sflag:s3], $0x1400  }
0x114: {  	[sflag:s3] =	ssyncset.done $0x0  }
0x115: {  	[sflag:s3] =	ssyncadd.s32 $0xFFFFEC00  }
0x116: {  	_ =	swait.ge [sflag:s3], $0x1400  }
0x117: {  	[sflag:s3] =	ssyncset.done $0x0  }
0x118: {  	[sflag:s3] =	ssyncadd.s32 $0xFFFFEC00  }
0x119: {  	_ =	swait.ge [sflag:s3], $0x1400  }
0x11a: {  	[sflag:s3] =	ssyncset.done $0x0  }
0x11b: {  	[sflag:s3] =	ssyncadd.s32 $0xFFFFEC00  }
0x11c: {  	_ =	swait.ge [sflag:s3], $0x1400  }
0x11d: {  	[sflag:s3] =	ssyncset.done $0x0  }
0x11e: {  	[sflag:s3] =	ssyncadd.s32 $0xFFFFEC00  }
0x11f: {  	_ =	swait.ge [sflag:s3], $0x1400  }
0x120: {  	[sflag:s3] =	ssyncset.done $0x0  }
0x121: {  	[sflag:s3] =	ssyncadd.s32 $0xFFFFEC00  }
0x122: {  	_ =	swait.ge [sflag:s3], $0x1400  }
0x123: {  	[sflag:s3] =	ssyncset.done $0x0  }
0x124: {  	[sflag:s3] =	ssyncadd.s32 $0xFFFFEC00  }
0x125: {  	_ =	swait.ge [sflag:s3], $0x1400  }
0x126: {  	[sflag:s3] =	ssyncset.done $0x0  }
0x127: {  	[sflag:s3] =	ssyncadd.s32 $0xFFFFEC00  }
0x128: {  	_ =	swait.ge [sflag:s3], $0x1400  }
0x129: {  	[sflag:s3] =	ssyncset.done $0x0  }
0x12a: {  	[sflag:s3] =	ssyncadd.s32 $0xFFFFEC00  }
0x12b: {  	_ =	swait.ge [sflag:s3], $0x1400  }
0x12c: {  	[sflag:s3] =	ssyncset.done $0x0  }
0x12d: {  	[sflag:s3] =	ssyncadd.s32 $0xFFFFEC00  }
0x12e: {  	_ =	sfence.sel $0x180000  }
0x12f: {  	[bflag:$0x0] =	sbarrier.arrive $0xFFFF  }
0x130: {  	_ =	strace $0x9000004A  }
0x131: {  	s31 =	stileid.u32;
	[bflag:$0x2] =	sbarrier.arrive $0xFFFF  }
0x132: {  	p0 =	sne.s32 s31, $0x0;
	s0 =	rddreg [dreg:$0x2]  }
0x133: {  	s0 =	sadd.s32 @!p0 $0x100000, s0  }
0x134: {  	[sflag:s0] =	ssyncadd.tile.s32 @!p0 $0x1;
	_ =	shalt  }
.Lfunc_end2:
_tile_overlayer_lowered:
.L_overlay_start_2:
0x135: {  	(tag) =	ssettag $0x2  }
0x136: {  	s0 =	rddreg [dreg:$0x0];
	s2 =	stileid.u32  }
0x137: {  	s1 =	rddreg [dreg:$0x1];
	p0 =	sne.s32 s2, $0x0  }
0x138: {  	s3 =	rddreg [dreg:$0x2];
	[bflag:$0x3] =	sbarrier.arrive $0xFFFF;
	s2 =	simm.s32 @!p0 $0x1C03  }
0x139: {  	[timem:s3], [sflag:s2] =	dma.local @!p0 [hbm:s0], s1  }
0x13a: {  	s0 =	simm.s32 @!p0 $0x3  }
0x13b: {  	_ =	swait.ge @!p0 [sflag:s0], s1  }
0x13c: {  	s1 =	ssub.s32 @!p0 $0x0, s1;
	[sflag:s0] =	ssyncset.done @!p0 $0x0  }
0x13d: {  	[sflag:s0] =	ssyncadd.s32 @!p0 s1  }
0x13e: {  	[bflag:$0x3] =	sbarrier.arrive $0xFFFF  }
0x13f: {  	_ =	shalt  }

</sc_bundles>
